<compile_context>
chip_gen: v7x
topology: tpu7x:2x2x1
jax: 0.10.2.dev20260603
libtpu: 0.0.44.dev20260713+nightly
codegen_flags: <defaults>
</compile_context>

<pallas_src>
import jax
import jax.numpy as jnp
from jax import lax
from jax.experimental import pallas as pl
from jax.experimental.pallas import tpu as pltpu
from jax.experimental.pallas import tpu_sc as plsc

N_NODES = 50000
N_EDGES = 1600000
N_TYPES = 10

NC = 2
NS = 16
L = 16
NW = NC * NS

NPAD = 51200
SW = NPAD // NS
SUBW = 800
C = 2000

EPW = N_EDGES // NW
NCH = EPW // C

_mesh = plsc.VectorSubcoreMesh(core_axis_name="c", subcore_axis_name="s")
_params = pltpu.CompilerParams(needs_layout_passes=False)

_F32 = jnp.float32
_I32 = jnp.int32


def _rsqrt_newton(d):
    i = jnp.int32(0x5F3759DF) - (plsc.bitcast(d, _I32) >> 1)
    y = plsc.bitcast(i, _F32)
    half_d = d * 0.5
    for _ in range(3):
        y = y * (1.5 - half_d * y * y)
    return y


def _pack2bf16(a, b):
    ia = plsc.bitcast(a, _I32) + jnp.int32(0x8000)
    ib = plsc.bitcast(b, _I32) + jnp.int32(0x8000)
    return ((ia >> 16) & jnp.int32(0xFFFF)) | (ib & jnp.int32(-65536))


def _k1_body(ei_hbm, deg_hbm, idx0, idx1, hist, accb, tmp0, tmp1,
             slab, sem0, sem1):
    c = lax.axis_index("c")
    s = lax.axis_index("s")
    w = c * NS + s
    base = w * EPW
    zeros = jnp.zeros((L,), _F32)
    ones = jnp.ones((L,), _F32)

    @pl.loop(0, NPAD // L)
    def _zero(i):
        hist[pl.ds(i * L, L)] = zeros

    def fire(j, buf, sm):
        pltpu.async_copy(ei_hbm.at[pl.ds(N_EDGES + base + j * C, C)], buf, sm)

    def drain(j, buf, sm):
        pltpu.make_async_copy(
            ei_hbm.at[pl.ds(N_EDGES + base + j * C, C)], buf, sm).wait()

    def scatter(buf):
        @pl.loop(0, C // L)
        def _st(i):
            tv = buf[pl.ds(i * L, L)]
            plsc.addupdate_scatter(hist, [tv], ones)

    fire(0, idx0, sem0)

    @pl.loop(0, (NCH - 1) // 2)
    def _outer(k):
        j = 2 * k
        fire(j + 1, idx1, sem1)
        drain(j, idx0, sem0)
        scatter(idx0)
        fire(j + 2, idx0, sem0)
        drain(j + 1, idx1, sem1)
        scatter(idx1)

    drain(NCH - 1, idx0, sem0)
    scatter(idx0)

    pltpu.sync_copy(hist, slab.at[s])
    plsc.subcore_barrier()

    @pl.loop(0, SW // L)
    def _zacc(i):
        accb[pl.ds(i * L, L)] = zeros

    def rfire(k, buf, sm):
        pltpu.async_copy(slab.at[k, pl.ds(s * SW, SW)], buf, sm)

    def rdrain(k, buf, sm):
        pltpu.make_async_copy(slab.at[k, pl.ds(s * SW, SW)], buf, sm).wait()

    def radd(buf):
        @pl.loop(0, SW // L)
        def _a(i):
            accb[pl.ds(i * L, L)] = accb[pl.ds(i * L, L)] + buf[pl.ds(i * L, L)]

    rfire(0, tmp0, sem0)

    @pl.loop(0, NS // 2)
    def _red(k):
        j = 2 * k
        rfire(j + 1, tmp1, sem1)
        rdrain(j, tmp0, sem0)
        radd(tmp0)

        @pl.when(k < NS // 2 - 1)
        def _():
            rfire(j + 2, tmp0, sem0)

        rdrain(j + 1, tmp1, sem1)
        radd(tmp1)

    pltpu.sync_copy(accb, deg_hbm.at[pl.ds(c * NPAD + s * SW, SW)])


_k1 = pl.kernel(
    _k1_body,
    out_type=jax.ShapeDtypeStruct((NC * NPAD,), _F32),
    mesh=_mesh,
    scratch_types=[
        pltpu.VMEM((C,), _I32),
        pltpu.VMEM((C,), _I32),
        pltpu.VMEM((NPAD,), _F32),
        pltpu.VMEM((SW,), _F32),
        pltpu.VMEM((SW,), _F32),
        pltpu.VMEM((SW,), _F32),
        pltpu.VMEM_SHARED((NS, NPAD), _F32),
        pltpu.SemaphoreType.DMA,
        pltpu.SemaphoreType.DMA,
    ],
    compiler_params=_params,
)


def _k2_body(ei_hbm, deg_hbm, x_hbm, ty_hbm, rm_hbm, out_hbm,
             p0v, p1v, rmv, tabv, hb0, tb0, hb1, tb1, accv,
             d0b, d1b, xb0, xb1, tyb, pslab,
             semt, sem0, sem1):
    c = lax.axis_index("c")
    s = lax.axis_index("s")
    w = c * NS + s
    base = w * EPW

    @pl.loop(0, SW // SUBW)
    def _prep(r):
        o = s * SW + r * SUBW
        pltpu.async_copy(deg_hbm.at[pl.ds(o, SUBW)], d0b, semt)
        pltpu.async_copy(deg_hbm.at[pl.ds(NPAD + o, SUBW)], d1b, semt)
        pltpu.async_copy(x_hbm.at[pl.ds(o, SUBW)], xb0, semt)
        pltpu.async_copy(x_hbm.at[pl.ds(NPAD + o, SUBW)], xb1, semt)
        pltpu.async_copy(ty_hbm.at[pl.ds(o, SUBW)], tyb, semt)
        pltpu.make_async_copy(deg_hbm.at[pl.ds(o, SUBW)], d0b, semt).wait()
        pltpu.make_async_copy(deg_hbm.at[pl.ds(NPAD + o, SUBW)], d1b, semt).wait()
        pltpu.make_async_copy(x_hbm.at[pl.ds(o, SUBW)], xb0, semt).wait()
        pltpu.make_async_copy(x_hbm.at[pl.ds(NPAD + o, SUBW)], xb1, semt).wait()
        pltpu.make_async_copy(ty_hbm.at[pl.ds(o, SUBW)], tyb, semt).wait()

        @pl.loop(0, SUBW // L)
        def _p(i):
            sl = pl.ds(i * L, L)
            d = d0b[sl] + d1b[sl]
            y = _rsqrt_newton(d)
            invd = jnp.where(d > 0.5, y, 0.0)
            p0 = xb0[sl] * invd
            p1 = xb1[sl] * invd
            xb0[sl] = plsc.bitcast(
                (plsc.bitcast(p0, _I32) & jnp.int32(~15)) | tyb[sl], _F32)
            xb1[sl] = p1

        pltpu.sync_copy(xb0, pslab.at[pl.ds(o, SUBW)])
        pltpu.sync_copy(xb1, pslab.at[pl.ds(NPAD + o, SUBW)])

    pltpu.sync_copy(rm_hbm, rmv)
    for st in range(7):
        pidx = lax.iota(_I32, 16) + jnp.int32(st * L)
        pc = jnp.minimum(pidx, jnp.int32(N_TYPES * N_TYPES - 1))
        q = pc * 4
        m00 = plsc.load_gather(rmv, [q])
        m01 = plsc.load_gather(rmv, [q + 1])
        m10 = plsc.load_gather(rmv, [q + 2])
        m11 = plsc.load_gather(rmv, [q + 3])
        y = _rsqrt_newton(m00 * m00 + m01 * m01 + m10 * m10 + m11 * m11)
        w0 = _pack2bf16(m00 * y, m10 * y)
        w1 = _pack2bf16(m01 * y, m11 * y)
        plsc.store_scatter(tabv, [2 * pc], w0)
        plsc.store_scatter(tabv, [2 * pc + 1], w1)

    plsc.subcore_barrier()
    pltpu.async_copy(pslab.at[pl.ds(0, NPAD)], p0v, semt)
    pltpu.async_copy(pslab.at[pl.ds(NPAD, NPAD)], p1v, semt)

    def fire(j, hb, tb, sm):
        pltpu.async_copy(ei_hbm.at[pl.ds(base + j * C, C)], hb, sm)
        pltpu.async_copy(ei_hbm.at[pl.ds(N_EDGES + base + j * C, C)], tb, sm)

    def drain(j, hb, tb, sm):
        pltpu.make_async_copy(ei_hbm.at[pl.ds(base + j * C, C)], hb, sm).wait()
        pltpu.make_async_copy(
            ei_hbm.at[pl.ds(N_EDGES + base + j * C, C)], tb, sm).wait()

    fire(0, hb0, tb0, sem0)
    pltpu.make_async_copy(pslab.at[pl.ds(0, NPAD)], p0v, semt).wait()
    pltpu.make_async_copy(pslab.at[pl.ds(NPAD, NPAD)], p1v, semt).wait()

    mhi = jnp.int32(-65536)

    def compute(hb, tb, acc_in):
        @pl.loop(0, C // L, init_carry=acc_in, unroll=2)
        def _step(i, acc):
            sl = pl.ds(i * L, L)
            hv = hb[sl]
            tv = tb[sl]
            u0 = plsc.load_gather(p0v, [hv])
            u1 = plsc.load_gather(p1v, [hv])
            v0 = plsc.load_gather(p0v, [tv])
            v1 = plsc.load_gather(p1v, [tv])
            th = plsc.bitcast(u0, _I32) & 15
            tt = plsc.bitcast(v0, _I32) & 15
            pa = (th * N_TYPES + tt) * 2
            pb = (tt * N_TYPES + th) * 2
            wa0 = plsc.load_gather(tabv, [pa])
            wa1 = plsc.load_gather(tabv, [pa + 1])
            wb0 = plsc.load_gather(tabv, [pb])
            wb1 = plsc.load_gather(tabv, [pb + 1])
            a00 = plsc.bitcast(wa0 << 16, _F32)
            a10 = plsc.bitcast(wa0 & mhi, _F32)
            a01 = plsc.bitcast(wa1 << 16, _F32)
            a11 = plsc.bitcast(wa1 & mhi, _F32)
            b00 = plsc.bitcast(wb0 << 16, _F32)
            b10 = plsc.bitcast(wb0 & mhi, _F32)
            b01 = plsc.bitcast(wb1 << 16, _F32)
            b11 = plsc.bitcast(wb1 & mhi, _F32)
            w0 = a00 * u0 + a10 * u1 - (b00 * v0 + b10 * v1)
            w1 = a01 * u0 + a11 * u1 - (b01 * v0 + b11 * v1)
            return acc + w0 * w0 + w1 * w1
        return _step

    acc = jnp.zeros((L,), _F32)

    @pl.loop(0, (NCH - 1) // 2, init_carry=acc)
    def _outer(k, acc):
        j = 2 * k
        fire(j + 1, hb1, tb1, sem1)
        drain(j, hb0, tb0, sem0)
        acc = compute(hb0, tb0, acc)
        fire(j + 2, hb0, tb0, sem0)
        drain(j + 1, hb1, tb1, sem1)
        acc = compute(hb1, tb1, acc)
        return acc

    acc = _outer
    drain(NCH - 1, hb0, tb0, sem0)
    acc = compute(hb0, tb0, acc)
    accv[...] = acc
    pltpu.sync_copy(accv, out_hbm.at[w])


_k2 = pl.kernel(
    _k2_body,
    out_type=jax.ShapeDtypeStruct((NW, L), _F32),
    mesh=_mesh,
    scratch_types=[
        pltpu.VMEM((NPAD,), _F32),
        pltpu.VMEM((NPAD,), _F32),
        pltpu.VMEM((400,), _F32),
        pltpu.VMEM((256,), _I32),
        pltpu.VMEM((C,), _I32),
        pltpu.VMEM((C,), _I32),
        pltpu.VMEM((C,), _I32),
        pltpu.VMEM((C,), _I32),
        pltpu.VMEM((L,), _F32),
        pltpu.VMEM((SUBW,), _F32),
        pltpu.VMEM((SUBW,), _F32),
        pltpu.VMEM((SUBW,), _F32),
        pltpu.VMEM((SUBW,), _F32),
        pltpu.VMEM((SUBW,), _I32),
        pltpu.VMEM_SHARED((2 * NPAD,), _F32),
        pltpu.SemaphoreType.DMA,
        pltpu.SemaphoreType.DMA,
        pltpu.SemaphoreType.DMA,
    ],
    compiler_params=_params,
)


def kernel(entity_reps, restriction_maps, edge_index, entity_types):
    xpad = jnp.pad(entity_reps, ((0, 0), (0, NPAD - N_NODES))).reshape(-1)
    typad = jnp.pad(entity_types, (0, NPAD - N_NODES))
    rmflat = restriction_maps.reshape(-1)
    eiflat = edge_index.reshape(-1)
    deg = _k1(eiflat)
    parts = _k2(eiflat, deg, xpad, typad, rmflat)
    return jnp.sum(parts)

# --- scband reference (transcript-rebuilt; emitter-appended) ---
"""Pipeline reference for scband-knowledge-sheaf-24206435680769 (READ-ONLY COPY).

The authoritative reference and input builder live on the scoring server;
editing this copy changes nothing except your own understanding.
"""

import jax, jax.numpy as jnp
import numpy as np

N_NODES = 50000
N_EDGES = 1600000
STALK = 2
N_TYPES = 10


def setup_inputs(seed: int = 0) -> dict:
    key = jax.random.key(seed)
    k1, k2, k3, k4 = jax.random.split(key, 4)
    entity_reps = jax.random.normal(k1, (STALK, N_NODES), dtype=jnp.float32)
    restriction_maps = jax.random.normal(k2, (N_TYPES, N_TYPES, STALK, STALK), dtype=jnp.float32)
    edge_index = jax.random.randint(k3, (2, N_EDGES), 0, N_NODES, dtype=jnp.int32)
    entity_types = jax.random.randint(k4, (N_NODES,), 0, N_TYPES, dtype=jnp.int32)
    return {
        "entity_reps": entity_reps,
        "restriction_maps": restriction_maps,
        "edge_index": edge_index,
        "entity_types": entity_types,
    }


def _inv_node_degs(edge_index, n_nodes):
    # torch code builds dense adjacency adj[src,dst] += 1 then reduces over dim 0,
    # i.e. in-degree at dst. deg^-0.5 with inf -> 0.
    ones = jnp.ones((edge_index.shape[1],), dtype=jnp.float32)
    deg = jax.ops.segment_sum(ones, edge_index[1], num_segments=n_nodes)
    return jnp.where(deg > 0, deg ** -0.5, 0.0)


def reference(entity_reps, restriction_maps, edge_index, entity_types):
    n_nodes = entity_reps.shape[1]
    inv_node_degs = _inv_node_degs(edge_index, n_nodes)
    # normalized_entity_reps = entity_reps @ diag(inv_node_degs)  (column scaling)
    normalized_entity_reps = entity_reps * inv_node_degs[None, :]
    # per-map Frobenius norms, normalize maps
    norms = jnp.sqrt(jnp.sum(restriction_maps ** 2, axis=(-2, -1))).reshape(-1, 1, 1)
    maps = restriction_maps.reshape(-1, STALK, STALK)
    normalized_maps = (maps / norms).reshape(N_TYPES, N_TYPES, STALK, STALK)
    # labeled edge index: entity types of head and tail nodes
    types_h = entity_types[edge_index[0]]
    types_t = entity_types[edge_index[1]]
    head_maps = normalized_maps[types_h, types_t].reshape(-1, STALK, STALK)
    tail_maps = normalized_maps[types_t, types_h].reshape(-1, STALK, STALK)
    normalized_head_entities = normalized_entity_reps[:, edge_index[0]]
    normalized_tail_entities = normalized_entity_reps[:, edge_index[1]]
    head_embeddings = jnp.einsum('nbh,bn->hn', head_maps, normalized_head_entities)
    tail_embeddings = jnp.einsum('nbh,bn->hn', tail_maps, normalized_tail_entities)
    diff = head_embeddings - tail_embeddings
    # sum(norm(diff, dim=0)**2) == sum of squared entries
    return jnp.sum(jnp.sum(diff ** 2, axis=0))

if __name__ == "__main__":
    import jax
    _d = setup_inputs()
    print(jax.jit(kernel)(*tuple(_d.values())))

</pallas_src>

<mosaic_0001>
#map = affine_map<(d0, d1) -> (0)>
module attributes {stable_mosaic.version = 14 : i64} {
  func.func @_k1_body(%arg0: i32, %arg1: i32, %arg2: memref<3200000xi32, #tpu.memory_space<hbm>>, %arg3: memref<102400xf32, #tpu.memory_space<hbm>>, %arg4: memref<2000xi32, #tpu.memory_space<vmem>>, %arg5: memref<2000xi32, #tpu.memory_space<vmem>>, %arg6: memref<51200xf32, #tpu.memory_space<vmem>>, %arg7: memref<3200xf32, #tpu.memory_space<vmem>>, %arg8: memref<3200xf32, #tpu.memory_space<vmem>>, %arg9: memref<3200xf32, #tpu.memory_space<vmem>>, %arg10: memref<16x51200xf32, #tpu.memory_space<vmem_shared>>, %arg11: memref<!tpu.dma_semaphore, #tpu.memory_space<semaphore_mem>>, %arg12: memref<!tpu.dma_semaphore, #tpu.memory_space<semaphore_mem>>) attributes {dimension_semantics = [#tpu.dimension_semantics<core_parallel>, #tpu.dimension_semantics<subcore_parallel>], iteration_bounds = array<i64: 2, 16>, scalar_prefetch = 0 : i64, scratch_operands = 9 : i64, tpu.core_type = #tpu.core_type<sc_vector_subcore>, window_params = [{transform_indices = #map}, {transform_indices = #map}]} {
    %mul3A = arith.constant 16 : i32
    %mul3A_0 = arith.muli %arg0, %mul3A : i32
    %add3A = arith.addi %mul3A_0, %arg1 : i32
    %mul3A_1 = arith.constant 50000 : i32
    %mul3A_2 = arith.muli %add3A, %mul3A_1 : i32
    %broadcast_in_dim3A = arith.constant 0.000000e+00 : f32
    %broadcast_in_dim3A_3 = vector.broadcast %broadcast_in_dim3A : f32 to vector<16xf32>
    %broadcast_in_dim3A_4 = arith.constant 1.000000e+00 : f32
    %broadcast_in_dim3A_5 = vector.broadcast %broadcast_in_dim3A_4 : f32 to vector<16xf32>
    %scan3A = arith.constant 0 : i32
    %scan3A_6 = arith.constant 3200 : i32
    %scan3A_7 = arith.addi %scan3A, %scan3A_6 : i32
    %scan3A_8 = arith.constant 1 : i32
    scf.for %scan3A_52 = %scan3A to %scan3A_7 step %scan3A_8  : i32 {
      %mul3A_53 = arith.constant 1 : i32
      %mul3A_54 = arith.muli %scan3A_52, %mul3A_53 : i32
      %add3A_55 = arith.constant 0 : i32
      %add3A_56 = arith.addi %add3A_55, %mul3A_54 : i32
      %mul3A_57 = arith.constant 16 : i32
      %mul3A_58 = arith.muli %add3A_56, %mul3A_57 : i32
      %swap3A = arith.index_cast %mul3A_58 : i32 to index
      %swap3A_59 = tpu.vector_load %arg6[%swap3A] {strides = array<i32>} : memref<51200xf32, #tpu.memory_space<vmem>>, vector<16xf32>,
      tpu.vector_store %arg6[%swap3A], %broadcast_in_dim3A_3 {strides = array<i32>} : memref<51200xf32, #tpu.memory_space<vmem>>, vector<16xf32>,
    }
    %scan3A_9 = arith.constant 3200 : i32
    %add3A_10 = arith.constant 1600000 : i32
    %add3A_11 = arith.addi %add3A_10, %mul3A_2 : i32
    %add3A_12 = arith.constant 0 : i32
    %add3A_13 = arith.addi %add3A_11, %add3A_12 : i32
    %dma_start3A = tpu.memref_slice %arg2[%add3A_13] : memref<3200000xi32, #tpu.memory_space<hbm>> -> memref<2000xi32, #tpu.memory_space<hbm>>
    %dma_start3A_14 = tpu.memref_slice %arg2[%add3A_13] : memref<3200000xi32, #tpu.memory_space<hbm>> -> memref<2000xi32, #tpu.memory_space<hbm>>
    tpu.enqueue_dma source(%dma_start3A_14 : memref<2000xi32, #tpu.memory_space<hbm>>) target(%arg4 : memref<2000xi32, #tpu.memory_space<vmem>>) target_semaphore(%arg11 : memref<!tpu.dma_semaphore, #tpu.memory_space<semaphore_mem>>)
    %scan3A_15 = arith.constant 0 : i32
    %scan3A_16 = arith.constant 12 : i32
    %scan3A_17 = arith.addi %scan3A_15, %scan3A_16 : i32
    %scan3A_18 = arith.constant 1 : i32
    scf.for %scan3A_52 = %scan3A_15 to %scan3A_17 step %scan3A_18  : i32 {
      %mul3A_53 = arith.constant 1 : i32
      %mul3A_54 = arith.muli %scan3A_52, %mul3A_53 : i32
      %add3A_55 = arith.constant 0 : i32
      %add3A_56 = arith.addi %add3A_55, %mul3A_54 : i32
      %mul3A_57 = arith.constant 2 : i32
      %mul3A_58 = arith.muli %mul3A_57, %add3A_56 : i32
      %add3A_59 = arith.constant 1 : i32
      %add3A_60 = arith.addi %mul3A_58, %add3A_59 : i32
      %add3A_61 = arith.constant 1600000 : i32
      %add3A_62 = arith.addi %add3A_61, %mul3A_2 : i32
      %mul3A_63 = arith.constant 2000 : i32
      %mul3A_64 = arith.muli %add3A_60, %mul3A_63 : i32
      %add3A_65 = arith.addi %add3A_62, %mul3A_64 : i32
      %dma_start3A_66 = tpu.memref_slice %arg2[%add3A_65] : memref<3200000xi32, #tpu.memory_space<hbm>> -> memref<2000xi32, #tpu.memory_space<hbm>>
      %dma_start3A_67 = tpu.memref_slice %arg2[%add3A_65] : memref<3200000xi32, #tpu.memory_space<hbm>> -> memref<2000xi32, #tpu.memory_space<hbm>>
      tpu.enqueue_dma source(%dma_start3A_67 : memref<2000xi32, #tpu.memory_space<hbm>>) target(%arg5 : memref<2000xi32, #tpu.memory_space<vmem>>) target_semaphore(%arg12 : memref<!tpu.dma_semaphore, #tpu.memory_space<semaphore_mem>>)
      %add3A_68 = arith.constant 1600000 : i32
      %add3A_69 = arith.addi %add3A_68, %mul3A_2 : i32
      %mul3A_70 = arith.constant 2000 : i32
      %mul3A_71 = arith.muli %mul3A_58, %mul3A_70 : i32
      %add3A_72 = arith.addi %add3A_69, %mul3A_71 : i32
      %dma_wait3A_73 = tpu.memref_slice %arg2[%add3A_72] : memref<3200000xi32, #tpu.memory_space<hbm>> -> memref<2000xi32, #tpu.memory_space<hbm>>
      %dma_wait3A_74 = tpu.memref_slice %arg2[%add3A_72] : memref<3200000xi32, #tpu.memory_space<hbm>> -> memref<2000xi32, #tpu.memory_space<hbm>>
      tpu.wait_dma2 semaphore(%arg11 : memref<!tpu.dma_semaphore, #tpu.memory_space<semaphore_mem>>) src(%dma_wait3A_74 : memref<2000xi32, #tpu.memory_space<hbm>>) dst(%arg4 : memref<2000xi32, #tpu.memory_space<vmem>>)
      %scan3A_75 = arith.constant 0 : i32
      %scan3A_76 = arith.constant 125 : i32
      %scan3A_77 = arith.addi %scan3A_75, %scan3A_76 : i32
      %scan3A_78 = arith.constant 1 : i32
      scf.for %scan3A_103 = %scan3A_75 to %scan3A_77 step %scan3A_78  : i32 {
        %mul3A_104 = arith.constant 1 : i32
        %mul3A_105 = arith.muli %scan3A_103, %mul3A_104 : i32
        %add3A_106 = arith.constant 0 : i32
        %add3A_107 = arith.addi %add3A_106, %mul3A_105 : i32
        %mul3A_108 = arith.constant 16 : i32
        %mul3A_109 = arith.muli %add3A_107, %mul3A_108 : i32
        %get3A = arith.index_cast %mul3A_109 : i32 to index
        %get3A_110 = tpu.vector_load %arg4[%get3A] {strides = array<i32>} : memref<2000xi32, #tpu.memory_space<vmem>>, vector<16xi32>,
        tpu.vector_store_idx %arg6[%get3A_110], %broadcast_in_dim3A_5 {add = true} : memref<51200xf32, #tpu.memory_space<vmem>>[vector<16xi32>], vector<16xf32>,
      }
      %scan3A_79 = arith.constant 125 : i32
      %add3A_80 = arith.constant 2 : i32
      %add3A_81 = arith.addi %mul3A_58, %add3A_80 : i32
      %add3A_82 = arith.constant 1600000 : i32
      %add3A_83 = arith.addi %add3A_82, %mul3A_2 : i32
      %mul3A_84 = arith.constant 2000 : i32
      %mul3A_85 = arith.muli %add3A_81, %mul3A_84 : i32
      %add3A_86 = arith.addi %add3A_83, %mul3A_85 : i32
      %dma_start3A_87 = tpu.memref_slice %arg2[%add3A_86] : memref<3200000xi32, #tpu.memory_space<hbm>> -> memref<2000xi32, #tpu.memory_space<hbm>>
      %dma_start3A_88 = tpu.memref_slice %arg2[%add3A_86] : memref<3200000xi32, #tpu.memory_space<hbm>> -> memref<2000xi32, #tpu.memory_space<hbm>>
      tpu.enqueue_dma source(%dma_start3A_88 : memref<2000xi32, #tpu.memory_space<hbm>>) target(%arg4 : memref<2000xi32, #tpu.memory_space<vmem>>) target_semaphore(%arg11 : memref<!tpu.dma_semaphore, #tpu.memory_space<semaphore_mem>>)
      %add3A_89 = arith.constant 1 : i32
      %add3A_90 = arith.addi %mul3A_58, %add3A_89 : i32
      %add3A_91 = arith.constant 1600000 : i32
      %add3A_92 = arith.addi %add3A_91, %mul3A_2 : i32
      %mul3A_93 = arith.constant 2000 : i32
      %mul3A_94 = arith.muli %add3A_90, %mul3A_93 : i32
      %add3A_95 = arith.addi %add3A_92, %mul3A_94 : i32
      %dma_wait3A_96 = tpu.memref_slice %arg2[%add3A_95] : memref<3200000xi32, #tpu.memory_space<hbm>> -> memref<2000xi32, #tpu.memory_space<hbm>>
      %dma_wait3A_97 = tpu.memref_slice %arg2[%add3A_95] : memref<3200000xi32, #tpu.memory_space<hbm>> -> memref<2000xi32, #tpu.memory_space<hbm>>
      tpu.wait_dma2 semaphore(%arg12 : memref<!tpu.dma_semaphore, #tpu.memory_space<semaphore_mem>>) src(%dma_wait3A_97 : memref<2000xi32, #tpu.memory_space<hbm>>) dst(%arg5 : memref<2000xi32, #tpu.memory_space<vmem>>)
      %scan3A_98 = arith.constant 0 : i32
      %scan3A_99 = arith.constant 125 : i32
      %scan3A_100 = arith.addi %scan3A_98, %scan3A_99 : i32
      %scan3A_101 = arith.constant 1 : i32
      scf.for %scan3A_103 = %scan3A_98 to %scan3A_100 step %scan3A_101  : i32 {
        %mul3A_104 = arith.constant 1 : i32
        %mul3A_105 = arith.muli %scan3A_103, %mul3A_104 : i32
        %add3A_106 = arith.constant 0 : i32
        %add3A_107 = arith.addi %add3A_106, %mul3A_105 : i32
        %mul3A_108 = arith.constant 16 : i32
        %mul3A_109 = arith.muli %add3A_107, %mul3A_108 : i32
        %get3A = arith.index_cast %mul3A_109 : i32 to index
        %get3A_110 = tpu.vector_load %arg5[%get3A] {strides = array<i32>} : memref<2000xi32, #tpu.memory_space<vmem>>, vector<16xi32>,
        tpu.vector_store_idx %arg6[%get3A_110], %broadcast_in_dim3A_5 {add = true} : memref<51200xf32, #tpu.memory_space<vmem>>[vector<16xi32>], vector<16xf32>,
      }
      %scan3A_102 = arith.constant 125 : i32
    }
    %scan3A_19 = arith.constant 12 : i32
    %add3A_20 = arith.constant 1600000 : i32
    %add3A_21 = arith.addi %add3A_20, %mul3A_2 : i32
    %add3A_22 = arith.constant 48000 : i32
    %add3A_23 = arith.addi %add3A_21, %add3A_22 : i32
    %dma_wait3A = tpu.memref_slice %arg2[%add3A_23] : memref<3200000xi32, #tpu.memory_space<hbm>> -> memref<2000xi32, #tpu.memory_space<hbm>>
    %dma_wait3A_24 = tpu.memref_slice %arg2[%add3A_23] : memref<3200000xi32, #tpu.memory_space<hbm>> -> memref<2000xi32, #tpu.memory_space<hbm>>
    tpu.wait_dma2 semaphore(%arg11 : memref<!tpu.dma_semaphore, #tpu.memory_space<semaphore_mem>>) src(%dma_wait3A_24 : memref<2000xi32, #tpu.memory_space<hbm>>) dst(%arg4 : memref<2000xi32, #tpu.memory_space<vmem>>)
    %scan3A_25 = arith.constant 0 : i32
    %scan3A_26 = arith.constant 125 : i32
    %scan3A_27 = arith.addi %scan3A_25, %scan3A_26 : i32
    %scan3A_28 = arith.constant 1 : i32
    scf.for %scan3A_52 = %scan3A_25 to %scan3A_27 step %scan3A_28  : i32 {
      %mul3A_53 = arith.constant 1 : i32
      %mul3A_54 = arith.muli %scan3A_52, %mul3A_53 : i32
      %add3A_55 = arith.constant 0 : i32
      %add3A_56 = arith.addi %add3A_55, %mul3A_54 : i32
      %mul3A_57 = arith.constant 16 : i32
      %mul3A_58 = arith.muli %add3A_56, %mul3A_57 : i32
      %get3A = arith.index_cast %mul3A_58 : i32 to index
      %get3A_59 = tpu.vector_load %arg4[%get3A] {strides = array<i32>} : memref<2000xi32, #tpu.memory_space<vmem>>, vector<16xi32>,
      tpu.vector_store_idx %arg6[%get3A_59], %broadcast_in_dim3A_5 {add = true} : memref<51200xf32, #tpu.memory_space<vmem>>[vector<16xi32>], vector<16xf32>,
    }
    %scan3A_29 = arith.constant 125 : i32
    "tpu.region"() ({
      %run_scoped3A = tpu.sem_alloc : memref<!tpu.dma_semaphore, #tpu.memory_space<semaphore_mem>>
      %dma_start3A_52 = arith.constant 0 : i32
      %dma_start3A_53 = tpu.memref_slice %arg10[%arg1, %dma_start3A_52] : memref<16x51200xf32, #tpu.memory_space<vmem_shared>> -> memref<1x51200xf32, #tpu.memory_space<vmem_shared>>
      %dma_start3A_54 = tpu.memref_squeeze %dma_start3A_53 : memref<1x51200xf32, #tpu.memory_space<vmem_shared>> -> memref<51200xf32, #tpu.memory_space<vmem_shared>>
      %dma_start3A_55 = arith.constant 0 : i32
      %dma_start3A_56 = tpu.memref_slice %arg10[%arg1, %dma_start3A_55] : memref<16x51200xf32, #tpu.memory_space<vmem_shared>> -> memref<1x51200xf32, #tpu.memory_space<vmem_shared>>
      %dma_start3A_57 = tpu.memref_squeeze %dma_start3A_56 : memref<1x51200xf32, #tpu.memory_space<vmem_shared>> -> memref<51200xf32, #tpu.memory_space<vmem_shared>>
      tpu.enqueue_dma source(%arg6 : memref<51200xf32, #tpu.memory_space<vmem>>) target(%dma_start3A_57 : memref<51200xf32, #tpu.memory_space<vmem_shared>>) target_semaphore(%run_scoped3A : memref<!tpu.dma_semaphore, #tpu.memory_space<semaphore_mem>>)
      %dma_wait3A_58 = arith.constant 0 : i32
      %dma_wait3A_59 = tpu.memref_slice %arg10[%arg1, %dma_wait3A_58] : memref<16x51200xf32, #tpu.memory_space<vmem_shared>> -> memref<1x51200xf32, #tpu.memory_space<vmem_shared>>
      %dma_wait3A_60 = tpu.memref_squeeze %dma_wait3A_59 : memref<1x51200xf32, #tpu.memory_space<vmem_shared>> -> memref<51200xf32, #tpu.memory_space<vmem_shared>>
      %dma_wait3A_61 = arith.constant 0 : i32
      %dma_wait3A_62 = tpu.memref_slice %arg10[%arg1, %dma_wait3A_61] : memref<16x51200xf32, #tpu.memory_space<vmem_shared>> -> memref<1x51200xf32, #tpu.memory_space<vmem_shared>>
      %dma_wait3A_63 = tpu.memref_squeeze %dma_wait3A_62 : memref<1x51200xf32, #tpu.memory_space<vmem_shared>> -> memref<51200xf32, #tpu.memory_space<vmem_shared>>
      tpu.wait_dma2 semaphore(%run_scoped3A : memref<!tpu.dma_semaphore, #tpu.memory_space<semaphore_mem>>) src(%arg6 : memref<51200xf32, #tpu.memory_space<vmem>>) dst(%dma_wait3A_63 : memref<51200xf32, #tpu.memory_space<vmem_shared>>)
      tpu.yield
    }) : () -> ()
    %barrier3A = arith.constant 0 : index
    tpu.barrier barrier_id(%barrier3A)
    %scan3A_30 = arith.constant 0 : i32
    %scan3A_31 = arith.constant 200 : i32
    %scan3A_32 = arith.addi %scan3A_30, %scan3A_31 : i32
    %scan3A_33 = arith.constant 1 : i32
    scf.for %scan3A_52 = %scan3A_30 to %scan3A_32 step %scan3A_33  : i32 {
      %mul3A_53 = arith.constant 1 : i32
      %mul3A_54 = arith.muli %scan3A_52, %mul3A_53 : i32
      %add3A_55 = arith.constant 0 : i32
      %add3A_56 = arith.addi %add3A_55, %mul3A_54 : i32
      %mul3A_57 = arith.constant 16 : i32
      %mul3A_58 = arith.muli %add3A_56, %mul3A_57 : i32
      %swap3A = arith.index_cast %mul3A_58 : i32 to index
      %swap3A_59 = tpu.vector_load %arg7[%swap3A] {strides = array<i32>} : memref<3200xf32, #tpu.memory_space<vmem>>, vector<16xf32>,
      tpu.vector_store %arg7[%swap3A], %broadcast_in_dim3A_3 {strides = array<i32>} : memref<3200xf32, #tpu.memory_space<vmem>>, vector<16xf32>,
    }
    %scan3A_34 = arith.constant 200 : i32
    %mul3A_35 = arith.constant 3200 : i32
    %mul3A_36 = arith.muli %arg1, %mul3A_35 : i32
    %dma_start3A_37 = arith.constant 0 : i32
    %dma_start3A_38 = tpu.memref_slice %arg10[%dma_start3A_37, %mul3A_36] : memref<16x51200xf32, #tpu.memory_space<vmem_shared>> -> memref<1x3200xf32, #tpu.memory_space<vmem_shared>>
    %dma_start3A_39 = tpu.memref_squeeze %dma_start3A_38 : memref<1x3200xf32, #tpu.memory_space<vmem_shared>> -> memref<3200xf32, #tpu.memory_space<vmem_shared>>
    %dma_start3A_40 = tpu.memref_slice %arg10[%dma_start3A_37, %mul3A_36] : memref<16x51200xf32, #tpu.memory_space<vmem_shared>> -> memref<1x3200xf32, #tpu.memory_space<vmem_shared>>
    %dma_start3A_41 = tpu.memref_squeeze %dma_start3A_40 : memref<1x3200xf32, #tpu.memory_space<vmem_shared>> -> memref<3200xf32, #tpu.memory_space<vmem_shared>>
    tpu.enqueue_dma source(%dma_start3A_41 : memref<3200xf32, #tpu.memory_space<vmem_shared>>) target(%arg8 : memref<3200xf32, #tpu.memory_space<vmem>>) target_semaphore(%arg11 : memref<!tpu.dma_semaphore, #tpu.memory_space<semaphore_mem>>)
    %scan3A_42 = arith.constant 0 : i32
    %scan3A_43 = arith.constant 8 : i32
    %scan3A_44 = arith.addi %scan3A_42, %scan3A_43 : i32
    %scan3A_45 = arith.constant 1 : i32
    scf.for %scan3A_52 = %scan3A_42 to %scan3A_44 step %scan3A_45  : i32 {
      %mul3A_53 = arith.constant 1 : i32
      %mul3A_54 = arith.muli %scan3A_52, %mul3A_53 : i32
      %add3A_55 = arith.constant 0 : i32
      %add3A_56 = arith.addi %add3A_55, %mul3A_54 : i32
      %mul3A_57 = arith.constant 2 : i32
      %mul3A_58 = arith.muli %mul3A_57, %add3A_56 : i32
      %add3A_59 = arith.constant 1 : i32
      %add3A_60 = arith.addi %mul3A_58, %add3A_59 : i32
      %mul3A_61 = arith.constant 3200 : i32
      %mul3A_62 = arith.muli %arg1, %mul3A_61 : i32
      %dma_start3A_63 = tpu.memref_slice %arg10[%add3A_60, %mul3A_62] : memref<16x51200xf32, #tpu.memory_space<vmem_shared>> -> memref<1x3200xf32, #tpu.memory_space<vmem_shared>>
      %dma_start3A_64 = tpu.memref_squeeze %dma_start3A_63 : memref<1x3200xf32, #tpu.memory_space<vmem_shared>> -> memref<3200xf32, #tpu.memory_space<vmem_shared>>
      %dma_start3A_65 = tpu.memref_slice %arg10[%add3A_60, %mul3A_62] : memref<16x51200xf32, #tpu.memory_space<vmem_shared>> -> memref<1x3200xf32, #tpu.memory_space<vmem_shared>>
      %dma_start3A_66 = tpu.memref_squeeze %dma_start3A_65 : memref<1x3200xf32, #tpu.memory_space<vmem_shared>> -> memref<3200xf32, #tpu.memory_space<vmem_shared>>
      tpu.enqueue_dma source(%dma_start3A_66 : memref<3200xf32, #tpu.memory_space<vmem_shared>>) target(%arg9 : memref<3200xf32, #tpu.memory_space<vmem>>) target_semaphore(%arg12 : memref<!tpu.dma_semaphore, #tpu.memory_space<semaphore_mem>>)
      %mul3A_67 = arith.constant 3200 : i32
      %mul3A_68 = arith.muli %arg1, %mul3A_67 : i32
      %dma_wait3A_69 = tpu.memref_slice %arg10[%mul3A_58, %mul3A_68] : memref<16x51200xf32, #tpu.memory_space<vmem_shared>> -> memref<1x3200xf32, #tpu.memory_space<vmem_shared>>
      %dma_wait3A_70 = tpu.memref_squeeze %dma_wait3A_69 : memref<1x3200xf32, #tpu.memory_space<vmem_shared>> -> memref<3200xf32, #tpu.memory_space<vmem_shared>>
      %dma_wait3A_71 = tpu.memref_slice %arg10[%mul3A_58, %mul3A_68] : memref<16x51200xf32, #tpu.memory_space<vmem_shared>> -> memref<1x3200xf32, #tpu.memory_space<vmem_shared>>
      %dma_wait3A_72 = tpu.memref_squeeze %dma_wait3A_71 : memref<1x3200xf32, #tpu.memory_space<vmem_shared>> -> memref<3200xf32, #tpu.memory_space<vmem_shared>>
      tpu.wait_dma2 semaphore(%arg11 : memref<!tpu.dma_semaphore, #tpu.memory_space<semaphore_mem>>) src(%dma_wait3A_72 : memref<3200xf32, #tpu.memory_space<vmem_shared>>) dst(%arg8 : memref<3200xf32, #tpu.memory_space<vmem>>)
      %scan3A_73 = arith.constant 0 : i32
      %scan3A_74 = arith.constant 200 : i32
      %scan3A_75 = arith.addi %scan3A_73, %scan3A_74 : i32
      %scan3A_76 = arith.constant 1 : i32
      scf.for %scan3A_93 = %scan3A_73 to %scan3A_75 step %scan3A_76  : i32 {
        %mul3A_94 = arith.constant 1 : i32
        %mul3A_95 = arith.muli %scan3A_93, %mul3A_94 : i32
        %add3A_96 = arith.constant 0 : i32
        %add3A_97 = arith.addi %add3A_96, %mul3A_95 : i32
        %mul3A_98 = arith.constant 16 : i32
        %mul3A_99 = arith.muli %add3A_97, %mul3A_98 : i32
        %get3A = arith.index_cast %mul3A_99 : i32 to index
        %get3A_100 = tpu.vector_load %arg7[%get3A] {strides = array<i32>} : memref<3200xf32, #tpu.memory_space<vmem>>, vector<16xf32>,
        %mul3A_101 = arith.constant 16 : i32
        %mul3A_102 = arith.muli %add3A_97, %mul3A_101 : i32
        %get3A_103 = arith.index_cast %mul3A_102 : i32 to index
        %get3A_104 = tpu.vector_load %arg8[%get3A_103] {strides = array<i32>} : memref<3200xf32, #tpu.memory_space<vmem>>, vector<16xf32>,
        %add3A_105 = arith.addf %get3A_100, %get3A_104 : vector<16xf32>
        %mul3A_106 = arith.constant 16 : i32
        %mul3A_107 = arith.muli %add3A_97, %mul3A_106 : i32
        %swap3A = arith.index_cast %mul3A_107 : i32 to index
        %swap3A_108 = tpu.vector_load %arg7[%swap3A] {strides = array<i32>} : memref<3200xf32, #tpu.memory_space<vmem>>, vector<16xf32>,
        tpu.vector_store %arg7[%swap3A], %add3A_105 {strides = array<i32>} : memref<3200xf32, #tpu.memory_space<vmem>>, vector<16xf32>,
      }
      %scan3A_77 = arith.constant 200 : i32
      %lt3A = arith.constant 7 : i32
      %lt3A_78 = arith.cmpi slt, %add3A_56, %lt3A : i32
      %convert_element_type3A = arith.extui %lt3A_78 : i1 to i32
      %cond3A = arith.constant 0 : i32
      %cond3A_79 = arith.cmpi ne, %convert_element_type3A, %cond3A : i32
      scf.if %cond3A_79 {
        %add3A_93 = arith.constant 2 : i32
        %add3A_94 = arith.addi %mul3A_58, %add3A_93 : i32
        %mul3A_95 = arith.constant 3200 : i32
        %mul3A_96 = arith.muli %arg1, %mul3A_95 : i32
        %dma_start3A_97 = tpu.memref_slice %arg10[%add3A_94, %mul3A_96] : memref<16x51200xf32, #tpu.memory_space<vmem_shared>> -> memref<1x3200xf32, #tpu.memory_space<vmem_shared>>
        %dma_start3A_98 = tpu.memref_squeeze %dma_start3A_97 : memref<1x3200xf32, #tpu.memory_space<vmem_shared>> -> memref<3200xf32, #tpu.memory_space<vmem_shared>>
        %dma_start3A_99 = tpu.memref_slice %arg10[%add3A_94, %mul3A_96] : memref<16x51200xf32, #tpu.memory_space<vmem_shared>> -> memref<1x3200xf32, #tpu.memory_space<vmem_shared>>
        %dma_start3A_100 = tpu.memref_squeeze %dma_start3A_99 : memref<1x3200xf32, #tpu.memory_space<vmem_shared>> -> memref<3200xf32, #tpu.memory_space<vmem_shared>>
        tpu.enqueue_dma source(%dma_start3A_100 : memref<3200xf32, #tpu.memory_space<vmem_shared>>) target(%arg8 : memref<3200xf32, #tpu.memory_space<vmem>>) target_semaphore(%arg11 : memref<!tpu.dma_semaphore, #tpu.memory_space<semaphore_mem>>)
      } else {
      }
      %add3A_80 = arith.constant 1 : i32
      %add3A_81 = arith.addi %mul3A_58, %add3A_80 : i32
      %mul3A_82 = arith.constant 3200 : i32
      %mul3A_83 = arith.muli %arg1, %mul3A_82 : i32
      %dma_wait3A_84 = tpu.memref_slice %arg10[%add3A_81, %mul3A_83] : memref<16x51200xf32, #tpu.memory_space<vmem_shared>> -> memref<1x3200xf32, #tpu.memory_space<vmem_shared>>
      %dma_wait3A_85 = tpu.memref_squeeze %dma_wait3A_84 : memref<1x3200xf32, #tpu.memory_space<vmem_shared>> -> memref<3200xf32, #tpu.memory_space<vmem_shared>>
      %dma_wait3A_86 = tpu.memref_slice %arg10[%add3A_81, %mul3A_83] : memref<16x51200xf32, #tpu.memory_space<vmem_shared>> -> memref<1x3200xf32, #tpu.memory_space<vmem_shared>>
      %dma_wait3A_87 = tpu.memref_squeeze %dma_wait3A_86 : memref<1x3200xf32, #tpu.memory_space<vmem_shared>> -> memref<3200xf32, #tpu.memory_space<vmem_shared>>
      tpu.wait_dma2 semaphore(%arg12 : memref<!tpu.dma_semaphore, #tpu.memory_space<semaphore_mem>>) src(%dma_wait3A_87 : memref<3200xf32, #tpu.memory_space<vmem_shared>>) dst(%arg9 : memref<3200xf32, #tpu.memory_space<vmem>>)
      %scan3A_88 = arith.constant 0 : i32
      %scan3A_89 = arith.constant 200 : i32
      %scan3A_90 = arith.addi %scan3A_88, %scan3A_89 : i32
      %scan3A_91 = arith.constant 1 : i32
      scf.for %scan3A_93 = %scan3A_88 to %scan3A_90 step %scan3A_91  : i32 {
        %mul3A_94 = arith.constant 1 : i32
        %mul3A_95 = arith.muli %scan3A_93, %mul3A_94 : i32
        %add3A_96 = arith.constant 0 : i32
        %add3A_97 = arith.addi %add3A_96, %mul3A_95 : i32
        %mul3A_98 = arith.constant 16 : i32
        %mul3A_99 = arith.muli %add3A_97, %mul3A_98 : i32
        %get3A = arith.index_cast %mul3A_99 : i32 to index
        %get3A_100 = tpu.vector_load %arg7[%get3A] {strides = array<i32>} : memref<3200xf32, #tpu.memory_space<vmem>>, vector<16xf32>,
        %mul3A_101 = arith.constant 16 : i32
        %mul3A_102 = arith.muli %add3A_97, %mul3A_101 : i32
        %get3A_103 = arith.index_cast %mul3A_102 : i32 to index
        %get3A_104 = tpu.vector_load %arg9[%get3A_103] {strides = array<i32>} : memref<3200xf32, #tpu.memory_space<vmem>>, vector<16xf32>,
        %add3A_105 = arith.addf %get3A_100, %get3A_104 : vector<16xf32>
        %mul3A_106 = arith.constant 16 : i32
        %mul3A_107 = arith.muli %add3A_97, %mul3A_106 : i32
        %swap3A = arith.index_cast %mul3A_107 : i32 to index
        %swap3A_108 = tpu.vector_load %arg7[%swap3A] {strides = array<i32>} : memref<3200xf32, #tpu.memory_space<vmem>>, vector<16xf32>,
        tpu.vector_store %arg7[%swap3A], %add3A_105 {strides = array<i32>} : memref<3200xf32, #tpu.memory_space<vmem>>, vector<16xf32>,
      }
      %scan3A_92 = arith.constant 200 : i32
    }
    %scan3A_46 = arith.constant 8 : i32
    %mul3A_47 = arith.constant 51200 : i32
    %mul3A_48 = arith.muli %arg0, %mul3A_47 : i32
    %mul3A_49 = arith.constant 3200 : i32
    %mul3A_50 = arith.muli %arg1, %mul3A_49 : i32
    %add3A_51 = arith.addi %mul3A_48, %mul3A_50 : i32
    "tpu.region"() ({
      %run_scoped3A = tpu.sem_alloc : memref<!tpu.dma_semaphore, #tpu.memory_space<semaphore_mem>>
      %dma_start3A_52 = tpu.memref_slice %arg3[%add3A_51] : memref<102400xf32, #tpu.memory_space<hbm>> -> memref<3200xf32, #tpu.memory_space<hbm>>
      %dma_start3A_53 = tpu.memref_slice %arg3[%add3A_51] : memref<102400xf32, #tpu.memory_space<hbm>> -> memref<3200xf32, #tpu.memory_space<hbm>>
      tpu.enqueue_dma source(%arg7 : memref<3200xf32, #tpu.memory_space<vmem>>) target(%dma_start3A_53 : memref<3200xf32, #tpu.memory_space<hbm>>) target_semaphore(%run_scoped3A : memref<!tpu.dma_semaphore, #tpu.memory_space<semaphore_mem>>)
      %dma_wait3A_54 = tpu.memref_slice %arg3[%add3A_51] : memref<102400xf32, #tpu.memory_space<hbm>> -> memref<3200xf32, #tpu.memory_space<hbm>>
      %dma_wait3A_55 = tpu.memref_slice %arg3[%add3A_51] : memref<102400xf32, #tpu.memory_space<hbm>> -> memref<3200xf32, #tpu.memory_space<hbm>>
      tpu.wait_dma2 semaphore(%run_scoped3A : memref<!tpu.dma_semaphore, #tpu.memory_space<semaphore_mem>>) src(%arg7 : memref<3200xf32, #tpu.memory_space<vmem>>) dst(%dma_wait3A_55 : memref<3200xf32, #tpu.memory_space<hbm>>)
      tpu.yield
    }) : () -> ()
    return
  }
}

#map = affine_map<(d0, d1) -> (0)>
#map1 = affine_map<(d0, d1) -> (0, 0)>
module attributes {stable_mosaic.version = 14 : i64} {
  func.func @_k2_body(%arg0: i32, %arg1: i32, %arg2: memref<3200000xi32, #tpu.memory_space<hbm>>, %arg3: memref<102400xf32, #tpu.memory_space<hbm>>, %arg4: memref<102400xf32, #tpu.memory_space<hbm>>, %arg5: memref<51200xi32, #tpu.memory_space<hbm>>, %arg6: memref<400xf32, #tpu.memory_space<hbm>>, %arg7: memref<32x16xf32, #tpu.memory_space<hbm>>, %arg8: memref<51200xf32, #tpu.memory_space<vmem>>, %arg9: memref<51200xf32, #tpu.memory_space<vmem>>, %arg10: memref<400xf32, #tpu.memory_space<vmem>>, %arg11: memref<256xi32, #tpu.memory_space<vmem>>, %arg12: memref<2000xi32, #tpu.memory_space<vmem>>, %arg13: memref<2000xi32, #tpu.memory_space<vmem>>, %arg14: memref<2000xi32, #tpu.memory_space<vmem>>, %arg15: memref<2000xi32, #tpu.memory_space<vmem>>, %arg16: memref<16xf32, #tpu.memory_space<vmem>>, %arg17: memref<800xf32, #tpu.memory_space<vmem>>, %arg18: memref<800xf32, #tpu.memory_space<vmem>>, %arg19: memref<800xf32, #tpu.memory_space<vmem>>, %arg20: memref<800xf32, #tpu.memory_space<vmem>>, %arg21: memref<800xi32, #tpu.memory_space<vmem>>, %arg22: memref<102400xf32, #tpu.memory_space<vmem_shared>>, %arg23: memref<!tpu.dma_semaphore, #tpu.memory_space<semaphore_mem>>, %arg24: memref<!tpu.dma_semaphore, #tpu.memory_space<semaphore_mem>>, %arg25: memref<!tpu.dma_semaphore, #tpu.memory_space<semaphore_mem>>) attributes {dimension_semantics = [#tpu.dimension_semantics<core_parallel>, #tpu.dimension_semantics<subcore_parallel>], iteration_bounds = array<i64: 2, 16>, scalar_prefetch = 0 : i64, scratch_operands = 18 : i64, tpu.core_type = #tpu.core_type<sc_vector_subcore>, window_params = [{transform_indices = #map}, {transform_indices = #map}, {transform_indices = #map}, {transform_indices = #map}, {transform_indices = #map}, {transform_indices = #map1}]} {
    %mul3A = arith.constant 16 : i32
    %mul3A_0 = arith.muli %arg0, %mul3A : i32
    %add3A = arith.addi %mul3A_0, %arg1 : i32
    %mul3A_1 = arith.constant 50000 : i32
    %mul3A_2 = arith.muli %add3A, %mul3A_1 : i32
    %scan3A = arith.constant 0 : i32
    %scan3A_3 = arith.constant 4 : i32
    %scan3A_4 = arith.addi %scan3A, %scan3A_3 : i32
    %scan3A_5 = arith.constant 1 : i32
    scf.for %scan3A_897 = %scan3A to %scan3A_4 step %scan3A_5  : i32 {
      %mul3A_898 = arith.constant 1 : i32
      %mul3A_899 = arith.muli %scan3A_897, %mul3A_898 : i32
      %add3A_900 = arith.constant 0 : i32
      %add3A_901 = arith.addi %add3A_900, %mul3A_899 : i32
      %mul3A_902 = arith.constant 3200 : i32
      %mul3A_903 = arith.muli %arg1, %mul3A_902 : i32
      %mul3A_904 = arith.constant 800 : i32
      %mul3A_905 = arith.muli %add3A_901, %mul3A_904 : i32
      %add3A_906 = arith.addi %mul3A_903, %mul3A_905 : i32
      %dma_start3A_907 = tpu.memref_slice %arg3[%add3A_906] : memref<102400xf32, #tpu.memory_space<hbm>> -> memref<800xf32, #tpu.memory_space<hbm>>
      %dma_start3A_908 = tpu.memref_slice %arg3[%add3A_906] : memref<102400xf32, #tpu.memory_space<hbm>> -> memref<800xf32, #tpu.memory_space<hbm>>
      tpu.enqueue_dma source(%dma_start3A_908 : memref<800xf32, #tpu.memory_space<hbm>>) target(%arg17 : memref<800xf32, #tpu.memory_space<vmem>>) target_semaphore(%arg23 : memref<!tpu.dma_semaphore, #tpu.memory_space<semaphore_mem>>)
      %add3A_909 = arith.constant 51200 : i32
      %add3A_910 = arith.addi %add3A_909, %add3A_906 : i32
      %dma_start3A_911 = tpu.memref_slice %arg3[%add3A_910] : memref<102400xf32, #tpu.memory_space<hbm>> -> memref<800xf32, #tpu.memory_space<hbm>>
      %dma_start3A_912 = tpu.memref_slice %arg3[%add3A_910] : memref<102400xf32, #tpu.memory_space<hbm>> -> memref<800xf32, #tpu.memory_space<hbm>>
      tpu.enqueue_dma source(%dma_start3A_912 : memref<800xf32, #tpu.memory_space<hbm>>) target(%arg18 : memref<800xf32, #tpu.memory_space<vmem>>) target_semaphore(%arg23 : memref<!tpu.dma_semaphore, #tpu.memory_space<semaphore_mem>>)
      %dma_start3A_913 = tpu.memref_slice %arg4[%add3A_906] : memref<102400xf32, #tpu.memory_space<hbm>> -> memref<800xf32, #tpu.memory_space<hbm>>
      %dma_start3A_914 = tpu.memref_slice %arg4[%add3A_906] : memref<102400xf32, #tpu.memory_space<hbm>> -> memref<800xf32, #tpu.memory_space<hbm>>
      tpu.enqueue_dma source(%dma_start3A_914 : memref<800xf32, #tpu.memory_space<hbm>>) target(%arg19 : memref<800xf32, #tpu.memory_space<vmem>>) target_semaphore(%arg23 : memref<!tpu.dma_semaphore, #tpu.memory_space<semaphore_mem>>)
      %add3A_915 = arith.constant 51200 : i32
      %add3A_916 = arith.addi %add3A_915, %add3A_906 : i32
      %dma_start3A_917 = tpu.memref_slice %arg4[%add3A_916] : memref<102400xf32, #tpu.memory_space<hbm>> -> memref<800xf32, #tpu.memory_space<hbm>>
      %dma_start3A_918 = tpu.memref_slice %arg4[%add3A_916] : memref<102400xf32, #tpu.memory_space<hbm>> -> memref<800xf32, #tpu.memory_space<hbm>>
      tpu.enqueue_dma source(%dma_start3A_918 : memref<800xf32, #tpu.memory_space<hbm>>) target(%arg20 : memref<800xf32, #tpu.memory_space<vmem>>) target_semaphore(%arg23 : memref<!tpu.dma_semaphore, #tpu.memory_space<semaphore_mem>>)
      %dma_start3A_919 = tpu.memref_slice %arg5[%add3A_906] : memref<51200xi32, #tpu.memory_space<hbm>> -> memref<800xi32, #tpu.memory_space<hbm>>
      %dma_start3A_920 = tpu.memref_slice %arg5[%add3A_906] : memref<51200xi32, #tpu.memory_space<hbm>> -> memref<800xi32, #tpu.memory_space<hbm>>
      tpu.enqueue_dma source(%dma_start3A_920 : memref<800xi32, #tpu.memory_space<hbm>>) target(%arg21 : memref<800xi32, #tpu.memory_space<vmem>>) target_semaphore(%arg23 : memref<!tpu.dma_semaphore, #tpu.memory_space<semaphore_mem>>)
      %dma_wait3A_921 = tpu.memref_slice %arg3[%add3A_906] : memref<102400xf32, #tpu.memory_space<hbm>> -> memref<800xf32, #tpu.memory_space<hbm>>
      %dma_wait3A_922 = tpu.memref_slice %arg3[%add3A_906] : memref<102400xf32, #tpu.memory_space<hbm>> -> memref<800xf32, #tpu.memory_space<hbm>>
      tpu.wait_dma2 semaphore(%arg23 : memref<!tpu.dma_semaphore, #tpu.memory_space<semaphore_mem>>) src(%dma_wait3A_922 : memref<800xf32, #tpu.memory_space<hbm>>) dst(%arg17 : memref<800xf32, #tpu.memory_space<vmem>>)
      %add3A_923 = arith.constant 51200 : i32
      %add3A_924 = arith.addi %add3A_923, %add3A_906 : i32
      %dma_wait3A_925 = tpu.memref_slice %arg3[%add3A_924] : memref<102400xf32, #tpu.memory_space<hbm>> -> memref<800xf32, #tpu.memory_space<hbm>>
      %dma_wait3A_926 = tpu.memref_slice %arg3[%add3A_924] : memref<102400xf32, #tpu.memory_space<hbm>> -> memref<800xf32, #tpu.memory_space<hbm>>
      tpu.wait_dma2 semaphore(%arg23 : memref<!tpu.dma_semaphore, #tpu.memory_space<semaphore_mem>>) src(%dma_wait3A_926 : memref<800xf32, #tpu.memory_space<hbm>>) dst(%arg18 : memref<800xf32, #tpu.memory_space<vmem>>)
      %dma_wait3A_927 = tpu.memref_slice %arg4[%add3A_906] : memref<102400xf32, #tpu.memory_space<hbm>> -> memref<800xf32, #tpu.memory_space<hbm>>
      %dma_wait3A_928 = tpu.memref_slice %arg4[%add3A_906] : memref<102400xf32, #tpu.memory_space<hbm>> -> memref<800xf32, #tpu.memory_space<hbm>>
      tpu.wait_dma2 semaphore(%arg23 : memref<!tpu.dma_semaphore, #tpu.memory_space<semaphore_mem>>) src(%dma_wait3A_928 : memref<800xf32, #tpu.memory_space<hbm>>) dst(%arg19 : memref<800xf32, #tpu.memory_space<vmem>>)
      %add3A_929 = arith.constant 51200 : i32
      %add3A_930 = arith.addi %add3A_929, %add3A_906 : i32
      %dma_wait3A_931 = tpu.memref_slice %arg4[%add3A_930] : memref<102400xf32, #tpu.memory_space<hbm>> -> memref<800xf32, #tpu.memory_space<hbm>>
      %dma_wait3A_932 = tpu.memref_slice %arg4[%add3A_930] : memref<102400xf32, #tpu.memory_space<hbm>> -> memref<800xf32, #tpu.memory_space<hbm>>
      tpu.wait_dma2 semaphore(%arg23 : memref<!tpu.dma_semaphore, #tpu.memory_space<semaphore_mem>>) src(%dma_wait3A_932 : memref<800xf32, #tpu.memory_space<hbm>>) dst(%arg20 : memref<800xf32, #tpu.memory_space<vmem>>)
      %dma_wait3A_933 = tpu.memref_slice %arg5[%add3A_906] : memref<51200xi32, #tpu.memory_space<hbm>> -> memref<800xi32, #tpu.memory_space<hbm>>
      %dma_wait3A_934 = tpu.memref_slice %arg5[%add3A_906] : memref<51200xi32, #tpu.memory_space<hbm>> -> memref<800xi32, #tpu.memory_space<hbm>>
      tpu.wait_dma2 semaphore(%arg23 : memref<!tpu.dma_semaphore, #tpu.memory_space<semaphore_mem>>) src(%dma_wait3A_934 : memref<800xi32, #tpu.memory_space<hbm>>) dst(%arg21 : memref<800xi32, #tpu.memory_space<vmem>>)
      %scan3A_935 = arith.constant 0 : i32
      %scan3A_936 = arith.constant 50 : i32
      %scan3A_937 = arith.addi %scan3A_935, %scan3A_936 : i32
      %scan3A_938 = arith.constant 1 : i32
      scf.for %scan3A_942 = %scan3A_935 to %scan3A_937 step %scan3A_938  : i32 {
        %mul3A_943 = arith.constant 1 : i32
        %mul3A_944 = arith.muli %scan3A_942, %mul3A_943 : i32
        %add3A_945 = arith.constant 0 : i32
        %add3A_946 = arith.addi %add3A_945, %mul3A_944 : i32
        %mul3A_947 = arith.constant 16 : i32
        %mul3A_948 = arith.muli %add3A_946, %mul3A_947 : i32
        %get3A_949 = arith.index_cast %mul3A_948 : i32 to index
        %get3A_950 = tpu.vector_load %arg17[%get3A_949] {strides = array<i32>} : memref<800xf32, #tpu.memory_space<vmem>>, vector<16xf32>,
        %get3A_951 = arith.index_cast %mul3A_948 : i32 to index
        %get3A_952 = tpu.vector_load %arg18[%get3A_951] {strides = array<i32>} : memref<800xf32, #tpu.memory_space<vmem>>, vector<16xf32>,
        %add3A_953 = arith.addf %get3A_950, %get3A_952 : vector<16xf32>
        %bitcast3A_954 = vector.bitcast %add3A_953 : vector<16xf32> to vector<16xi32>
        %shift_right_arithmetic3A_955 = arith.constant 1 : i32
        %shift_right_arithmetic3A_956 = vector.broadcast %shift_right_arithmetic3A_955 : i32 to vector<16xi32>
        %shift_right_arithmetic3A_957 = arith.shrsi %bitcast3A_954, %shift_right_arithmetic3A_956 : vector<16xi32>
        %sub3A_958 = arith.constant 1597463007 : i32
        %sub3A_959 = vector.broadcast %sub3A_958 : i32 to vector<16xi32>
        %sub3A_960 = arith.subi %sub3A_959, %shift_right_arithmetic3A_957 : vector<16xi32>
        %bitcast3A_961 = vector.bitcast %sub3A_960 : vector<16xi32> to vector<16xf32>
        %mul3A_962 = arith.constant 5.000000e-01 : f32
        %mul3A_963 = vector.broadcast %mul3A_962 : f32 to vector<16xf32>
        %mul3A_964 = arith.mulf %add3A_953, %mul3A_963 : vector<16xf32>
        %mul3A_965 = arith.mulf %mul3A_964, %bitcast3A_961 : vector<16xf32>
        %mul3A_966 = arith.mulf %mul3A_965, %bitcast3A_961 : vector<16xf32>
        %sub3A_967 = arith.constant 1.500000e+00 : f32
        %sub3A_968 = vector.broadcast %sub3A_967 : f32 to vector<16xf32>
        %sub3A_969 = arith.subf %sub3A_968, %mul3A_966 : vector<16xf32>
        %mul3A_970 = arith.mulf %bitcast3A_961, %sub3A_969 : vector<16xf32>
        %mul3A_971 = arith.mulf %mul3A_964, %mul3A_970 : vector<16xf32>
        %mul3A_972 = arith.mulf %mul3A_971, %mul3A_970 : vector<16xf32>
        %sub3A_973 = arith.constant 1.500000e+00 : f32
        %sub3A_974 = vector.broadcast %sub3A_973 : f32 to vector<16xf32>
        %sub3A_975 = arith.subf %sub3A_974, %mul3A_972 : vector<16xf32>
        %mul3A_976 = arith.mulf %mul3A_970, %sub3A_975 : vector<16xf32>
        %mul3A_977 = arith.mulf %mul3A_964, %mul3A_976 : vector<16xf32>
        %mul3A_978 = arith.mulf %mul3A_977, %mul3A_976 : vector<16xf32>
        %sub3A_979 = arith.constant 1.500000e+00 : f32
        %sub3A_980 = vector.broadcast %sub3A_979 : f32 to vector<16xf32>
        %sub3A_981 = arith.subf %sub3A_980, %mul3A_978 : vector<16xf32>
        %mul3A_982 = arith.mulf %mul3A_976, %sub3A_981 : vector<16xf32>
        %gt3A = arith.constant 5.000000e-01 : f32
        %gt3A_983 = vector.broadcast %gt3A : f32 to vector<16xf32>
        %gt3A_984 = arith.cmpf ogt, %add3A_953, %gt3A_983 : vector<16xf32>
        %jit3A = arith.constant 0.000000e+00 : f32
        %broadcast_in_dim3A_985 = vector.broadcast %jit3A : f32 to vector<16xf32>
        %select_n3A = arith.select %gt3A_984, %mul3A_982, %broadcast_in_dim3A_985 : vector<16xi1>, vector<16xf32>
        %get3A_986 = arith.index_cast %mul3A_948 : i32 to index
        %get3A_987 = tpu.vector_load %arg19[%get3A_986] {strides = array<i32>} : memref<800xf32, #tpu.memory_space<vmem>>, vector<16xf32>,
        %mul3A_988 = arith.mulf %get3A_987, %select_n3A : vector<16xf32>
        %get3A_989 = arith.index_cast %mul3A_948 : i32 to index
        %get3A_990 = tpu.vector_load %arg20[%get3A_989] {strides = array<i32>} : memref<800xf32, #tpu.memory_space<vmem>>, vector<16xf32>,
        %mul3A_991 = arith.mulf %get3A_990, %select_n3A : vector<16xf32>
        %bitcast3A_992 = vector.bitcast %mul3A_988 : vector<16xf32> to vector<16xi32>
        %and3A_993 = arith.constant -16 : i32
        %and3A_994 = vector.broadcast %and3A_993 : i32 to vector<16xi32>
        %and3A_995 = arith.andi %bitcast3A_992, %and3A_994 : vector<16xi32>
        %get3A_996 = arith.index_cast %mul3A_948 : i32 to index
        %get3A_997 = tpu.vector_load %arg21[%get3A_996] {strides = array<i32>} : memref<800xi32, #tpu.memory_space<vmem>>, vector<16xi32>,
        %or3A_998 = arith.ori %and3A_995, %get3A_997 : vector<16xi32>
        %bitcast3A_999 = vector.bitcast %or3A_998 : vector<16xi32> to vector<16xf32>
        %swap3A_1000 = arith.index_cast %mul3A_948 : i32 to index
        %swap3A_1001 = tpu.vector_load %arg19[%swap3A_1000] {strides = array<i32>} : memref<800xf32, #tpu.memory_space<vmem>>, vector<16xf32>,
        tpu.vector_store %arg19[%swap3A_1000], %bitcast3A_999 {strides = array<i32>} : memref<800xf32, #tpu.memory_space<vmem>>, vector<16xf32>,
        %swap3A_1002 = arith.index_cast %mul3A_948 : i32 to index
        %swap3A_1003 = tpu.vector_load %arg20[%swap3A_1002] {strides = array<i32>} : memref<800xf32, #tpu.memory_space<vmem>>, vector<16xf32>,
        tpu.vector_store %arg20[%swap3A_1002], %mul3A_991 {strides = array<i32>} : memref<800xf32, #tpu.memory_space<vmem>>, vector<16xf32>,
      }
      %scan3A_939 = arith.constant 50 : i32
      "tpu.region"() ({
        %run_scoped3A = tpu.sem_alloc : memref<!tpu.dma_semaphore, #tpu.memory_space<semaphore_mem>>
        %dma_start3A_942 = tpu.memref_slice %arg22[%add3A_906] : memref<102400xf32, #tpu.memory_space<vmem_shared>> -> memref<800xf32, #tpu.memory_space<vmem_shared>>
        %dma_start3A_943 = tpu.memref_slice %arg22[%add3A_906] : memref<102400xf32, #tpu.memory_space<vmem_shared>> -> memref<800xf32, #tpu.memory_space<vmem_shared>>
        tpu.enqueue_dma source(%arg19 : memref<800xf32, #tpu.memory_space<vmem>>) target(%dma_start3A_943 : memref<800xf32, #tpu.memory_space<vmem_shared>>) target_semaphore(%run_scoped3A : memref<!tpu.dma_semaphore, #tpu.memory_space<semaphore_mem>>)
        %dma_wait3A_944 = tpu.memref_slice %arg22[%add3A_906] : memref<102400xf32, #tpu.memory_space<vmem_shared>> -> memref<800xf32, #tpu.memory_space<vmem_shared>>
        %dma_wait3A_945 = tpu.memref_slice %arg22[%add3A_906] : memref<102400xf32, #tpu.memory_space<vmem_shared>> -> memref<800xf32, #tpu.memory_space<vmem_shared>>
        tpu.wait_dma2 semaphore(%run_scoped3A : memref<!tpu.dma_semaphore, #tpu.memory_space<semaphore_mem>>) src(%arg19 : memref<800xf32, #tpu.memory_space<vmem>>) dst(%dma_wait3A_945 : memref<800xf32, #tpu.memory_space<vmem_shared>>)
        tpu.yield
      }) : () -> ()
      %add3A_940 = arith.constant 51200 : i32
      %add3A_941 = arith.addi %add3A_940, %add3A_906 : i32
      "tpu.region"() ({
        %run_scoped3A = tpu.sem_alloc : memref<!tpu.dma_semaphore, #tpu.memory_space<semaphore_mem>>
        %dma_start3A_942 = tpu.memref_slice %arg22[%add3A_941] : memref<102400xf32, #tpu.memory_space<vmem_shared>> -> memref<800xf32, #tpu.memory_space<vmem_shared>>
        %dma_start3A_943 = tpu.memref_slice %arg22[%add3A_941] : memref<102400xf32, #tpu.memory_space<vmem_shared>> -> memref<800xf32, #tpu.memory_space<vmem_shared>>
        tpu.enqueue_dma source(%arg20 : memref<800xf32, #tpu.memory_space<vmem>>) target(%dma_start3A_943 : memref<800xf32, #tpu.memory_space<vmem_shared>>) target_semaphore(%run_scoped3A : memref<!tpu.dma_semaphore, #tpu.memory_space<semaphore_mem>>)
        %dma_wait3A_944 = tpu.memref_slice %arg22[%add3A_941] : memref<102400xf32, #tpu.memory_space<vmem_shared>> -> memref<800xf32, #tpu.memory_space<vmem_shared>>
        %dma_wait3A_945 = tpu.memref_slice %arg22[%add3A_941] : memref<102400xf32, #tpu.memory_space<vmem_shared>> -> memref<800xf32, #tpu.memory_space<vmem_shared>>
        tpu.wait_dma2 semaphore(%run_scoped3A : memref<!tpu.dma_semaphore, #tpu.memory_space<semaphore_mem>>) src(%arg20 : memref<800xf32, #tpu.memory_space<vmem>>) dst(%dma_wait3A_945 : memref<800xf32, #tpu.memory_space<vmem_shared>>)
        tpu.yield
      }) : () -> ()
    }
    %scan3A_6 = arith.constant 4 : i32
    "tpu.region"() ({
      %run_scoped3A = tpu.sem_alloc : memref<!tpu.dma_semaphore, #tpu.memory_space<semaphore_mem>>
      tpu.enqueue_dma source(%arg6 : memref<400xf32, #tpu.memory_space<hbm>>) target(%arg10 : memref<400xf32, #tpu.memory_space<vmem>>) target_semaphore(%run_scoped3A : memref<!tpu.dma_semaphore, #tpu.memory_space<semaphore_mem>>)
      tpu.wait_dma2 semaphore(%run_scoped3A : memref<!tpu.dma_semaphore, #tpu.memory_space<semaphore_mem>>) src(%arg6 : memref<400xf32, #tpu.memory_space<hbm>>) dst(%arg10 : memref<400xf32, #tpu.memory_space<vmem>>)
      tpu.yield
    }) : () -> ()
    %iota3A = tpu.iota {dimensions = array<i32: 0>} : vector<16xi32>
    %add3A_7 = arith.constant 0 : i32
    %add3A_8 = vector.broadcast %add3A_7 : i32 to vector<16xi32>
    %add3A_9 = arith.addi %iota3A, %add3A_8 : vector<16xi32>
    %min3A = arith.constant 99 : i32
    %min3A_10 = vector.broadcast %min3A : i32 to vector<16xi32>
    %min3A_11 = arith.minsi %add3A_9, %min3A_10 : vector<16xi32>
    %mul3A_12 = arith.constant 4 : i32
    %mul3A_13 = vector.broadcast %mul3A_12 : i32 to vector<16xi32>
    %mul3A_14 = arith.muli %min3A_11, %mul3A_13 : vector<16xi32>
    %gather3A = tpu.vector_load_idx %arg10[%mul3A_14] : memref<400xf32, #tpu.memory_space<vmem>>[vector<16xi32>], vector<16xf32>,
    %add3A_15 = arith.constant 1 : i32
    %add3A_16 = vector.broadcast %add3A_15 : i32 to vector<16xi32>
    %add3A_17 = arith.addi %mul3A_14, %add3A_16 : vector<16xi32>
    %gather3A_18 = tpu.vector_load_idx %arg10[%add3A_17] : memref<400xf32, #tpu.memory_space<vmem>>[vector<16xi32>], vector<16xf32>,
    %add3A_19 = arith.constant 2 : i32
    %add3A_20 = vector.broadcast %add3A_19 : i32 to vector<16xi32>
    %add3A_21 = arith.addi %mul3A_14, %add3A_20 : vector<16xi32>
    %gather3A_22 = tpu.vector_load_idx %arg10[%add3A_21] : memref<400xf32, #tpu.memory_space<vmem>>[vector<16xi32>], vector<16xf32>,
    %add3A_23 = arith.constant 3 : i32
    %add3A_24 = vector.broadcast %add3A_23 : i32 to vector<16xi32>
    %add3A_25 = arith.addi %mul3A_14, %add3A_24 : vector<16xi32>
    %gather3A_26 = tpu.vector_load_idx %arg10[%add3A_25] : memref<400xf32, #tpu.memory_space<vmem>>[vector<16xi32>], vector<16xf32>,
    %mul3A_27 = arith.mulf %gather3A, %gather3A : vector<16xf32>
    %mul3A_28 = arith.mulf %gather3A_18, %gather3A_18 : vector<16xf32>
    %add3A_29 = arith.addf %mul3A_27, %mul3A_28 : vector<16xf32>
    %mul3A_30 = arith.mulf %gather3A_22, %gather3A_22 : vector<16xf32>
    %add3A_31 = arith.addf %add3A_29, %mul3A_30 : vector<16xf32>
    %mul3A_32 = arith.mulf %gather3A_26, %gather3A_26 : vector<16xf32>
    %add3A_33 = arith.addf %add3A_31, %mul3A_32 : vector<16xf32>
    %bitcast3A = vector.bitcast %add3A_33 : vector<16xf32> to vector<16xi32>
    %shift_right_arithmetic3A = arith.constant 1 : i32
    %shift_right_arithmetic3A_34 = vector.broadcast %shift_right_arithmetic3A : i32 to vector<16xi32>
    %shift_right_arithmetic3A_35 = arith.shrsi %bitcast3A, %shift_right_arithmetic3A_34 : vector<16xi32>
    %sub3A = arith.constant 1597463007 : i32
    %sub3A_36 = vector.broadcast %sub3A : i32 to vector<16xi32>
    %sub3A_37 = arith.subi %sub3A_36, %shift_right_arithmetic3A_35 : vector<16xi32>
    %bitcast3A_38 = vector.bitcast %sub3A_37 : vector<16xi32> to vector<16xf32>
    %mul3A_39 = arith.constant 5.000000e-01 : f32
    %mul3A_40 = vector.broadcast %mul3A_39 : f32 to vector<16xf32>
    %mul3A_41 = arith.mulf %add3A_33, %mul3A_40 : vector<16xf32>
    %mul3A_42 = arith.mulf %mul3A_41, %bitcast3A_38 : vector<16xf32>
    %mul3A_43 = arith.mulf %mul3A_42, %bitcast3A_38 : vector<16xf32>
    %sub3A_44 = arith.constant 1.500000e+00 : f32
    %sub3A_45 = vector.broadcast %sub3A_44 : f32 to vector<16xf32>
    %sub3A_46 = arith.subf %sub3A_45, %mul3A_43 : vector<16xf32>
    %mul3A_47 = arith.mulf %bitcast3A_38, %sub3A_46 : vector<16xf32>
    %mul3A_48 = arith.mulf %mul3A_41, %mul3A_47 : vector<16xf32>
    %mul3A_49 = arith.mulf %mul3A_48, %mul3A_47 : vector<16xf32>
    %sub3A_50 = arith.constant 1.500000e+00 : f32
    %sub3A_51 = vector.broadcast %sub3A_50 : f32 to vector<16xf32>
    %sub3A_52 = arith.subf %sub3A_51, %mul3A_49 : vector<16xf32>
    %mul3A_53 = arith.mulf %mul3A_47, %sub3A_52 : vector<16xf32>
    %mul3A_54 = arith.mulf %mul3A_41, %mul3A_53 : vector<16xf32>
    %mul3A_55 = arith.mulf %mul3A_54, %mul3A_53 : vector<16xf32>
    %sub3A_56 = arith.constant 1.500000e+00 : f32
    %sub3A_57 = vector.broadcast %sub3A_56 : f32 to vector<16xf32>
    %sub3A_58 = arith.subf %sub3A_57, %mul3A_55 : vector<16xf32>
    %mul3A_59 = arith.mulf %mul3A_53, %sub3A_58 : vector<16xf32>
    %mul3A_60 = arith.mulf %gather3A, %mul3A_59 : vector<16xf32>
    %mul3A_61 = arith.mulf %gather3A_22, %mul3A_59 : vector<16xf32>
    %bitcast3A_62 = vector.bitcast %mul3A_60 : vector<16xf32> to vector<16xi32>
    %add3A_63 = arith.constant 32768 : i32
    %add3A_64 = vector.broadcast %add3A_63 : i32 to vector<16xi32>
    %add3A_65 = arith.addi %bitcast3A_62, %add3A_64 : vector<16xi32>
    %bitcast3A_66 = vector.bitcast %mul3A_61 : vector<16xf32> to vector<16xi32>
    %add3A_67 = arith.constant 32768 : i32
    %add3A_68 = vector.broadcast %add3A_67 : i32 to vector<16xi32>
    %add3A_69 = arith.addi %bitcast3A_66, %add3A_68 : vector<16xi32>
    %shift_right_arithmetic3A_70 = arith.constant 16 : i32
    %shift_right_arithmetic3A_71 = vector.broadcast %shift_right_arithmetic3A_70 : i32 to vector<16xi32>
    %shift_right_arithmetic3A_72 = arith.shrsi %add3A_65, %shift_right_arithmetic3A_71 : vector<16xi32>
    %and3A = arith.constant 65535 : i32
    %and3A_73 = vector.broadcast %and3A : i32 to vector<16xi32>
    %and3A_74 = arith.andi %shift_right_arithmetic3A_72, %and3A_73 : vector<16xi32>
    %and3A_75 = arith.constant -65536 : i32
    %and3A_76 = vector.broadcast %and3A_75 : i32 to vector<16xi32>
    %and3A_77 = arith.andi %add3A_69, %and3A_76 : vector<16xi32>
    %or3A = arith.ori %and3A_74, %and3A_77 : vector<16xi32>
    %mul3A_78 = arith.mulf %gather3A_18, %mul3A_59 : vector<16xf32>
    %mul3A_79 = arith.mulf %gather3A_26, %mul3A_59 : vector<16xf32>
    %bitcast3A_80 = vector.bitcast %mul3A_78 : vector<16xf32> to vector<16xi32>
    %add3A_81 = arith.constant 32768 : i32
    %add3A_82 = vector.broadcast %add3A_81 : i32 to vector<16xi32>
    %add3A_83 = arith.addi %bitcast3A_80, %add3A_82 : vector<16xi32>
    %bitcast3A_84 = vector.bitcast %mul3A_79 : vector<16xf32> to vector<16xi32>
    %add3A_85 = arith.constant 32768 : i32
    %add3A_86 = vector.broadcast %add3A_85 : i32 to vector<16xi32>
    %add3A_87 = arith.addi %bitcast3A_84, %add3A_86 : vector<16xi32>
    %shift_right_arithmetic3A_88 = arith.constant 16 : i32
    %shift_right_arithmetic3A_89 = vector.broadcast %shift_right_arithmetic3A_88 : i32 to vector<16xi32>
    %shift_right_arithmetic3A_90 = arith.shrsi %add3A_83, %shift_right_arithmetic3A_89 : vector<16xi32>
    %and3A_91 = arith.constant 65535 : i32
    %and3A_92 = vector.broadcast %and3A_91 : i32 to vector<16xi32>
    %and3A_93 = arith.andi %shift_right_arithmetic3A_90, %and3A_92 : vector<16xi32>
    %and3A_94 = arith.constant -65536 : i32
    %and3A_95 = vector.broadcast %and3A_94 : i32 to vector<16xi32>
    %and3A_96 = arith.andi %add3A_87, %and3A_95 : vector<16xi32>
    %or3A_97 = arith.ori %and3A_93, %and3A_96 : vector<16xi32>
    %mul3A_98 = arith.constant 2 : i32
    %mul3A_99 = vector.broadcast %mul3A_98 : i32 to vector<16xi32>
    %mul3A_100 = arith.muli %mul3A_99, %min3A_11 : vector<16xi32>
    tpu.vector_store_idx %arg11[%mul3A_100], %or3A : memref<256xi32, #tpu.memory_space<vmem>>[vector<16xi32>], vector<16xi32>,
    %mul3A_101 = arith.constant 2 : i32
    %mul3A_102 = vector.broadcast %mul3A_101 : i32 to vector<16xi32>
    %mul3A_103 = arith.muli %mul3A_102, %min3A_11 : vector<16xi32>
    %add3A_104 = arith.constant 1 : i32
    %add3A_105 = vector.broadcast %add3A_104 : i32 to vector<16xi32>
    %add3A_106 = arith.addi %mul3A_103, %add3A_105 : vector<16xi32>
    tpu.vector_store_idx %arg11[%add3A_106], %or3A_97 : memref<256xi32, #tpu.memory_space<vmem>>[vector<16xi32>], vector<16xi32>,
    %iota3A_107 = tpu.iota {dimensions = array<i32: 0>} : vector<16xi32>
    %add3A_108 = arith.constant 16 : i32
    %add3A_109 = vector.broadcast %add3A_108 : i32 to vector<16xi32>
    %add3A_110 = arith.addi %iota3A_107, %add3A_109 : vector<16xi32>
    %min3A_111 = arith.constant 99 : i32
    %min3A_112 = vector.broadcast %min3A_111 : i32 to vector<16xi32>
    %min3A_113 = arith.minsi %add3A_110, %min3A_112 : vector<16xi32>
    %mul3A_114 = arith.constant 4 : i32
    %mul3A_115 = vector.broadcast %mul3A_114 : i32 to vector<16xi32>
    %mul3A_116 = arith.muli %min3A_113, %mul3A_115 : vector<16xi32>
    %gather3A_117 = tpu.vector_load_idx %arg10[%mul3A_116] : memref<400xf32, #tpu.memory_space<vmem>>[vector<16xi32>], vector<16xf32>,
    %add3A_118 = arith.constant 1 : i32
    %add3A_119 = vector.broadcast %add3A_118 : i32 to vector<16xi32>
    %add3A_120 = arith.addi %mul3A_116, %add3A_119 : vector<16xi32>
    %gather3A_121 = tpu.vector_load_idx %arg10[%add3A_120] : memref<400xf32, #tpu.memory_space<vmem>>[vector<16xi32>], vector<16xf32>,
    %add3A_122 = arith.constant 2 : i32
    %add3A_123 = vector.broadcast %add3A_122 : i32 to vector<16xi32>
    %add3A_124 = arith.addi %mul3A_116, %add3A_123 : vector<16xi32>
    %gather3A_125 = tpu.vector_load_idx %arg10[%add3A_124] : memref<400xf32, #tpu.memory_space<vmem>>[vector<16xi32>], vector<16xf32>,
    %add3A_126 = arith.constant 3 : i32
    %add3A_127 = vector.broadcast %add3A_126 : i32 to vector<16xi32>
    %add3A_128 = arith.addi %mul3A_116, %add3A_127 : vector<16xi32>
    %gather3A_129 = tpu.vector_load_idx %arg10[%add3A_128] : memref<400xf32, #tpu.memory_space<vmem>>[vector<16xi32>], vector<16xf32>,
    %mul3A_130 = arith.mulf %gather3A_117, %gather3A_117 : vector<16xf32>
    %mul3A_131 = arith.mulf %gather3A_121, %gather3A_121 : vector<16xf32>
    %add3A_132 = arith.addf %mul3A_130, %mul3A_131 : vector<16xf32>
    %mul3A_133 = arith.mulf %gather3A_125, %gather3A_125 : vector<16xf32>
    %add3A_134 = arith.addf %add3A_132, %mul3A_133 : vector<16xf32>
    %mul3A_135 = arith.mulf %gather3A_129, %gather3A_129 : vector<16xf32>
    %add3A_136 = arith.addf %add3A_134, %mul3A_135 : vector<16xf32>
    %bitcast3A_137 = vector.bitcast %add3A_136 : vector<16xf32> to vector<16xi32>
    %shift_right_arithmetic3A_138 = arith.constant 1 : i32
    %shift_right_arithmetic3A_139 = vector.broadcast %shift_right_arithmetic3A_138 : i32 to vector<16xi32>
    %shift_right_arithmetic3A_140 = arith.shrsi %bitcast3A_137, %shift_right_arithmetic3A_139 : vector<16xi32>
    %sub3A_141 = arith.constant 1597463007 : i32
    %sub3A_142 = vector.broadcast %sub3A_141 : i32 to vector<16xi32>
    %sub3A_143 = arith.subi %sub3A_142, %shift_right_arithmetic3A_140 : vector<16xi32>
    %bitcast3A_144 = vector.bitcast %sub3A_143 : vector<16xi32> to vector<16xf32>
    %mul3A_145 = arith.constant 5.000000e-01 : f32
    %mul3A_146 = vector.broadcast %mul3A_145 : f32 to vector<16xf32>
    %mul3A_147 = arith.mulf %add3A_136, %mul3A_146 : vector<16xf32>
    %mul3A_148 = arith.mulf %mul3A_147, %bitcast3A_144 : vector<16xf32>
    %mul3A_149 = arith.mulf %mul3A_148, %bitcast3A_144 : vector<16xf32>
    %sub3A_150 = arith.constant 1.500000e+00 : f32
    %sub3A_151 = vector.broadcast %sub3A_150 : f32 to vector<16xf32>
    %sub3A_152 = arith.subf %sub3A_151, %mul3A_149 : vector<16xf32>
    %mul3A_153 = arith.mulf %bitcast3A_144, %sub3A_152 : vector<16xf32>
    %mul3A_154 = arith.mulf %mul3A_147, %mul3A_153 : vector<16xf32>
    %mul3A_155 = arith.mulf %mul3A_154, %mul3A_153 : vector<16xf32>
    %sub3A_156 = arith.constant 1.500000e+00 : f32
    %sub3A_157 = vector.broadcast %sub3A_156 : f32 to vector<16xf32>
    %sub3A_158 = arith.subf %sub3A_157, %mul3A_155 : vector<16xf32>
    %mul3A_159 = arith.mulf %mul3A_153, %sub3A_158 : vector<16xf32>
    %mul3A_160 = arith.mulf %mul3A_147, %mul3A_159 : vector<16xf32>
    %mul3A_161 = arith.mulf %mul3A_160, %mul3A_159 : vector<16xf32>
    %sub3A_162 = arith.constant 1.500000e+00 : f32
    %sub3A_163 = vector.broadcast %sub3A_162 : f32 to vector<16xf32>
    %sub3A_164 = arith.subf %sub3A_163, %mul3A_161 : vector<16xf32>
    %mul3A_165 = arith.mulf %mul3A_159, %sub3A_164 : vector<16xf32>
    %mul3A_166 = arith.mulf %gather3A_117, %mul3A_165 : vector<16xf32>
    %mul3A_167 = arith.mulf %gather3A_125, %mul3A_165 : vector<16xf32>
    %bitcast3A_168 = vector.bitcast %mul3A_166 : vector<16xf32> to vector<16xi32>
    %add3A_169 = arith.constant 32768 : i32
    %add3A_170 = vector.broadcast %add3A_169 : i32 to vector<16xi32>
    %add3A_171 = arith.addi %bitcast3A_168, %add3A_170 : vector<16xi32>
    %bitcast3A_172 = vector.bitcast %mul3A_167 : vector<16xf32> to vector<16xi32>
    %add3A_173 = arith.constant 32768 : i32
    %add3A_174 = vector.broadcast %add3A_173 : i32 to vector<16xi32>
    %add3A_175 = arith.addi %bitcast3A_172, %add3A_174 : vector<16xi32>
    %shift_right_arithmetic3A_176 = arith.constant 16 : i32
    %shift_right_arithmetic3A_177 = vector.broadcast %shift_right_arithmetic3A_176 : i32 to vector<16xi32>
    %shift_right_arithmetic3A_178 = arith.shrsi %add3A_171, %shift_right_arithmetic3A_177 : vector<16xi32>
    %and3A_179 = arith.constant 65535 : i32
    %and3A_180 = vector.broadcast %and3A_179 : i32 to vector<16xi32>
    %and3A_181 = arith.andi %shift_right_arithmetic3A_178, %and3A_180 : vector<16xi32>
    %and3A_182 = arith.constant -65536 : i32
    %and3A_183 = vector.broadcast %and3A_182 : i32 to vector<16xi32>
    %and3A_184 = arith.andi %add3A_175, %and3A_183 : vector<16xi32>
    %or3A_185 = arith.ori %and3A_181, %and3A_184 : vector<16xi32>
    %mul3A_186 = arith.mulf %gather3A_121, %mul3A_165 : vector<16xf32>
    %mul3A_187 = arith.mulf %gather3A_129, %mul3A_165 : vector<16xf32>
    %bitcast3A_188 = vector.bitcast %mul3A_186 : vector<16xf32> to vector<16xi32>
    %add3A_189 = arith.constant 32768 : i32
    %add3A_190 = vector.broadcast %add3A_189 : i32 to vector<16xi32>
    %add3A_191 = arith.addi %bitcast3A_188, %add3A_190 : vector<16xi32>
    %bitcast3A_192 = vector.bitcast %mul3A_187 : vector<16xf32> to vector<16xi32>
    %add3A_193 = arith.constant 32768 : i32
    %add3A_194 = vector.broadcast %add3A_193 : i32 to vector<16xi32>
    %add3A_195 = arith.addi %bitcast3A_192, %add3A_194 : vector<16xi32>
    %shift_right_arithmetic3A_196 = arith.constant 16 : i32
    %shift_right_arithmetic3A_197 = vector.broadcast %shift_right_arithmetic3A_196 : i32 to vector<16xi32>
    %shift_right_arithmetic3A_198 = arith.shrsi %add3A_191, %shift_right_arithmetic3A_197 : vector<16xi32>
    %and3A_199 = arith.constant 65535 : i32
    %and3A_200 = vector.broadcast %and3A_199 : i32 to vector<16xi32>
    %and3A_201 = arith.andi %shift_right_arithmetic3A_198, %and3A_200 : vector<16xi32>
    %and3A_202 = arith.constant -65536 : i32
    %and3A_203 = vector.broadcast %and3A_202 : i32 to vector<16xi32>
    %and3A_204 = arith.andi %add3A_195, %and3A_203 : vector<16xi32>
    %or3A_205 = arith.ori %and3A_201, %and3A_204 : vector<16xi32>
    %mul3A_206 = arith.constant 2 : i32
    %mul3A_207 = vector.broadcast %mul3A_206 : i32 to vector<16xi32>
    %mul3A_208 = arith.muli %mul3A_207, %min3A_113 : vector<16xi32>
    tpu.vector_store_idx %arg11[%mul3A_208], %or3A_185 : memref<256xi32, #tpu.memory_space<vmem>>[vector<16xi32>], vector<16xi32>,
    %mul3A_209 = arith.constant 2 : i32
    %mul3A_210 = vector.broadcast %mul3A_209 : i32 to vector<16xi32>
    %mul3A_211 = arith.muli %mul3A_210, %min3A_113 : vector<16xi32>
    %add3A_212 = arith.constant 1 : i32
    %add3A_213 = vector.broadcast %add3A_212 : i32 to vector<16xi32>
    %add3A_214 = arith.addi %mul3A_211, %add3A_213 : vector<16xi32>
    tpu.vector_store_idx %arg11[%add3A_214], %or3A_205 : memref<256xi32, #tpu.memory_space<vmem>>[vector<16xi32>], vector<16xi32>,
    %iota3A_215 = tpu.iota {dimensions = array<i32: 0>} : vector<16xi32>
    %add3A_216 = arith.constant 32 : i32
    %add3A_217 = vector.broadcast %add3A_216 : i32 to vector<16xi32>
    %add3A_218 = arith.addi %iota3A_215, %add3A_217 : vector<16xi32>
    %min3A_219 = arith.constant 99 : i32
    %min3A_220 = vector.broadcast %min3A_219 : i32 to vector<16xi32>
    %min3A_221 = arith.minsi %add3A_218, %min3A_220 : vector<16xi32>
    %mul3A_222 = arith.constant 4 : i32
    %mul3A_223 = vector.broadcast %mul3A_222 : i32 to vector<16xi32>
    %mul3A_224 = arith.muli %min3A_221, %mul3A_223 : vector<16xi32>
    %gather3A_225 = tpu.vector_load_idx %arg10[%mul3A_224] : memref<400xf32, #tpu.memory_space<vmem>>[vector<16xi32>], vector<16xf32>,
    %add3A_226 = arith.constant 1 : i32
    %add3A_227 = vector.broadcast %add3A_226 : i32 to vector<16xi32>
    %add3A_228 = arith.addi %mul3A_224, %add3A_227 : vector<16xi32>
    %gather3A_229 = tpu.vector_load_idx %arg10[%add3A_228] : memref<400xf32, #tpu.memory_space<vmem>>[vector<16xi32>], vector<16xf32>,
    %add3A_230 = arith.constant 2 : i32
    %add3A_231 = vector.broadcast %add3A_230 : i32 to vector<16xi32>
    %add3A_232 = arith.addi %mul3A_224, %add3A_231 : vector<16xi32>
    %gather3A_233 = tpu.vector_load_idx %arg10[%add3A_232] : memref<400xf32, #tpu.memory_space<vmem>>[vector<16xi32>], vector<16xf32>,
    %add3A_234 = arith.constant 3 : i32
    %add3A_235 = vector.broadcast %add3A_234 : i32 to vector<16xi32>
    %add3A_236 = arith.addi %mul3A_224, %add3A_235 : vector<16xi32>
    %gather3A_237 = tpu.vector_load_idx %arg10[%add3A_236] : memref<400xf32, #tpu.memory_space<vmem>>[vector<16xi32>], vector<16xf32>,
    %mul3A_238 = arith.mulf %gather3A_225, %gather3A_225 : vector<16xf32>
    %mul3A_239 = arith.mulf %gather3A_229, %gather3A_229 : vector<16xf32>
    %add3A_240 = arith.addf %mul3A_238, %mul3A_239 : vector<16xf32>
    %mul3A_241 = arith.mulf %gather3A_233, %gather3A_233 : vector<16xf32>
    %add3A_242 = arith.addf %add3A_240, %mul3A_241 : vector<16xf32>
    %mul3A_243 = arith.mulf %gather3A_237, %gather3A_237 : vector<16xf32>
    %add3A_244 = arith.addf %add3A_242, %mul3A_243 : vector<16xf32>
    %bitcast3A_245 = vector.bitcast %add3A_244 : vector<16xf32> to vector<16xi32>
    %shift_right_arithmetic3A_246 = arith.constant 1 : i32
    %shift_right_arithmetic3A_247 = vector.broadcast %shift_right_arithmetic3A_246 : i32 to vector<16xi32>
    %shift_right_arithmetic3A_248 = arith.shrsi %bitcast3A_245, %shift_right_arithmetic3A_247 : vector<16xi32>
    %sub3A_249 = arith.constant 1597463007 : i32
    %sub3A_250 = vector.broadcast %sub3A_249 : i32 to vector<16xi32>
    %sub3A_251 = arith.subi %sub3A_250, %shift_right_arithmetic3A_248 : vector<16xi32>
    %bitcast3A_252 = vector.bitcast %sub3A_251 : vector<16xi32> to vector<16xf32>
    %mul3A_253 = arith.constant 5.000000e-01 : f32
    %mul3A_254 = vector.broadcast %mul3A_253 : f32 to vector<16xf32>
    %mul3A_255 = arith.mulf %add3A_244, %mul3A_254 : vector<16xf32>
    %mul3A_256 = arith.mulf %mul3A_255, %bitcast3A_252 : vector<16xf32>
    %mul3A_257 = arith.mulf %mul3A_256, %bitcast3A_252 : vector<16xf32>
    %sub3A_258 = arith.constant 1.500000e+00 : f32
    %sub3A_259 = vector.broadcast %sub3A_258 : f32 to vector<16xf32>
    %sub3A_260 = arith.subf %sub3A_259, %mul3A_257 : vector<16xf32>
    %mul3A_261 = arith.mulf %bitcast3A_252, %sub3A_260 : vector<16xf32>
    %mul3A_262 = arith.mulf %mul3A_255, %mul3A_261 : vector<16xf32>
    %mul3A_263 = arith.mulf %mul3A_262, %mul3A_261 : vector<16xf32>
    %sub3A_264 = arith.constant 1.500000e+00 : f32
    %sub3A_265 = vector.broadcast %sub3A_264 : f32 to vector<16xf32>
    %sub3A_266 = arith.subf %sub3A_265, %mul3A_263 : vector<16xf32>
    %mul3A_267 = arith.mulf %mul3A_261, %sub3A_266 : vector<16xf32>
    %mul3A_268 = arith.mulf %mul3A_255, %mul3A_267 : vector<16xf32>
    %mul3A_269 = arith.mulf %mul3A_268, %mul3A_267 : vector<16xf32>
    %sub3A_270 = arith.constant 1.500000e+00 : f32
    %sub3A_271 = vector.broadcast %sub3A_270 : f32 to vector<16xf32>
    %sub3A_272 = arith.subf %sub3A_271, %mul3A_269 : vector<16xf32>
    %mul3A_273 = arith.mulf %mul3A_267, %sub3A_272 : vector<16xf32>
    %mul3A_274 = arith.mulf %gather3A_225, %mul3A_273 : vector<16xf32>
    %mul3A_275 = arith.mulf %gather3A_233, %mul3A_273 : vector<16xf32>
    %bitcast3A_276 = vector.bitcast %mul3A_274 : vector<16xf32> to vector<16xi32>
    %add3A_277 = arith.constant 32768 : i32
    %add3A_278 = vector.broadcast %add3A_277 : i32 to vector<16xi32>
    %add3A_279 = arith.addi %bitcast3A_276, %add3A_278 : vector<16xi32>
    %bitcast3A_280 = vector.bitcast %mul3A_275 : vector<16xf32> to vector<16xi32>
    %add3A_281 = arith.constant 32768 : i32
    %add3A_282 = vector.broadcast %add3A_281 : i32 to vector<16xi32>
    %add3A_283 = arith.addi %bitcast3A_280, %add3A_282 : vector<16xi32>
    %shift_right_arithmetic3A_284 = arith.constant 16 : i32
    %shift_right_arithmetic3A_285 = vector.broadcast %shift_right_arithmetic3A_284 : i32 to vector<16xi32>
    %shift_right_arithmetic3A_286 = arith.shrsi %add3A_279, %shift_right_arithmetic3A_285 : vector<16xi32>
    %and3A_287 = arith.constant 65535 : i32
    %and3A_288 = vector.broadcast %and3A_287 : i32 to vector<16xi32>
    %and3A_289 = arith.andi %shift_right_arithmetic3A_286, %and3A_288 : vector<16xi32>
    %and3A_290 = arith.constant -65536 : i32
    %and3A_291 = vector.broadcast %and3A_290 : i32 to vector<16xi32>
    %and3A_292 = arith.andi %add3A_283, %and3A_291 : vector<16xi32>
    %or3A_293 = arith.ori %and3A_289, %and3A_292 : vector<16xi32>
    %mul3A_294 = arith.mulf %gather3A_229, %mul3A_273 : vector<16xf32>
    %mul3A_295 = arith.mulf %gather3A_237, %mul3A_273 : vector<16xf32>
    %bitcast3A_296 = vector.bitcast %mul3A_294 : vector<16xf32> to vector<16xi32>
    %add3A_297 = arith.constant 32768 : i32
    %add3A_298 = vector.broadcast %add3A_297 : i32 to vector<16xi32>
    %add3A_299 = arith.addi %bitcast3A_296, %add3A_298 : vector<16xi32>
    %bitcast3A_300 = vector.bitcast %mul3A_295 : vector<16xf32> to vector<16xi32>
    %add3A_301 = arith.constant 32768 : i32
    %add3A_302 = vector.broadcast %add3A_301 : i32 to vector<16xi32>
    %add3A_303 = arith.addi %bitcast3A_300, %add3A_302 : vector<16xi32>
    %shift_right_arithmetic3A_304 = arith.constant 16 : i32
    %shift_right_arithmetic3A_305 = vector.broadcast %shift_right_arithmetic3A_304 : i32 to vector<16xi32>
    %shift_right_arithmetic3A_306 = arith.shrsi %add3A_299, %shift_right_arithmetic3A_305 : vector<16xi32>
    %and3A_307 = arith.constant 65535 : i32
    %and3A_308 = vector.broadcast %and3A_307 : i32 to vector<16xi32>
    %and3A_309 = arith.andi %shift_right_arithmetic3A_306, %and3A_308 : vector<16xi32>
    %and3A_310 = arith.constant -65536 : i32
    %and3A_311 = vector.broadcast %and3A_310 : i32 to vector<16xi32>
    %and3A_312 = arith.andi %add3A_303, %and3A_311 : vector<16xi32>
    %or3A_313 = arith.ori %and3A_309, %and3A_312 : vector<16xi32>
    %mul3A_314 = arith.constant 2 : i32
    %mul3A_315 = vector.broadcast %mul3A_314 : i32 to vector<16xi32>
    %mul3A_316 = arith.muli %mul3A_315, %min3A_221 : vector<16xi32>
    tpu.vector_store_idx %arg11[%mul3A_316], %or3A_293 : memref<256xi32, #tpu.memory_space<vmem>>[vector<16xi32>], vector<16xi32>,
    %mul3A_317 = arith.constant 2 : i32
    %mul3A_318 = vector.broadcast %mul3A_317 : i32 to vector<16xi32>
    %mul3A_319 = arith.muli %mul3A_318, %min3A_221 : vector<16xi32>
    %add3A_320 = arith.constant 1 : i32
    %add3A_321 = vector.broadcast %add3A_320 : i32 to vector<16xi32>
    %add3A_322 = arith.addi %mul3A_319, %add3A_321 : vector<16xi32>
    tpu.vector_store_idx %arg11[%add3A_322], %or3A_313 : memref<256xi32, #tpu.memory_space<vmem>>[vector<16xi32>], vector<16xi32>,
    %iota3A_323 = tpu.iota {dimensions = array<i32: 0>} : vector<16xi32>
    %add3A_324 = arith.constant 48 : i32
    %add3A_325 = vector.broadcast %add3A_324 : i32 to vector<16xi32>
    %add3A_326 = arith.addi %iota3A_323, %add3A_325 : vector<16xi32>
    %min3A_327 = arith.constant 99 : i32
    %min3A_328 = vector.broadcast %min3A_327 : i32 to vector<16xi32>
    %min3A_329 = arith.minsi %add3A_326, %min3A_328 : vector<16xi32>
    %mul3A_330 = arith.constant 4 : i32
    %mul3A_331 = vector.broadcast %mul3A_330 : i32 to vector<16xi32>
    %mul3A_332 = arith.muli %min3A_329, %mul3A_331 : vector<16xi32>
    %gather3A_333 = tpu.vector_load_idx %arg10[%mul3A_332] : memref<400xf32, #tpu.memory_space<vmem>>[vector<16xi32>], vector<16xf32>,
    %add3A_334 = arith.constant 1 : i32
    %add3A_335 = vector.broadcast %add3A_334 : i32 to vector<16xi32>
    %add3A_336 = arith.addi %mul3A_332, %add3A_335 : vector<16xi32>
    %gather3A_337 = tpu.vector_load_idx %arg10[%add3A_336] : memref<400xf32, #tpu.memory_space<vmem>>[vector<16xi32>], vector<16xf32>,
    %add3A_338 = arith.constant 2 : i32
    %add3A_339 = vector.broadcast %add3A_338 : i32 to vector<16xi32>
    %add3A_340 = arith.addi %mul3A_332, %add3A_339 : vector<16xi32>
    %gather3A_341 = tpu.vector_load_idx %arg10[%add3A_340] : memref<400xf32, #tpu.memory_space<vmem>>[vector<16xi32>], vector<16xf32>,
    %add3A_342 = arith.constant 3 : i32
    %add3A_343 = vector.broadcast %add3A_342 : i32 to vector<16xi32>
    %add3A_344 = arith.addi %mul3A_332, %add3A_343 : vector<16xi32>
    %gather3A_345 = tpu.vector_load_idx %arg10[%add3A_344] : memref<400xf32, #tpu.memory_space<vmem>>[vector<16xi32>], vector<16xf32>,
    %mul3A_346 = arith.mulf %gather3A_333, %gather3A_333 : vector<16xf32>
    %mul3A_347 = arith.mulf %gather3A_337, %gather3A_337 : vector<16xf32>
    %add3A_348 = arith.addf %mul3A_346, %mul3A_347 : vector<16xf32>
    %mul3A_349 = arith.mulf %gather3A_341, %gather3A_341 : vector<16xf32>
    %add3A_350 = arith.addf %add3A_348, %mul3A_349 : vector<16xf32>
    %mul3A_351 = arith.mulf %gather3A_345, %gather3A_345 : vector<16xf32>
    %add3A_352 = arith.addf %add3A_350, %mul3A_351 : vector<16xf32>
    %bitcast3A_353 = vector.bitcast %add3A_352 : vector<16xf32> to vector<16xi32>
    %shift_right_arithmetic3A_354 = arith.constant 1 : i32
    %shift_right_arithmetic3A_355 = vector.broadcast %shift_right_arithmetic3A_354 : i32 to vector<16xi32>
    %shift_right_arithmetic3A_356 = arith.shrsi %bitcast3A_353, %shift_right_arithmetic3A_355 : vector<16xi32>
    %sub3A_357 = arith.constant 1597463007 : i32
    %sub3A_358 = vector.broadcast %sub3A_357 : i32 to vector<16xi32>
    %sub3A_359 = arith.subi %sub3A_358, %shift_right_arithmetic3A_356 : vector<16xi32>
    %bitcast3A_360 = vector.bitcast %sub3A_359 : vector<16xi32> to vector<16xf32>
    %mul3A_361 = arith.constant 5.000000e-01 : f32
    %mul3A_362 = vector.broadcast %mul3A_361 : f32 to vector<16xf32>
    %mul3A_363 = arith.mulf %add3A_352, %mul3A_362 : vector<16xf32>
    %mul3A_364 = arith.mulf %mul3A_363, %bitcast3A_360 : vector<16xf32>
    %mul3A_365 = arith.mulf %mul3A_364, %bitcast3A_360 : vector<16xf32>
    %sub3A_366 = arith.constant 1.500000e+00 : f32
    %sub3A_367 = vector.broadcast %sub3A_366 : f32 to vector<16xf32>
    %sub3A_368 = arith.subf %sub3A_367, %mul3A_365 : vector<16xf32>
    %mul3A_369 = arith.mulf %bitcast3A_360, %sub3A_368 : vector<16xf32>
    %mul3A_370 = arith.mulf %mul3A_363, %mul3A_369 : vector<16xf32>
    %mul3A_371 = arith.mulf %mul3A_370, %mul3A_369 : vector<16xf32>
    %sub3A_372 = arith.constant 1.500000e+00 : f32
    %sub3A_373 = vector.broadcast %sub3A_372 : f32 to vector<16xf32>
    %sub3A_374 = arith.subf %sub3A_373, %mul3A_371 : vector<16xf32>
    %mul3A_375 = arith.mulf %mul3A_369, %sub3A_374 : vector<16xf32>
    %mul3A_376 = arith.mulf %mul3A_363, %mul3A_375 : vector<16xf32>
    %mul3A_377 = arith.mulf %mul3A_376, %mul3A_375 : vector<16xf32>
    %sub3A_378 = arith.constant 1.500000e+00 : f32
    %sub3A_379 = vector.broadcast %sub3A_378 : f32 to vector<16xf32>
    %sub3A_380 = arith.subf %sub3A_379, %mul3A_377 : vector<16xf32>
    %mul3A_381 = arith.mulf %mul3A_375, %sub3A_380 : vector<16xf32>
    %mul3A_382 = arith.mulf %gather3A_333, %mul3A_381 : vector<16xf32>
    %mul3A_383 = arith.mulf %gather3A_341, %mul3A_381 : vector<16xf32>
    %bitcast3A_384 = vector.bitcast %mul3A_382 : vector<16xf32> to vector<16xi32>
    %add3A_385 = arith.constant 32768 : i32
    %add3A_386 = vector.broadcast %add3A_385 : i32 to vector<16xi32>
    %add3A_387 = arith.addi %bitcast3A_384, %add3A_386 : vector<16xi32>
    %bitcast3A_388 = vector.bitcast %mul3A_383 : vector<16xf32> to vector<16xi32>
    %add3A_389 = arith.constant 32768 : i32
    %add3A_390 = vector.broadcast %add3A_389 : i32 to vector<16xi32>
    %add3A_391 = arith.addi %bitcast3A_388, %add3A_390 : vector<16xi32>
    %shift_right_arithmetic3A_392 = arith.constant 16 : i32
    %shift_right_arithmetic3A_393 = vector.broadcast %shift_right_arithmetic3A_392 : i32 to vector<16xi32>
    %shift_right_arithmetic3A_394 = arith.shrsi %add3A_387, %shift_right_arithmetic3A_393 : vector<16xi32>
    %and3A_395 = arith.constant 65535 : i32
    %and3A_396 = vector.broadcast %and3A_395 : i32 to vector<16xi32>
    %and3A_397 = arith.andi %shift_right_arithmetic3A_394, %and3A_396 : vector<16xi32>
    %and3A_398 = arith.constant -65536 : i32
    %and3A_399 = vector.broadcast %and3A_398 : i32 to vector<16xi32>
    %and3A_400 = arith.andi %add3A_391, %and3A_399 : vector<16xi32>
    %or3A_401 = arith.ori %and3A_397, %and3A_400 : vector<16xi32>
    %mul3A_402 = arith.mulf %gather3A_337, %mul3A_381 : vector<16xf32>
    %mul3A_403 = arith.mulf %gather3A_345, %mul3A_381 : vector<16xf32>
    %bitcast3A_404 = vector.bitcast %mul3A_402 : vector<16xf32> to vector<16xi32>
    %add3A_405 = arith.constant 32768 : i32
    %add3A_406 = vector.broadcast %add3A_405 : i32 to vector<16xi32>
    %add3A_407 = arith.addi %bitcast3A_404, %add3A_406 : vector<16xi32>
    %bitcast3A_408 = vector.bitcast %mul3A_403 : vector<16xf32> to vector<16xi32>
    %add3A_409 = arith.constant 32768 : i32
    %add3A_410 = vector.broadcast %add3A_409 : i32 to vector<16xi32>
    %add3A_411 = arith.addi %bitcast3A_408, %add3A_410 : vector<16xi32>
    %shift_right_arithmetic3A_412 = arith.constant 16 : i32
    %shift_right_arithmetic3A_413 = vector.broadcast %shift_right_arithmetic3A_412 : i32 to vector<16xi32>
    %shift_right_arithmetic3A_414 = arith.shrsi %add3A_407, %shift_right_arithmetic3A_413 : vector<16xi32>
    %and3A_415 = arith.constant 65535 : i32
    %and3A_416 = vector.broadcast %and3A_415 : i32 to vector<16xi32>
    %and3A_417 = arith.andi %shift_right_arithmetic3A_414, %and3A_416 : vector<16xi32>
    %and3A_418 = arith.constant -65536 : i32
    %and3A_419 = vector.broadcast %and3A_418 : i32 to vector<16xi32>
    %and3A_420 = arith.andi %add3A_411, %and3A_419 : vector<16xi32>
    %or3A_421 = arith.ori %and3A_417, %and3A_420 : vector<16xi32>
    %mul3A_422 = arith.constant 2 : i32
    %mul3A_423 = vector.broadcast %mul3A_422 : i32 to vector<16xi32>
    %mul3A_424 = arith.muli %mul3A_423, %min3A_329 : vector<16xi32>
    tpu.vector_store_idx %arg11[%mul3A_424], %or3A_401 : memref<256xi32, #tpu.memory_space<vmem>>[vector<16xi32>], vector<16xi32>,
    %mul3A_425 = arith.constant 2 : i32
    %mul3A_426 = vector.broadcast %mul3A_425 : i32 to vector<16xi32>
    %mul3A_427 = arith.muli %mul3A_426, %min3A_329 : vector<16xi32>
    %add3A_428 = arith.constant 1 : i32
    %add3A_429 = vector.broadcast %add3A_428 : i32 to vector<16xi32>
    %add3A_430 = arith.addi %mul3A_427, %add3A_429 : vector<16xi32>
    tpu.vector_store_idx %arg11[%add3A_430], %or3A_421 : memref<256xi32, #tpu.memory_space<vmem>>[vector<16xi32>], vector<16xi32>,
    %iota3A_431 = tpu.iota {dimensions = array<i32: 0>} : vector<16xi32>
    %add3A_432 = arith.constant 64 : i32
    %add3A_433 = vector.broadcast %add3A_432 : i32 to vector<16xi32>
    %add3A_434 = arith.addi %iota3A_431, %add3A_433 : vector<16xi32>
    %min3A_435 = arith.constant 99 : i32
    %min3A_436 = vector.broadcast %min3A_435 : i32 to vector<16xi32>
    %min3A_437 = arith.minsi %add3A_434, %min3A_436 : vector<16xi32>
    %mul3A_438 = arith.constant 4 : i32
    %mul3A_439 = vector.broadcast %mul3A_438 : i32 to vector<16xi32>
    %mul3A_440 = arith.muli %min3A_437, %mul3A_439 : vector<16xi32>
    %gather3A_441 = tpu.vector_load_idx %arg10[%mul3A_440] : memref<400xf32, #tpu.memory_space<vmem>>[vector<16xi32>], vector<16xf32>,
    %add3A_442 = arith.constant 1 : i32
    %add3A_443 = vector.broadcast %add3A_442 : i32 to vector<16xi32>
    %add3A_444 = arith.addi %mul3A_440, %add3A_443 : vector<16xi32>
    %gather3A_445 = tpu.vector_load_idx %arg10[%add3A_444] : memref<400xf32, #tpu.memory_space<vmem>>[vector<16xi32>], vector<16xf32>,
    %add3A_446 = arith.constant 2 : i32
    %add3A_447 = vector.broadcast %add3A_446 : i32 to vector<16xi32>
    %add3A_448 = arith.addi %mul3A_440, %add3A_447 : vector<16xi32>
    %gather3A_449 = tpu.vector_load_idx %arg10[%add3A_448] : memref<400xf32, #tpu.memory_space<vmem>>[vector<16xi32>], vector<16xf32>,
    %add3A_450 = arith.constant 3 : i32
    %add3A_451 = vector.broadcast %add3A_450 : i32 to vector<16xi32>
    %add3A_452 = arith.addi %mul3A_440, %add3A_451 : vector<16xi32>
    %gather3A_453 = tpu.vector_load_idx %arg10[%add3A_452] : memref<400xf32, #tpu.memory_space<vmem>>[vector<16xi32>], vector<16xf32>,
    %mul3A_454 = arith.mulf %gather3A_441, %gather3A_441 : vector<16xf32>
    %mul3A_455 = arith.mulf %gather3A_445, %gather3A_445 : vector<16xf32>
    %add3A_456 = arith.addf %mul3A_454, %mul3A_455 : vector<16xf32>
    %mul3A_457 = arith.mulf %gather3A_449, %gather3A_449 : vector<16xf32>
    %add3A_458 = arith.addf %add3A_456, %mul3A_457 : vector<16xf32>
    %mul3A_459 = arith.mulf %gather3A_453, %gather3A_453 : vector<16xf32>
    %add3A_460 = arith.addf %add3A_458, %mul3A_459 : vector<16xf32>
    %bitcast3A_461 = vector.bitcast %add3A_460 : vector<16xf32> to vector<16xi32>
    %shift_right_arithmetic3A_462 = arith.constant 1 : i32
    %shift_right_arithmetic3A_463 = vector.broadcast %shift_right_arithmetic3A_462 : i32 to vector<16xi32>
    %shift_right_arithmetic3A_464 = arith.shrsi %bitcast3A_461, %shift_right_arithmetic3A_463 : vector<16xi32>
    %sub3A_465 = arith.constant 1597463007 : i32
    %sub3A_466 = vector.broadcast %sub3A_465 : i32 to vector<16xi32>
    %sub3A_467 = arith.subi %sub3A_466, %shift_right_arithmetic3A_464 : vector<16xi32>
    %bitcast3A_468 = vector.bitcast %sub3A_467 : vector<16xi32> to vector<16xf32>
    %mul3A_469 = arith.constant 5.000000e-01 : f32
    %mul3A_470 = vector.broadcast %mul3A_469 : f32 to vector<16xf32>
    %mul3A_471 = arith.mulf %add3A_460, %mul3A_470 : vector<16xf32>
    %mul3A_472 = arith.mulf %mul3A_471, %bitcast3A_468 : vector<16xf32>
    %mul3A_473 = arith.mulf %mul3A_472, %bitcast3A_468 : vector<16xf32>
    %sub3A_474 = arith.constant 1.500000e+00 : f32
    %sub3A_475 = vector.broadcast %sub3A_474 : f32 to vector<16xf32>
    %sub3A_476 = arith.subf %sub3A_475, %mul3A_473 : vector<16xf32>
    %mul3A_477 = arith.mulf %bitcast3A_468, %sub3A_476 : vector<16xf32>
    %mul3A_478 = arith.mulf %mul3A_471, %mul3A_477 : vector<16xf32>
    %mul3A_479 = arith.mulf %mul3A_478, %mul3A_477 : vector<16xf32>
    %sub3A_480 = arith.constant 1.500000e+00 : f32
    %sub3A_481 = vector.broadcast %sub3A_480 : f32 to vector<16xf32>
    %sub3A_482 = arith.subf %sub3A_481, %mul3A_479 : vector<16xf32>
    %mul3A_483 = arith.mulf %mul3A_477, %sub3A_482 : vector<16xf32>
    %mul3A_484 = arith.mulf %mul3A_471, %mul3A_483 : vector<16xf32>
    %mul3A_485 = arith.mulf %mul3A_484, %mul3A_483 : vector<16xf32>
    %sub3A_486 = arith.constant 1.500000e+00 : f32
    %sub3A_487 = vector.broadcast %sub3A_486 : f32 to vector<16xf32>
    %sub3A_488 = arith.subf %sub3A_487, %mul3A_485 : vector<16xf32>
    %mul3A_489 = arith.mulf %mul3A_483, %sub3A_488 : vector<16xf32>
    %mul3A_490 = arith.mulf %gather3A_441, %mul3A_489 : vector<16xf32>
    %mul3A_491 = arith.mulf %gather3A_449, %mul3A_489 : vector<16xf32>
    %bitcast3A_492 = vector.bitcast %mul3A_490 : vector<16xf32> to vector<16xi32>
    %add3A_493 = arith.constant 32768 : i32
    %add3A_494 = vector.broadcast %add3A_493 : i32 to vector<16xi32>
    %add3A_495 = arith.addi %bitcast3A_492, %add3A_494 : vector<16xi32>
    %bitcast3A_496 = vector.bitcast %mul3A_491 : vector<16xf32> to vector<16xi32>
    %add3A_497 = arith.constant 32768 : i32
    %add3A_498 = vector.broadcast %add3A_497 : i32 to vector<16xi32>
    %add3A_499 = arith.addi %bitcast3A_496, %add3A_498 : vector<16xi32>
    %shift_right_arithmetic3A_500 = arith.constant 16 : i32
    %shift_right_arithmetic3A_501 = vector.broadcast %shift_right_arithmetic3A_500 : i32 to vector<16xi32>
    %shift_right_arithmetic3A_502 = arith.shrsi %add3A_495, %shift_right_arithmetic3A_501 : vector<16xi32>
    %and3A_503 = arith.constant 65535 : i32
    %and3A_504 = vector.broadcast %and3A_503 : i32 to vector<16xi32>
    %and3A_505 = arith.andi %shift_right_arithmetic3A_502, %and3A_504 : vector<16xi32>
    %and3A_506 = arith.constant -65536 : i32
    %and3A_507 = vector.broadcast %and3A_506 : i32 to vector<16xi32>
    %and3A_508 = arith.andi %add3A_499, %and3A_507 : vector<16xi32>
    %or3A_509 = arith.ori %and3A_505, %and3A_508 : vector<16xi32>
    %mul3A_510 = arith.mulf %gather3A_445, %mul3A_489 : vector<16xf32>
    %mul3A_511 = arith.mulf %gather3A_453, %mul3A_489 : vector<16xf32>
    %bitcast3A_512 = vector.bitcast %mul3A_510 : vector<16xf32> to vector<16xi32>
    %add3A_513 = arith.constant 32768 : i32
    %add3A_514 = vector.broadcast %add3A_513 : i32 to vector<16xi32>
    %add3A_515 = arith.addi %bitcast3A_512, %add3A_514 : vector<16xi32>
    %bitcast3A_516 = vector.bitcast %mul3A_511 : vector<16xf32> to vector<16xi32>
    %add3A_517 = arith.constant 32768 : i32
    %add3A_518 = vector.broadcast %add3A_517 : i32 to vector<16xi32>
    %add3A_519 = arith.addi %bitcast3A_516, %add3A_518 : vector<16xi32>
    %shift_right_arithmetic3A_520 = arith.constant 16 : i32
    %shift_right_arithmetic3A_521 = vector.broadcast %shift_right_arithmetic3A_520 : i32 to vector<16xi32>
    %shift_right_arithmetic3A_522 = arith.shrsi %add3A_515, %shift_right_arithmetic3A_521 : vector<16xi32>
    %and3A_523 = arith.constant 65535 : i32
    %and3A_524 = vector.broadcast %and3A_523 : i32 to vector<16xi32>
    %and3A_525 = arith.andi %shift_right_arithmetic3A_522, %and3A_524 : vector<16xi32>
    %and3A_526 = arith.constant -65536 : i32
    %and3A_527 = vector.broadcast %and3A_526 : i32 to vector<16xi32>
    %and3A_528 = arith.andi %add3A_519, %and3A_527 : vector<16xi32>
    %or3A_529 = arith.ori %and3A_525, %and3A_528 : vector<16xi32>
    %mul3A_530 = arith.constant 2 : i32
    %mul3A_531 = vector.broadcast %mul3A_530 : i32 to vector<16xi32>
    %mul3A_532 = arith.muli %mul3A_531, %min3A_437 : vector<16xi32>
    tpu.vector_store_idx %arg11[%mul3A_532], %or3A_509 : memref<256xi32, #tpu.memory_space<vmem>>[vector<16xi32>], vector<16xi32>,
    %mul3A_533 = arith.constant 2 : i32
    %mul3A_534 = vector.broadcast %mul3A_533 : i32 to vector<16xi32>
    %mul3A_535 = arith.muli %mul3A_534, %min3A_437 : vector<16xi32>
    %add3A_536 = arith.constant 1 : i32
    %add3A_537 = vector.broadcast %add3A_536 : i32 to vector<16xi32>
    %add3A_538 = arith.addi %mul3A_535, %add3A_537 : vector<16xi32>
    tpu.vector_store_idx %arg11[%add3A_538], %or3A_529 : memref<256xi32, #tpu.memory_space<vmem>>[vector<16xi32>], vector<16xi32>,
    %iota3A_539 = tpu.iota {dimensions = array<i32: 0>} : vector<16xi32>
    %add3A_540 = arith.constant 80 : i32
    %add3A_541 = vector.broadcast %add3A_540 : i32 to vector<16xi32>
    %add3A_542 = arith.addi %iota3A_539, %add3A_541 : vector<16xi32>
    %min3A_543 = arith.constant 99 : i32
    %min3A_544 = vector.broadcast %min3A_543 : i32 to vector<16xi32>
    %min3A_545 = arith.minsi %add3A_542, %min3A_544 : vector<16xi32>
    %mul3A_546 = arith.constant 4 : i32
    %mul3A_547 = vector.broadcast %mul3A_546 : i32 to vector<16xi32>
    %mul3A_548 = arith.muli %min3A_545, %mul3A_547 : vector<16xi32>
    %gather3A_549 = tpu.vector_load_idx %arg10[%mul3A_548] : memref<400xf32, #tpu.memory_space<vmem>>[vector<16xi32>], vector<16xf32>,
    %add3A_550 = arith.constant 1 : i32
    %add3A_551 = vector.broadcast %add3A_550 : i32 to vector<16xi32>
    %add3A_552 = arith.addi %mul3A_548, %add3A_551 : vector<16xi32>
    %gather3A_553 = tpu.vector_load_idx %arg10[%add3A_552] : memref<400xf32, #tpu.memory_space<vmem>>[vector<16xi32>], vector<16xf32>,
    %add3A_554 = arith.constant 2 : i32
    %add3A_555 = vector.broadcast %add3A_554 : i32 to vector<16xi32>
    %add3A_556 = arith.addi %mul3A_548, %add3A_555 : vector<16xi32>
    %gather3A_557 = tpu.vector_load_idx %arg10[%add3A_556] : memref<400xf32, #tpu.memory_space<vmem>>[vector<16xi32>], vector<16xf32>,
    %add3A_558 = arith.constant 3 : i32
    %add3A_559 = vector.broadcast %add3A_558 : i32 to vector<16xi32>
    %add3A_560 = arith.addi %mul3A_548, %add3A_559 : vector<16xi32>
    %gather3A_561 = tpu.vector_load_idx %arg10[%add3A_560] : memref<400xf32, #tpu.memory_space<vmem>>[vector<16xi32>], vector<16xf32>,
    %mul3A_562 = arith.mulf %gather3A_549, %gather3A_549 : vector<16xf32>
    %mul3A_563 = arith.mulf %gather3A_553, %gather3A_553 : vector<16xf32>
    %add3A_564 = arith.addf %mul3A_562, %mul3A_563 : vector<16xf32>
    %mul3A_565 = arith.mulf %gather3A_557, %gather3A_557 : vector<16xf32>
    %add3A_566 = arith.addf %add3A_564, %mul3A_565 : vector<16xf32>
    %mul3A_567 = arith.mulf %gather3A_561, %gather3A_561 : vector<16xf32>
    %add3A_568 = arith.addf %add3A_566, %mul3A_567 : vector<16xf32>
    %bitcast3A_569 = vector.bitcast %add3A_568 : vector<16xf32> to vector<16xi32>
    %shift_right_arithmetic3A_570 = arith.constant 1 : i32
    %shift_right_arithmetic3A_571 = vector.broadcast %shift_right_arithmetic3A_570 : i32 to vector<16xi32>
    %shift_right_arithmetic3A_572 = arith.shrsi %bitcast3A_569, %shift_right_arithmetic3A_571 : vector<16xi32>
    %sub3A_573 = arith.constant 1597463007 : i32
    %sub3A_574 = vector.broadcast %sub3A_573 : i32 to vector<16xi32>
    %sub3A_575 = arith.subi %sub3A_574, %shift_right_arithmetic3A_572 : vector<16xi32>
    %bitcast3A_576 = vector.bitcast %sub3A_575 : vector<16xi32> to vector<16xf32>
    %mul3A_577 = arith.constant 5.000000e-01 : f32
    %mul3A_578 = vector.broadcast %mul3A_577 : f32 to vector<16xf32>
    %mul3A_579 = arith.mulf %add3A_568, %mul3A_578 : vector<16xf32>
    %mul3A_580 = arith.mulf %mul3A_579, %bitcast3A_576 : vector<16xf32>
    %mul3A_581 = arith.mulf %mul3A_580, %bitcast3A_576 : vector<16xf32>
    %sub3A_582 = arith.constant 1.500000e+00 : f32
    %sub3A_583 = vector.broadcast %sub3A_582 : f32 to vector<16xf32>
    %sub3A_584 = arith.subf %sub3A_583, %mul3A_581 : vector<16xf32>
    %mul3A_585 = arith.mulf %bitcast3A_576, %sub3A_584 : vector<16xf32>
    %mul3A_586 = arith.mulf %mul3A_579, %mul3A_585 : vector<16xf32>
    %mul3A_587 = arith.mulf %mul3A_586, %mul3A_585 : vector<16xf32>
    %sub3A_588 = arith.constant 1.500000e+00 : f32
    %sub3A_589 = vector.broadcast %sub3A_588 : f32 to vector<16xf32>
    %sub3A_590 = arith.subf %sub3A_589, %mul3A_587 : vector<16xf32>
    %mul3A_591 = arith.mulf %mul3A_585, %sub3A_590 : vector<16xf32>
    %mul3A_592 = arith.mulf %mul3A_579, %mul3A_591 : vector<16xf32>
    %mul3A_593 = arith.mulf %mul3A_592, %mul3A_591 : vector<16xf32>
    %sub3A_594 = arith.constant 1.500000e+00 : f32
    %sub3A_595 = vector.broadcast %sub3A_594 : f32 to vector<16xf32>
    %sub3A_596 = arith.subf %sub3A_595, %mul3A_593 : vector<16xf32>
    %mul3A_597 = arith.mulf %mul3A_591, %sub3A_596 : vector<16xf32>
    %mul3A_598 = arith.mulf %gather3A_549, %mul3A_597 : vector<16xf32>
    %mul3A_599 = arith.mulf %gather3A_557, %mul3A_597 : vector<16xf32>
    %bitcast3A_600 = vector.bitcast %mul3A_598 : vector<16xf32> to vector<16xi32>
    %add3A_601 = arith.constant 32768 : i32
    %add3A_602 = vector.broadcast %add3A_601 : i32 to vector<16xi32>
    %add3A_603 = arith.addi %bitcast3A_600, %add3A_602 : vector<16xi32>
    %bitcast3A_604 = vector.bitcast %mul3A_599 : vector<16xf32> to vector<16xi32>
    %add3A_605 = arith.constant 32768 : i32
    %add3A_606 = vector.broadcast %add3A_605 : i32 to vector<16xi32>
    %add3A_607 = arith.addi %bitcast3A_604, %add3A_606 : vector<16xi32>
    %shift_right_arithmetic3A_608 = arith.constant 16 : i32
    %shift_right_arithmetic3A_609 = vector.broadcast %shift_right_arithmetic3A_608 : i32 to vector<16xi32>
    %shift_right_arithmetic3A_610 = arith.shrsi %add3A_603, %shift_right_arithmetic3A_609 : vector<16xi32>
    %and3A_611 = arith.constant 65535 : i32
    %and3A_612 = vector.broadcast %and3A_611 : i32 to vector<16xi32>
    %and3A_613 = arith.andi %shift_right_arithmetic3A_610, %and3A_612 : vector<16xi32>
    %and3A_614 = arith.constant -65536 : i32
    %and3A_615 = vector.broadcast %and3A_614 : i32 to vector<16xi32>
    %and3A_616 = arith.andi %add3A_607, %and3A_615 : vector<16xi32>
    %or3A_617 = arith.ori %and3A_613, %and3A_616 : vector<16xi32>
    %mul3A_618 = arith.mulf %gather3A_553, %mul3A_597 : vector<16xf32>
    %mul3A_619 = arith.mulf %gather3A_561, %mul3A_597 : vector<16xf32>
    %bitcast3A_620 = vector.bitcast %mul3A_618 : vector<16xf32> to vector<16xi32>
    %add3A_621 = arith.constant 32768 : i32
    %add3A_622 = vector.broadcast %add3A_621 : i32 to vector<16xi32>
    %add3A_623 = arith.addi %bitcast3A_620, %add3A_622 : vector<16xi32>
    %bitcast3A_624 = vector.bitcast %mul3A_619 : vector<16xf32> to vector<16xi32>
    %add3A_625 = arith.constant 32768 : i32
    %add3A_626 = vector.broadcast %add3A_625 : i32 to vector<16xi32>
    %add3A_627 = arith.addi %bitcast3A_624, %add3A_626 : vector<16xi32>
    %shift_right_arithmetic3A_628 = arith.constant 16 : i32
    %shift_right_arithmetic3A_629 = vector.broadcast %shift_right_arithmetic3A_628 : i32 to vector<16xi32>
    %shift_right_arithmetic3A_630 = arith.shrsi %add3A_623, %shift_right_arithmetic3A_629 : vector<16xi32>
    %and3A_631 = arith.constant 65535 : i32
    %and3A_632 = vector.broadcast %and3A_631 : i32 to vector<16xi32>
    %and3A_633 = arith.andi %shift_right_arithmetic3A_630, %and3A_632 : vector<16xi32>
    %and3A_634 = arith.constant -65536 : i32
    %and3A_635 = vector.broadcast %and3A_634 : i32 to vector<16xi32>
    %and3A_636 = arith.andi %add3A_627, %and3A_635 : vector<16xi32>
    %or3A_637 = arith.ori %and3A_633, %and3A_636 : vector<16xi32>
    %mul3A_638 = arith.constant 2 : i32
    %mul3A_639 = vector.broadcast %mul3A_638 : i32 to vector<16xi32>
    %mul3A_640 = arith.muli %mul3A_639, %min3A_545 : vector<16xi32>
    tpu.vector_store_idx %arg11[%mul3A_640], %or3A_617 : memref<256xi32, #tpu.memory_space<vmem>>[vector<16xi32>], vector<16xi32>,
    %mul3A_641 = arith.constant 2 : i32
    %mul3A_642 = vector.broadcast %mul3A_641 : i32 to vector<16xi32>
    %mul3A_643 = arith.muli %mul3A_642, %min3A_545 : vector<16xi32>
    %add3A_644 = arith.constant 1 : i32
    %add3A_645 = vector.broadcast %add3A_644 : i32 to vector<16xi32>
    %add3A_646 = arith.addi %mul3A_643, %add3A_645 : vector<16xi32>
    tpu.vector_store_idx %arg11[%add3A_646], %or3A_637 : memref<256xi32, #tpu.memory_space<vmem>>[vector<16xi32>], vector<16xi32>,
    %iota3A_647 = tpu.iota {dimensions = array<i32: 0>} : vector<16xi32>
    %add3A_648 = arith.constant 96 : i32
    %add3A_649 = vector.broadcast %add3A_648 : i32 to vector<16xi32>
    %add3A_650 = arith.addi %iota3A_647, %add3A_649 : vector<16xi32>
    %min3A_651 = arith.constant 99 : i32
    %min3A_652 = vector.broadcast %min3A_651 : i32 to vector<16xi32>
    %min3A_653 = arith.minsi %add3A_650, %min3A_652 : vector<16xi32>
    %mul3A_654 = arith.constant 4 : i32
    %mul3A_655 = vector.broadcast %mul3A_654 : i32 to vector<16xi32>
    %mul3A_656 = arith.muli %min3A_653, %mul3A_655 : vector<16xi32>
    %gather3A_657 = tpu.vector_load_idx %arg10[%mul3A_656] : memref<400xf32, #tpu.memory_space<vmem>>[vector<16xi32>], vector<16xf32>,
    %add3A_658 = arith.constant 1 : i32
    %add3A_659 = vector.broadcast %add3A_658 : i32 to vector<16xi32>
    %add3A_660 = arith.addi %mul3A_656, %add3A_659 : vector<16xi32>
    %gather3A_661 = tpu.vector_load_idx %arg10[%add3A_660] : memref<400xf32, #tpu.memory_space<vmem>>[vector<16xi32>], vector<16xf32>,
    %add3A_662 = arith.constant 2 : i32
    %add3A_663 = vector.broadcast %add3A_662 : i32 to vector<16xi32>
    %add3A_664 = arith.addi %mul3A_656, %add3A_663 : vector<16xi32>
    %gather3A_665 = tpu.vector_load_idx %arg10[%add3A_664] : memref<400xf32, #tpu.memory_space<vmem>>[vector<16xi32>], vector<16xf32>,
    %add3A_666 = arith.constant 3 : i32
    %add3A_667 = vector.broadcast %add3A_666 : i32 to vector<16xi32>
    %add3A_668 = arith.addi %mul3A_656, %add3A_667 : vector<16xi32>
    %gather3A_669 = tpu.vector_load_idx %arg10[%add3A_668] : memref<400xf32, #tpu.memory_space<vmem>>[vector<16xi32>], vector<16xf32>,
    %mul3A_670 = arith.mulf %gather3A_657, %gather3A_657 : vector<16xf32>
    %mul3A_671 = arith.mulf %gather3A_661, %gather3A_661 : vector<16xf32>
    %add3A_672 = arith.addf %mul3A_670, %mul3A_671 : vector<16xf32>
    %mul3A_673 = arith.mulf %gather3A_665, %gather3A_665 : vector<16xf32>
    %add3A_674 = arith.addf %add3A_672, %mul3A_673 : vector<16xf32>
    %mul3A_675 = arith.mulf %gather3A_669, %gather3A_669 : vector<16xf32>
    %add3A_676 = arith.addf %add3A_674, %mul3A_675 : vector<16xf32>
    %bitcast3A_677 = vector.bitcast %add3A_676 : vector<16xf32> to vector<16xi32>
    %shift_right_arithmetic3A_678 = arith.constant 1 : i32
    %shift_right_arithmetic3A_679 = vector.broadcast %shift_right_arithmetic3A_678 : i32 to vector<16xi32>
    %shift_right_arithmetic3A_680 = arith.shrsi %bitcast3A_677, %shift_right_arithmetic3A_679 : vector<16xi32>
    %sub3A_681 = arith.constant 1597463007 : i32
    %sub3A_682 = vector.broadcast %sub3A_681 : i32 to vector<16xi32>
    %sub3A_683 = arith.subi %sub3A_682, %shift_right_arithmetic3A_680 : vector<16xi32>
    %bitcast3A_684 = vector.bitcast %sub3A_683 : vector<16xi32> to vector<16xf32>
    %mul3A_685 = arith.constant 5.000000e-01 : f32
    %mul3A_686 = vector.broadcast %mul3A_685 : f32 to vector<16xf32>
    %mul3A_687 = arith.mulf %add3A_676, %mul3A_686 : vector<16xf32>
    %mul3A_688 = arith.mulf %mul3A_687, %bitcast3A_684 : vector<16xf32>
    %mul3A_689 = arith.mulf %mul3A_688, %bitcast3A_684 : vector<16xf32>
    %sub3A_690 = arith.constant 1.500000e+00 : f32
    %sub3A_691 = vector.broadcast %sub3A_690 : f32 to vector<16xf32>
    %sub3A_692 = arith.subf %sub3A_691, %mul3A_689 : vector<16xf32>
    %mul3A_693 = arith.mulf %bitcast3A_684, %sub3A_692 : vector<16xf32>
    %mul3A_694 = arith.mulf %mul3A_687, %mul3A_693 : vector<16xf32>
    %mul3A_695 = arith.mulf %mul3A_694, %mul3A_693 : vector<16xf32>
    %sub3A_696 = arith.constant 1.500000e+00 : f32
    %sub3A_697 = vector.broadcast %sub3A_696 : f32 to vector<16xf32>
    %sub3A_698 = arith.subf %sub3A_697, %mul3A_695 : vector<16xf32>
    %mul3A_699 = arith.mulf %mul3A_693, %sub3A_698 : vector<16xf32>
    %mul3A_700 = arith.mulf %mul3A_687, %mul3A_699 : vector<16xf32>
    %mul3A_701 = arith.mulf %mul3A_700, %mul3A_699 : vector<16xf32>
    %sub3A_702 = arith.constant 1.500000e+00 : f32
    %sub3A_703 = vector.broadcast %sub3A_702 : f32 to vector<16xf32>
    %sub3A_704 = arith.subf %sub3A_703, %mul3A_701 : vector<16xf32>
    %mul3A_705 = arith.mulf %mul3A_699, %sub3A_704 : vector<16xf32>
    %mul3A_706 = arith.mulf %gather3A_657, %mul3A_705 : vector<16xf32>
    %mul3A_707 = arith.mulf %gather3A_665, %mul3A_705 : vector<16xf32>
    %bitcast3A_708 = vector.bitcast %mul3A_706 : vector<16xf32> to vector<16xi32>
    %add3A_709 = arith.constant 32768 : i32
    %add3A_710 = vector.broadcast %add3A_709 : i32 to vector<16xi32>
    %add3A_711 = arith.addi %bitcast3A_708, %add3A_710 : vector<16xi32>
    %bitcast3A_712 = vector.bitcast %mul3A_707 : vector<16xf32> to vector<16xi32>
    %add3A_713 = arith.constant 32768 : i32
    %add3A_714 = vector.broadcast %add3A_713 : i32 to vector<16xi32>
    %add3A_715 = arith.addi %bitcast3A_712, %add3A_714 : vector<16xi32>
    %shift_right_arithmetic3A_716 = arith.constant 16 : i32
    %shift_right_arithmetic3A_717 = vector.broadcast %shift_right_arithmetic3A_716 : i32 to vector<16xi32>
    %shift_right_arithmetic3A_718 = arith.shrsi %add3A_711, %shift_right_arithmetic3A_717 : vector<16xi32>
    %and3A_719 = arith.constant 65535 : i32
    %and3A_720 = vector.broadcast %and3A_719 : i32 to vector<16xi32>
    %and3A_721 = arith.andi %shift_right_arithmetic3A_718, %and3A_720 : vector<16xi32>
    %and3A_722 = arith.constant -65536 : i32
    %and3A_723 = vector.broadcast %and3A_722 : i32 to vector<16xi32>
    %and3A_724 = arith.andi %add3A_715, %and3A_723 : vector<16xi32>
    %or3A_725 = arith.ori %and3A_721, %and3A_724 : vector<16xi32>
    %mul3A_726 = arith.mulf %gather3A_661, %mul3A_705 : vector<16xf32>
    %mul3A_727 = arith.mulf %gather3A_669, %mul3A_705 : vector<16xf32>
    %bitcast3A_728 = vector.bitcast %mul3A_726 : vector<16xf32> to vector<16xi32>
    %add3A_729 = arith.constant 32768 : i32
    %add3A_730 = vector.broadcast %add3A_729 : i32 to vector<16xi32>
    %add3A_731 = arith.addi %bitcast3A_728, %add3A_730 : vector<16xi32>
    %bitcast3A_732 = vector.bitcast %mul3A_727 : vector<16xf32> to vector<16xi32>
    %add3A_733 = arith.constant 32768 : i32
    %add3A_734 = vector.broadcast %add3A_733 : i32 to vector<16xi32>
    %add3A_735 = arith.addi %bitcast3A_732, %add3A_734 : vector<16xi32>
    %shift_right_arithmetic3A_736 = arith.constant 16 : i32
    %shift_right_arithmetic3A_737 = vector.broadcast %shift_right_arithmetic3A_736 : i32 to vector<16xi32>
    %shift_right_arithmetic3A_738 = arith.shrsi %add3A_731, %shift_right_arithmetic3A_737 : vector<16xi32>
    %and3A_739 = arith.constant 65535 : i32
    %and3A_740 = vector.broadcast %and3A_739 : i32 to vector<16xi32>
    %and3A_741 = arith.andi %shift_right_arithmetic3A_738, %and3A_740 : vector<16xi32>
    %and3A_742 = arith.constant -65536 : i32
    %and3A_743 = vector.broadcast %and3A_742 : i32 to vector<16xi32>
    %and3A_744 = arith.andi %add3A_735, %and3A_743 : vector<16xi32>
    %or3A_745 = arith.ori %and3A_741, %and3A_744 : vector<16xi32>
    %mul3A_746 = arith.constant 2 : i32
    %mul3A_747 = vector.broadcast %mul3A_746 : i32 to vector<16xi32>
    %mul3A_748 = arith.muli %mul3A_747, %min3A_653 : vector<16xi32>
    tpu.vector_store_idx %arg11[%mul3A_748], %or3A_725 : memref<256xi32, #tpu.memory_space<vmem>>[vector<16xi32>], vector<16xi32>,
    %mul3A_749 = arith.constant 2 : i32
    %mul3A_750 = vector.broadcast %mul3A_749 : i32 to vector<16xi32>
    %mul3A_751 = arith.muli %mul3A_750, %min3A_653 : vector<16xi32>
    %add3A_752 = arith.constant 1 : i32
    %add3A_753 = vector.broadcast %add3A_752 : i32 to vector<16xi32>
    %add3A_754 = arith.addi %mul3A_751, %add3A_753 : vector<16xi32>
    tpu.vector_store_idx %arg11[%add3A_754], %or3A_745 : memref<256xi32, #tpu.memory_space<vmem>>[vector<16xi32>], vector<16xi32>,
    %barrier3A = arith.constant 0 : index
    tpu.barrier barrier_id(%barrier3A)
    %dma_start3A = arith.constant 0 : i32
    %dma_start3A_755 = tpu.memref_slice %arg22[%dma_start3A] : memref<102400xf32, #tpu.memory_space<vmem_shared>> -> memref<51200xf32, #tpu.memory_space<vmem_shared>>
    %dma_start3A_756 = arith.constant 0 : i32
    %dma_start3A_757 = tpu.memref_slice %arg22[%dma_start3A_756] : memref<102400xf32, #tpu.memory_space<vmem_shared>> -> memref<51200xf32, #tpu.memory_space<vmem_shared>>
    tpu.enqueue_dma source(%dma_start3A_757 : memref<51200xf32, #tpu.memory_space<vmem_shared>>) target(%arg8 : memref<51200xf32, #tpu.memory_space<vmem>>) target_semaphore(%arg23 : memref<!tpu.dma_semaphore, #tpu.memory_space<semaphore_mem>>)
    %dma_start3A_758 = arith.constant 51200 : i32
    %dma_start3A_759 = tpu.memref_slice %arg22[%dma_start3A_758] : memref<102400xf32, #tpu.memory_space<vmem_shared>> -> memref<51200xf32, #tpu.memory_space<vmem_shared>>
    %dma_start3A_760 = arith.constant 51200 : i32
    %dma_start3A_761 = tpu.memref_slice %arg22[%dma_start3A_760] : memref<102400xf32, #tpu.memory_space<vmem_shared>> -> memref<51200xf32, #tpu.memory_space<vmem_shared>>
    tpu.enqueue_dma source(%dma_start3A_761 : memref<51200xf32, #tpu.memory_space<vmem_shared>>) target(%arg9 : memref<51200xf32, #tpu.memory_space<vmem>>) target_semaphore(%arg23 : memref<!tpu.dma_semaphore, #tpu.memory_space<semaphore_mem>>)
    %add3A_762 = arith.constant 0 : i32
    %add3A_763 = arith.addi %mul3A_2, %add3A_762 : i32
    %dma_start3A_764 = tpu.memref_slice %arg2[%add3A_763] : memref<3200000xi32, #tpu.memory_space<hbm>> -> memref<2000xi32, #tpu.memory_space<hbm>>
    %dma_start3A_765 = tpu.memref_slice %arg2[%add3A_763] : memref<3200000xi32, #tpu.memory_space<hbm>> -> memref<2000xi32, #tpu.memory_space<hbm>>
    tpu.enqueue_dma source(%dma_start3A_765 : memref<2000xi32, #tpu.memory_space<hbm>>) target(%arg12 : memref<2000xi32, #tpu.memory_space<vmem>>) target_semaphore(%arg24 : memref<!tpu.dma_semaphore, #tpu.memory_space<semaphore_mem>>)
    %add3A_766 = arith.constant 1600000 : i32
    %add3A_767 = arith.addi %add3A_766, %mul3A_2 : i32
    %add3A_768 = arith.constant 0 : i32
    %add3A_769 = arith.addi %add3A_767, %add3A_768 : i32
    %dma_start3A_770 = tpu.memref_slice %arg2[%add3A_769] : memref<3200000xi32, #tpu.memory_space<hbm>> -> memref<2000xi32, #tpu.memory_space<hbm>>
    %dma_start3A_771 = tpu.memref_slice %arg2[%add3A_769] : memref<3200000xi32, #tpu.memory_space<hbm>> -> memref<2000xi32, #tpu.memory_space<hbm>>
    tpu.enqueue_dma source(%dma_start3A_771 : memref<2000xi32, #tpu.memory_space<hbm>>) target(%arg13 : memref<2000xi32, #tpu.memory_space<vmem>>) target_semaphore(%arg24 : memref<!tpu.dma_semaphore, #tpu.memory_space<semaphore_mem>>)
    %dma_wait3A = arith.constant 0 : i32
    %dma_wait3A_772 = tpu.memref_slice %arg22[%dma_wait3A] : memref<102400xf32, #tpu.memory_space<vmem_shared>> -> memref<51200xf32, #tpu.memory_space<vmem_shared>>
    %dma_wait3A_773 = arith.constant 0 : i32
    %dma_wait3A_774 = tpu.memref_slice %arg22[%dma_wait3A_773] : memref<102400xf32, #tpu.memory_space<vmem_shared>> -> memref<51200xf32, #tpu.memory_space<vmem_shared>>
    tpu.wait_dma2 semaphore(%arg23 : memref<!tpu.dma_semaphore, #tpu.memory_space<semaphore_mem>>) src(%dma_wait3A_774 : memref<51200xf32, #tpu.memory_space<vmem_shared>>) dst(%arg8 : memref<51200xf32, #tpu.memory_space<vmem>>)
    %dma_wait3A_775 = arith.constant 51200 : i32
    %dma_wait3A_776 = tpu.memref_slice %arg22[%dma_wait3A_775] : memref<102400xf32, #tpu.memory_space<vmem_shared>> -> memref<51200xf32, #tpu.memory_space<vmem_shared>>
    %dma_wait3A_777 = arith.constant 51200 : i32
    %dma_wait3A_778 = tpu.memref_slice %arg22[%dma_wait3A_777] : memref<102400xf32, #tpu.memory_space<vmem_shared>> -> memref<51200xf32, #tpu.memory_space<vmem_shared>>
    tpu.wait_dma2 semaphore(%arg23 : memref<!tpu.dma_semaphore, #tpu.memory_space<semaphore_mem>>) src(%dma_wait3A_778 : memref<51200xf32, #tpu.memory_space<vmem_shared>>) dst(%arg9 : memref<51200xf32, #tpu.memory_space<vmem>>)
    %broadcast_in_dim3A = arith.constant 0.000000e+00 : f32
    %broadcast_in_dim3A_779 = vector.broadcast %broadcast_in_dim3A : f32 to vector<16xf32>
    %scan3A_780 = arith.constant -65536 : i32
    %scan3A_781 = arith.constant 0 : i32
    %scan3A_782 = arith.constant 12 : i32
    %scan3A_783 = arith.addi %scan3A_781, %scan3A_782 : i32
    %scan3A_784 = arith.constant 1 : i32
    %scan3A_785 = scf.for %scan3A_897 = %scan3A_781 to %scan3A_783 step %scan3A_784 iter_args(%scan3A_898 = %broadcast_in_dim3A_779) -> (vector<16xf32>)  : i32 {
      %mul3A_899 = arith.constant 1 : i32
      %mul3A_900 = arith.muli %scan3A_897, %mul3A_899 : i32
      %add3A_901 = arith.constant 0 : i32
      %add3A_902 = arith.addi %add3A_901, %mul3A_900 : i32
      %mul3A_903 = arith.constant 2 : i32
      %mul3A_904 = arith.muli %mul3A_903, %add3A_902 : i32
      %add3A_905 = arith.constant 1 : i32
      %add3A_906 = arith.addi %mul3A_904, %add3A_905 : i32
      %mul3A_907 = arith.constant 2000 : i32
      %mul3A_908 = arith.muli %add3A_906, %mul3A_907 : i32
      %add3A_909 = arith.addi %mul3A_2, %mul3A_908 : i32
      %dma_start3A_910 = tpu.memref_slice %arg2[%add3A_909] : memref<3200000xi32, #tpu.memory_space<hbm>> -> memref<2000xi32, #tpu.memory_space<hbm>>
      %dma_start3A_911 = tpu.memref_slice %arg2[%add3A_909] : memref<3200000xi32, #tpu.memory_space<hbm>> -> memref<2000xi32, #tpu.memory_space<hbm>>
      tpu.enqueue_dma source(%dma_start3A_911 : memref<2000xi32, #tpu.memory_space<hbm>>) target(%arg14 : memref<2000xi32, #tpu.memory_space<vmem>>) target_semaphore(%arg25 : memref<!tpu.dma_semaphore, #tpu.memory_space<semaphore_mem>>)
      %add3A_912 = arith.constant 1600000 : i32
      %add3A_913 = arith.addi %add3A_912, %mul3A_2 : i32
      %mul3A_914 = arith.constant 2000 : i32
      %mul3A_915 = arith.muli %add3A_906, %mul3A_914 : i32
      %add3A_916 = arith.addi %add3A_913, %mul3A_915 : i32
      %dma_start3A_917 = tpu.memref_slice %arg2[%add3A_916] : memref<3200000xi32, #tpu.memory_space<hbm>> -> memref<2000xi32, #tpu.memory_space<hbm>>
      %dma_start3A_918 = tpu.memref_slice %arg2[%add3A_916] : memref<3200000xi32, #tpu.memory_space<hbm>> -> memref<2000xi32, #tpu.memory_space<hbm>>
      tpu.enqueue_dma source(%dma_start3A_918 : memref<2000xi32, #tpu.memory_space<hbm>>) target(%arg15 : memref<2000xi32, #tpu.memory_space<vmem>>) target_semaphore(%arg25 : memref<!tpu.dma_semaphore, #tpu.memory_space<semaphore_mem>>)
      %mul3A_919 = arith.constant 2000 : i32
      %mul3A_920 = arith.muli %mul3A_904, %mul3A_919 : i32
      %add3A_921 = arith.addi %mul3A_2, %mul3A_920 : i32
      %dma_wait3A_922 = tpu.memref_slice %arg2[%add3A_921] : memref<3200000xi32, #tpu.memory_space<hbm>> -> memref<2000xi32, #tpu.memory_space<hbm>>
      %dma_wait3A_923 = tpu.memref_slice %arg2[%add3A_921] : memref<3200000xi32, #tpu.memory_space<hbm>> -> memref<2000xi32, #tpu.memory_space<hbm>>
      tpu.wait_dma2 semaphore(%arg24 : memref<!tpu.dma_semaphore, #tpu.memory_space<semaphore_mem>>) src(%dma_wait3A_923 : memref<2000xi32, #tpu.memory_space<hbm>>) dst(%arg12 : memref<2000xi32, #tpu.memory_space<vmem>>)
      %add3A_924 = arith.constant 1600000 : i32
      %add3A_925 = arith.addi %add3A_924, %mul3A_2 : i32
      %mul3A_926 = arith.constant 2000 : i32
      %mul3A_927 = arith.muli %mul3A_904, %mul3A_926 : i32
      %add3A_928 = arith.addi %add3A_925, %mul3A_927 : i32
      %dma_wait3A_929 = tpu.memref_slice %arg2[%add3A_928] : memref<3200000xi32, #tpu.memory_space<hbm>> -> memref<2000xi32, #tpu.memory_space<hbm>>
      %dma_wait3A_930 = tpu.memref_slice %arg2[%add3A_928] : memref<3200000xi32, #tpu.memory_space<hbm>> -> memref<2000xi32, #tpu.memory_space<hbm>>
      tpu.wait_dma2 semaphore(%arg24 : memref<!tpu.dma_semaphore, #tpu.memory_space<semaphore_mem>>) src(%dma_wait3A_930 : memref<2000xi32, #tpu.memory_space<hbm>>) dst(%arg13 : memref<2000xi32, #tpu.memory_space<vmem>>)
      %scan3A_931 = arith.constant 0 : i32
      %scan3A_932 = arith.constant 124 : i32
      %scan3A_933 = arith.addi %scan3A_931, %scan3A_932 : i32
      %scan3A_934 = arith.constant 2 : i32
      %scan3A_935 = scf.for %scan3A_1159 = %scan3A_931 to %scan3A_933 step %scan3A_934 iter_args(%scan3A_1160 = %scan3A_898) -> (vector<16xf32>)  : i32 {
        %mul3A_1161 = arith.constant 1 : i32
        %mul3A_1162 = arith.muli %scan3A_1159, %mul3A_1161 : i32
        %add3A_1163 = arith.constant 0 : i32
        %add3A_1164 = arith.addi %add3A_1163, %mul3A_1162 : i32
        %mul3A_1165 = arith.constant 16 : i32
        %mul3A_1166 = arith.muli %add3A_1164, %mul3A_1165 : i32
        %get3A_1167 = arith.index_cast %mul3A_1166 : i32 to index
        %get3A_1168 = tpu.vector_load %arg12[%get3A_1167] {strides = array<i32>} : memref<2000xi32, #tpu.memory_space<vmem>>, vector<16xi32>,
        %get3A_1169 = arith.index_cast %mul3A_1166 : i32 to index
        %get3A_1170 = tpu.vector_load %arg13[%get3A_1169] {strides = array<i32>} : memref<2000xi32, #tpu.memory_space<vmem>>, vector<16xi32>,
        %gather3A_1171 = tpu.vector_load_idx %arg8[%get3A_1168] : memref<51200xf32, #tpu.memory_space<vmem>>[vector<16xi32>], vector<16xf32>,
        %gather3A_1172 = tpu.vector_load_idx %arg9[%get3A_1168] : memref<51200xf32, #tpu.memory_space<vmem>>[vector<16xi32>], vector<16xf32>,
        %gather3A_1173 = tpu.vector_load_idx %arg8[%get3A_1170] : memref<51200xf32, #tpu.memory_space<vmem>>[vector<16xi32>], vector<16xf32>,
        %gather3A_1174 = tpu.vector_load_idx %arg9[%get3A_1170] : memref<51200xf32, #tpu.memory_space<vmem>>[vector<16xi32>], vector<16xf32>,
        %bitcast3A_1175 = vector.bitcast %gather3A_1171 : vector<16xf32> to vector<16xi32>
        %and3A_1176 = arith.constant 15 : i32
        %and3A_1177 = vector.broadcast %and3A_1176 : i32 to vector<16xi32>
        %and3A_1178 = arith.andi %bitcast3A_1175, %and3A_1177 : vector<16xi32>
        %bitcast3A_1179 = vector.bitcast %gather3A_1173 : vector<16xf32> to vector<16xi32>
        %and3A_1180 = arith.constant 15 : i32
        %and3A_1181 = vector.broadcast %and3A_1180 : i32 to vector<16xi32>
        %and3A_1182 = arith.andi %bitcast3A_1179, %and3A_1181 : vector<16xi32>
        %mul3A_1183 = arith.constant 10 : i32
        %mul3A_1184 = vector.broadcast %mul3A_1183 : i32 to vector<16xi32>
        %mul3A_1185 = arith.muli %and3A_1178, %mul3A_1184 : vector<16xi32>
        %add3A_1186 = arith.addi %mul3A_1185, %and3A_1182 : vector<16xi32>
        %mul3A_1187 = arith.constant 2 : i32
        %mul3A_1188 = vector.broadcast %mul3A_1187 : i32 to vector<16xi32>
        %mul3A_1189 = arith.muli %add3A_1186, %mul3A_1188 : vector<16xi32>
        %mul3A_1190 = arith.constant 10 : i32
        %mul3A_1191 = vector.broadcast %mul3A_1190 : i32 to vector<16xi32>
        %mul3A_1192 = arith.muli %and3A_1182, %mul3A_1191 : vector<16xi32>
        %add3A_1193 = arith.addi %mul3A_1192, %and3A_1178 : vector<16xi32>
        %mul3A_1194 = arith.constant 2 : i32
        %mul3A_1195 = vector.broadcast %mul3A_1194 : i32 to vector<16xi32>
        %mul3A_1196 = arith.muli %add3A_1193, %mul3A_1195 : vector<16xi32>
        %gather3A_1197 = tpu.vector_load_idx %arg11[%mul3A_1189] : memref<256xi32, #tpu.memory_space<vmem>>[vector<16xi32>], vector<16xi32>,
        %add3A_1198 = arith.constant 1 : i32
        %add3A_1199 = vector.broadcast %add3A_1198 : i32 to vector<16xi32>
        %add3A_1200 = arith.addi %mul3A_1189, %add3A_1199 : vector<16xi32>
        %gather3A_1201 = tpu.vector_load_idx %arg11[%add3A_1200] : memref<256xi32, #tpu.memory_space<vmem>>[vector<16xi32>], vector<16xi32>,
        %gather3A_1202 = tpu.vector_load_idx %arg11[%mul3A_1196] : memref<256xi32, #tpu.memory_space<vmem>>[vector<16xi32>], vector<16xi32>,
        %add3A_1203 = arith.constant 1 : i32
        %add3A_1204 = vector.broadcast %add3A_1203 : i32 to vector<16xi32>
        %add3A_1205 = arith.addi %mul3A_1196, %add3A_1204 : vector<16xi32>
        %gather3A_1206 = tpu.vector_load_idx %arg11[%add3A_1205] : memref<256xi32, #tpu.memory_space<vmem>>[vector<16xi32>], vector<16xi32>,
        %shift_left3A_1207 = arith.constant 16 : i32
        %shift_left3A_1208 = vector.broadcast %shift_left3A_1207 : i32 to vector<16xi32>
        %shift_left3A_1209 = arith.shli %gather3A_1197, %shift_left3A_1208 : vector<16xi32>
        %bitcast3A_1210 = vector.bitcast %shift_left3A_1209 : vector<16xi32> to vector<16xf32>
        %and3A_1211 = vector.broadcast %scan3A_780 : i32 to vector<16xi32>
        %and3A_1212 = arith.andi %gather3A_1197, %and3A_1211 : vector<16xi32>
        %bitcast3A_1213 = vector.bitcast %and3A_1212 : vector<16xi32> to vector<16xf32>
        %shift_left3A_1214 = arith.constant 16 : i32
        %shift_left3A_1215 = vector.broadcast %shift_left3A_1214 : i32 to vector<16xi32>
        %shift_left3A_1216 = arith.shli %gather3A_1201, %shift_left3A_1215 : vector<16xi32>
        %bitcast3A_1217 = vector.bitcast %shift_left3A_1216 : vector<16xi32> to vector<16xf32>
        %and3A_1218 = vector.broadcast %scan3A_780 : i32 to vector<16xi32>
        %and3A_1219 = arith.andi %gather3A_1201, %and3A_1218 : vector<16xi32>
        %bitcast3A_1220 = vector.bitcast %and3A_1219 : vector<16xi32> to vector<16xf32>
        %shift_left3A_1221 = arith.constant 16 : i32
        %shift_left3A_1222 = vector.broadcast %shift_left3A_1221 : i32 to vector<16xi32>
        %shift_left3A_1223 = arith.shli %gather3A_1202, %shift_left3A_1222 : vector<16xi32>
        %bitcast3A_1224 = vector.bitcast %shift_left3A_1223 : vector<16xi32> to vector<16xf32>
        %and3A_1225 = vector.broadcast %scan3A_780 : i32 to vector<16xi32>
        %and3A_1226 = arith.andi %gather3A_1202, %and3A_1225 : vector<16xi32>
        %bitcast3A_1227 = vector.bitcast %and3A_1226 : vector<16xi32> to vector<16xf32>
        %shift_left3A_1228 = arith.constant 16 : i32
        %shift_left3A_1229 = vector.broadcast %shift_left3A_1228 : i32 to vector<16xi32>
        %shift_left3A_1230 = arith.shli %gather3A_1206, %shift_left3A_1229 : vector<16xi32>
        %bitcast3A_1231 = vector.bitcast %shift_left3A_1230 : vector<16xi32> to vector<16xf32>
        %and3A_1232 = vector.broadcast %scan3A_780 : i32 to vector<16xi32>
        %and3A_1233 = arith.andi %gather3A_1206, %and3A_1232 : vector<16xi32>
        %bitcast3A_1234 = vector.bitcast %and3A_1233 : vector<16xi32> to vector<16xf32>
        %mul3A_1235 = arith.mulf %bitcast3A_1210, %gather3A_1171 : vector<16xf32>
        %mul3A_1236 = arith.mulf %bitcast3A_1213, %gather3A_1172 : vector<16xf32>
        %add3A_1237 = arith.addf %mul3A_1235, %mul3A_1236 : vector<16xf32>
        %mul3A_1238 = arith.mulf %bitcast3A_1224, %gather3A_1173 : vector<16xf32>
        %mul3A_1239 = arith.mulf %bitcast3A_1227, %gather3A_1174 : vector<16xf32>
        %add3A_1240 = arith.addf %mul3A_1238, %mul3A_1239 : vector<16xf32>
        %sub3A_1241 = arith.subf %add3A_1237, %add3A_1240 : vector<16xf32>
        %mul3A_1242 = arith.mulf %bitcast3A_1217, %gather3A_1171 : vector<16xf32>
        %mul3A_1243 = arith.mulf %bitcast3A_1220, %gather3A_1172 : vector<16xf32>
        %add3A_1244 = arith.addf %mul3A_1242, %mul3A_1243 : vector<16xf32>
        %mul3A_1245 = arith.mulf %bitcast3A_1231, %gather3A_1173 : vector<16xf32>
        %mul3A_1246 = arith.mulf %bitcast3A_1234, %gather3A_1174 : vector<16xf32>
        %add3A_1247 = arith.addf %mul3A_1245, %mul3A_1246 : vector<16xf32>
        %sub3A_1248 = arith.subf %add3A_1244, %add3A_1247 : vector<16xf32>
        %mul3A_1249 = arith.mulf %sub3A_1241, %sub3A_1241 : vector<16xf32>
        %add3A_1250 = arith.addf %scan3A_1160, %mul3A_1249 : vector<16xf32>
        %mul3A_1251 = arith.mulf %sub3A_1248, %sub3A_1248 : vector<16xf32>
        %add3A_1252 = arith.addf %add3A_1250, %mul3A_1251 : vector<16xf32>
        %scan3A_1253 = arith.constant 1 : i32
        %scan3A_1254 = arith.addi %scan3A_1159, %scan3A_1253 : i32
        %mul3A_1255 = arith.constant 1 : i32
        %mul3A_1256 = arith.muli %scan3A_1254, %mul3A_1255 : i32
        %add3A_1257 = arith.constant 0 : i32
        %add3A_1258 = arith.addi %add3A_1257, %mul3A_1256 : i32
        %mul3A_1259 = arith.constant 16 : i32
        %mul3A_1260 = arith.muli %add3A_1258, %mul3A_1259 : i32
        %get3A_1261 = arith.index_cast %mul3A_1260 : i32 to index
        %get3A_1262 = tpu.vector_load %arg12[%get3A_1261] {strides = array<i32>} : memref<2000xi32, #tpu.memory_space<vmem>>, vector<16xi32>,
        %get3A_1263 = arith.index_cast %mul3A_1260 : i32 to index
        %get3A_1264 = tpu.vector_load %arg13[%get3A_1263] {strides = array<i32>} : memref<2000xi32, #tpu.memory_space<vmem>>, vector<16xi32>,
        %gather3A_1265 = tpu.vector_load_idx %arg8[%get3A_1262] : memref<51200xf32, #tpu.memory_space<vmem>>[vector<16xi32>], vector<16xf32>,
        %gather3A_1266 = tpu.vector_load_idx %arg9[%get3A_1262] : memref<51200xf32, #tpu.memory_space<vmem>>[vector<16xi32>], vector<16xf32>,
        %gather3A_1267 = tpu.vector_load_idx %arg8[%get3A_1264] : memref<51200xf32, #tpu.memory_space<vmem>>[vector<16xi32>], vector<16xf32>,
        %gather3A_1268 = tpu.vector_load_idx %arg9[%get3A_1264] : memref<51200xf32, #tpu.memory_space<vmem>>[vector<16xi32>], vector<16xf32>,
        %bitcast3A_1269 = vector.bitcast %gather3A_1265 : vector<16xf32> to vector<16xi32>
        %and3A_1270 = arith.constant 15 : i32
        %and3A_1271 = vector.broadcast %and3A_1270 : i32 to vector<16xi32>
        %and3A_1272 = arith.andi %bitcast3A_1269, %and3A_1271 : vector<16xi32>
        %bitcast3A_1273 = vector.bitcast %gather3A_1267 : vector<16xf32> to vector<16xi32>
        %and3A_1274 = arith.constant 15 : i32
        %and3A_1275 = vector.broadcast %and3A_1274 : i32 to vector<16xi32>
        %and3A_1276 = arith.andi %bitcast3A_1273, %and3A_1275 : vector<16xi32>
        %mul3A_1277 = arith.constant 10 : i32
        %mul3A_1278 = vector.broadcast %mul3A_1277 : i32 to vector<16xi32>
        %mul3A_1279 = arith.muli %and3A_1272, %mul3A_1278 : vector<16xi32>
        %add3A_1280 = arith.addi %mul3A_1279, %and3A_1276 : vector<16xi32>
        %mul3A_1281 = arith.constant 2 : i32
        %mul3A_1282 = vector.broadcast %mul3A_1281 : i32 to vector<16xi32>
        %mul3A_1283 = arith.muli %add3A_1280, %mul3A_1282 : vector<16xi32>
        %mul3A_1284 = arith.constant 10 : i32
        %mul3A_1285 = vector.broadcast %mul3A_1284 : i32 to vector<16xi32>
        %mul3A_1286 = arith.muli %and3A_1276, %mul3A_1285 : vector<16xi32>
        %add3A_1287 = arith.addi %mul3A_1286, %and3A_1272 : vector<16xi32>
        %mul3A_1288 = arith.constant 2 : i32
        %mul3A_1289 = vector.broadcast %mul3A_1288 : i32 to vector<16xi32>
        %mul3A_1290 = arith.muli %add3A_1287, %mul3A_1289 : vector<16xi32>
        %gather3A_1291 = tpu.vector_load_idx %arg11[%mul3A_1283] : memref<256xi32, #tpu.memory_space<vmem>>[vector<16xi32>], vector<16xi32>,
        %add3A_1292 = arith.constant 1 : i32
        %add3A_1293 = vector.broadcast %add3A_1292 : i32 to vector<16xi32>
        %add3A_1294 = arith.addi %mul3A_1283, %add3A_1293 : vector<16xi32>
        %gather3A_1295 = tpu.vector_load_idx %arg11[%add3A_1294] : memref<256xi32, #tpu.memory_space<vmem>>[vector<16xi32>], vector<16xi32>,
        %gather3A_1296 = tpu.vector_load_idx %arg11[%mul3A_1290] : memref<256xi32, #tpu.memory_space<vmem>>[vector<16xi32>], vector<16xi32>,
        %add3A_1297 = arith.constant 1 : i32
        %add3A_1298 = vector.broadcast %add3A_1297 : i32 to vector<16xi32>
        %add3A_1299 = arith.addi %mul3A_1290, %add3A_1298 : vector<16xi32>
        %gather3A_1300 = tpu.vector_load_idx %arg11[%add3A_1299] : memref<256xi32, #tpu.memory_space<vmem>>[vector<16xi32>], vector<16xi32>,
        %shift_left3A_1301 = arith.constant 16 : i32
        %shift_left3A_1302 = vector.broadcast %shift_left3A_1301 : i32 to vector<16xi32>
        %shift_left3A_1303 = arith.shli %gather3A_1291, %shift_left3A_1302 : vector<16xi32>
        %bitcast3A_1304 = vector.bitcast %shift_left3A_1303 : vector<16xi32> to vector<16xf32>
        %and3A_1305 = vector.broadcast %scan3A_780 : i32 to vector<16xi32>
        %and3A_1306 = arith.andi %gather3A_1291, %and3A_1305 : vector<16xi32>
        %bitcast3A_1307 = vector.bitcast %and3A_1306 : vector<16xi32> to vector<16xf32>
        %shift_left3A_1308 = arith.constant 16 : i32
        %shift_left3A_1309 = vector.broadcast %shift_left3A_1308 : i32 to vector<16xi32>
        %shift_left3A_1310 = arith.shli %gather3A_1295, %shift_left3A_1309 : vector<16xi32>
        %bitcast3A_1311 = vector.bitcast %shift_left3A_1310 : vector<16xi32> to vector<16xf32>
        %and3A_1312 = vector.broadcast %scan3A_780 : i32 to vector<16xi32>
        %and3A_1313 = arith.andi %gather3A_1295, %and3A_1312 : vector<16xi32>
        %bitcast3A_1314 = vector.bitcast %and3A_1313 : vector<16xi32> to vector<16xf32>
        %shift_left3A_1315 = arith.constant 16 : i32
        %shift_left3A_1316 = vector.broadcast %shift_left3A_1315 : i32 to vector<16xi32>
        %shift_left3A_1317 = arith.shli %gather3A_1296, %shift_left3A_1316 : vector<16xi32>
        %bitcast3A_1318 = vector.bitcast %shift_left3A_1317 : vector<16xi32> to vector<16xf32>
        %and3A_1319 = vector.broadcast %scan3A_780 : i32 to vector<16xi32>
        %and3A_1320 = arith.andi %gather3A_1296, %and3A_1319 : vector<16xi32>
        %bitcast3A_1321 = vector.bitcast %and3A_1320 : vector<16xi32> to vector<16xf32>
        %shift_left3A_1322 = arith.constant 16 : i32
        %shift_left3A_1323 = vector.broadcast %shift_left3A_1322 : i32 to vector<16xi32>
        %shift_left3A_1324 = arith.shli %gather3A_1300, %shift_left3A_1323 : vector<16xi32>
        %bitcast3A_1325 = vector.bitcast %shift_left3A_1324 : vector<16xi32> to vector<16xf32>
        %and3A_1326 = vector.broadcast %scan3A_780 : i32 to vector<16xi32>
        %and3A_1327 = arith.andi %gather3A_1300, %and3A_1326 : vector<16xi32>
        %bitcast3A_1328 = vector.bitcast %and3A_1327 : vector<16xi32> to vector<16xf32>
        %mul3A_1329 = arith.mulf %bitcast3A_1304, %gather3A_1265 : vector<16xf32>
        %mul3A_1330 = arith.mulf %bitcast3A_1307, %gather3A_1266 : vector<16xf32>
        %add3A_1331 = arith.addf %mul3A_1329, %mul3A_1330 : vector<16xf32>
        %mul3A_1332 = arith.mulf %bitcast3A_1318, %gather3A_1267 : vector<16xf32>
        %mul3A_1333 = arith.mulf %bitcast3A_1321, %gather3A_1268 : vector<16xf32>
        %add3A_1334 = arith.addf %mul3A_1332, %mul3A_1333 : vector<16xf32>
        %sub3A_1335 = arith.subf %add3A_1331, %add3A_1334 : vector<16xf32>
        %mul3A_1336 = arith.mulf %bitcast3A_1311, %gather3A_1265 : vector<16xf32>
        %mul3A_1337 = arith.mulf %bitcast3A_1314, %gather3A_1266 : vector<16xf32>
        %add3A_1338 = arith.addf %mul3A_1336, %mul3A_1337 : vector<16xf32>
        %mul3A_1339 = arith.mulf %bitcast3A_1325, %gather3A_1267 : vector<16xf32>
        %mul3A_1340 = arith.mulf %bitcast3A_1328, %gather3A_1268 : vector<16xf32>
        %add3A_1341 = arith.addf %mul3A_1339, %mul3A_1340 : vector<16xf32>
        %sub3A_1342 = arith.subf %add3A_1338, %add3A_1341 : vector<16xf32>
        %mul3A_1343 = arith.mulf %sub3A_1335, %sub3A_1335 : vector<16xf32>
        %add3A_1344 = arith.addf %add3A_1252, %mul3A_1343 : vector<16xf32>
        %mul3A_1345 = arith.mulf %sub3A_1342, %sub3A_1342 : vector<16xf32>
        %add3A_1346 = arith.addf %add3A_1344, %mul3A_1345 : vector<16xf32>
        scf.yield %add3A_1346 : vector<16xf32>
      }
      %scan3A_936 = arith.constant 124 : i32
      %scan3A_937 = arith.addi %scan3A_931, %scan3A_936 : i32
      %mul3A_938 = arith.constant 1 : i32
      %mul3A_939 = arith.muli %scan3A_937, %mul3A_938 : i32
      %add3A_940 = arith.constant 0 : i32
      %add3A_941 = arith.addi %add3A_940, %mul3A_939 : i32
      %mul3A_942 = arith.constant 16 : i32
      %mul3A_943 = arith.muli %add3A_941, %mul3A_942 : i32
      %get3A_944 = arith.index_cast %mul3A_943 : i32 to index
      %get3A_945 = tpu.vector_load %arg12[%get3A_944] {strides = array<i32>} : memref<2000xi32, #tpu.memory_space<vmem>>, vector<16xi32>,
      %get3A_946 = arith.index_cast %mul3A_943 : i32 to index
      %get3A_947 = tpu.vector_load %arg13[%get3A_946] {strides = array<i32>} : memref<2000xi32, #tpu.memory_space<vmem>>, vector<16xi32>,
      %gather3A_948 = tpu.vector_load_idx %arg8[%get3A_945] : memref<51200xf32, #tpu.memory_space<vmem>>[vector<16xi32>], vector<16xf32>,
      %gather3A_949 = tpu.vector_load_idx %arg9[%get3A_945] : memref<51200xf32, #tpu.memory_space<vmem>>[vector<16xi32>], vector<16xf32>,
      %gather3A_950 = tpu.vector_load_idx %arg8[%get3A_947] : memref<51200xf32, #tpu.memory_space<vmem>>[vector<16xi32>], vector<16xf32>,
      %gather3A_951 = tpu.vector_load_idx %arg9[%get3A_947] : memref<51200xf32, #tpu.memory_space<vmem>>[vector<16xi32>], vector<16xf32>,
      %bitcast3A_952 = vector.bitcast %gather3A_948 : vector<16xf32> to vector<16xi32>
      %and3A_953 = arith.constant 15 : i32
      %and3A_954 = vector.broadcast %and3A_953 : i32 to vector<16xi32>
      %and3A_955 = arith.andi %bitcast3A_952, %and3A_954 : vector<16xi32>
      %bitcast3A_956 = vector.bitcast %gather3A_950 : vector<16xf32> to vector<16xi32>
      %and3A_957 = arith.constant 15 : i32
      %and3A_958 = vector.broadcast %and3A_957 : i32 to vector<16xi32>
      %and3A_959 = arith.andi %bitcast3A_956, %and3A_958 : vector<16xi32>
      %mul3A_960 = arith.constant 10 : i32
      %mul3A_961 = vector.broadcast %mul3A_960 : i32 to vector<16xi32>
      %mul3A_962 = arith.muli %and3A_955, %mul3A_961 : vector<16xi32>
      %add3A_963 = arith.addi %mul3A_962, %and3A_959 : vector<16xi32>
      %mul3A_964 = arith.constant 2 : i32
      %mul3A_965 = vector.broadcast %mul3A_964 : i32 to vector<16xi32>
      %mul3A_966 = arith.muli %add3A_963, %mul3A_965 : vector<16xi32>
      %mul3A_967 = arith.constant 10 : i32
      %mul3A_968 = vector.broadcast %mul3A_967 : i32 to vector<16xi32>
      %mul3A_969 = arith.muli %and3A_959, %mul3A_968 : vector<16xi32>
      %add3A_970 = arith.addi %mul3A_969, %and3A_955 : vector<16xi32>
      %mul3A_971 = arith.constant 2 : i32
      %mul3A_972 = vector.broadcast %mul3A_971 : i32 to vector<16xi32>
      %mul3A_973 = arith.muli %add3A_970, %mul3A_972 : vector<16xi32>
      %gather3A_974 = tpu.vector_load_idx %arg11[%mul3A_966] : memref<256xi32, #tpu.memory_space<vmem>>[vector<16xi32>], vector<16xi32>,
      %add3A_975 = arith.constant 1 : i32
      %add3A_976 = vector.broadcast %add3A_975 : i32 to vector<16xi32>
      %add3A_977 = arith.addi %mul3A_966, %add3A_976 : vector<16xi32>
      %gather3A_978 = tpu.vector_load_idx %arg11[%add3A_977] : memref<256xi32, #tpu.memory_space<vmem>>[vector<16xi32>], vector<16xi32>,
      %gather3A_979 = tpu.vector_load_idx %arg11[%mul3A_973] : memref<256xi32, #tpu.memory_space<vmem>>[vector<16xi32>], vector<16xi32>,
      %add3A_980 = arith.constant 1 : i32
      %add3A_981 = vector.broadcast %add3A_980 : i32 to vector<16xi32>
      %add3A_982 = arith.addi %mul3A_973, %add3A_981 : vector<16xi32>
      %gather3A_983 = tpu.vector_load_idx %arg11[%add3A_982] : memref<256xi32, #tpu.memory_space<vmem>>[vector<16xi32>], vector<16xi32>,
      %shift_left3A_984 = arith.constant 16 : i32
      %shift_left3A_985 = vector.broadcast %shift_left3A_984 : i32 to vector<16xi32>
      %shift_left3A_986 = arith.shli %gather3A_974, %shift_left3A_985 : vector<16xi32>
      %bitcast3A_987 = vector.bitcast %shift_left3A_986 : vector<16xi32> to vector<16xf32>
      %and3A_988 = vector.broadcast %scan3A_780 : i32 to vector<16xi32>
      %and3A_989 = arith.andi %gather3A_974, %and3A_988 : vector<16xi32>
      %bitcast3A_990 = vector.bitcast %and3A_989 : vector<16xi32> to vector<16xf32>
      %shift_left3A_991 = arith.constant 16 : i32
      %shift_left3A_992 = vector.broadcast %shift_left3A_991 : i32 to vector<16xi32>
      %shift_left3A_993 = arith.shli %gather3A_978, %shift_left3A_992 : vector<16xi32>
      %bitcast3A_994 = vector.bitcast %shift_left3A_993 : vector<16xi32> to vector<16xf32>
      %and3A_995 = vector.broadcast %scan3A_780 : i32 to vector<16xi32>
      %and3A_996 = arith.andi %gather3A_978, %and3A_995 : vector<16xi32>
      %bitcast3A_997 = vector.bitcast %and3A_996 : vector<16xi32> to vector<16xf32>
      %shift_left3A_998 = arith.constant 16 : i32
      %shift_left3A_999 = vector.broadcast %shift_left3A_998 : i32 to vector<16xi32>
      %shift_left3A_1000 = arith.shli %gather3A_979, %shift_left3A_999 : vector<16xi32>
      %bitcast3A_1001 = vector.bitcast %shift_left3A_1000 : vector<16xi32> to vector<16xf32>
      %and3A_1002 = vector.broadcast %scan3A_780 : i32 to vector<16xi32>
      %and3A_1003 = arith.andi %gather3A_979, %and3A_1002 : vector<16xi32>
      %bitcast3A_1004 = vector.bitcast %and3A_1003 : vector<16xi32> to vector<16xf32>
      %shift_left3A_1005 = arith.constant 16 : i32
      %shift_left3A_1006 = vector.broadcast %shift_left3A_1005 : i32 to vector<16xi32>
      %shift_left3A_1007 = arith.shli %gather3A_983, %shift_left3A_1006 : vector<16xi32>
      %bitcast3A_1008 = vector.bitcast %shift_left3A_1007 : vector<16xi32> to vector<16xf32>
      %and3A_1009 = vector.broadcast %scan3A_780 : i32 to vector<16xi32>
      %and3A_1010 = arith.andi %gather3A_983, %and3A_1009 : vector<16xi32>
      %bitcast3A_1011 = vector.bitcast %and3A_1010 : vector<16xi32> to vector<16xf32>
      %mul3A_1012 = arith.mulf %bitcast3A_987, %gather3A_948 : vector<16xf32>
      %mul3A_1013 = arith.mulf %bitcast3A_990, %gather3A_949 : vector<16xf32>
      %add3A_1014 = arith.addf %mul3A_1012, %mul3A_1013 : vector<16xf32>
      %mul3A_1015 = arith.mulf %bitcast3A_1001, %gather3A_950 : vector<16xf32>
      %mul3A_1016 = arith.mulf %bitcast3A_1004, %gather3A_951 : vector<16xf32>
      %add3A_1017 = arith.addf %mul3A_1015, %mul3A_1016 : vector<16xf32>
      %sub3A_1018 = arith.subf %add3A_1014, %add3A_1017 : vector<16xf32>
      %mul3A_1019 = arith.mulf %bitcast3A_994, %gather3A_948 : vector<16xf32>
      %mul3A_1020 = arith.mulf %bitcast3A_997, %gather3A_949 : vector<16xf32>
      %add3A_1021 = arith.addf %mul3A_1019, %mul3A_1020 : vector<16xf32>
      %mul3A_1022 = arith.mulf %bitcast3A_1008, %gather3A_950 : vector<16xf32>
      %mul3A_1023 = arith.mulf %bitcast3A_1011, %gather3A_951 : vector<16xf32>
      %add3A_1024 = arith.addf %mul3A_1022, %mul3A_1023 : vector<16xf32>
      %sub3A_1025 = arith.subf %add3A_1021, %add3A_1024 : vector<16xf32>
      %mul3A_1026 = arith.mulf %sub3A_1018, %sub3A_1018 : vector<16xf32>
      %add3A_1027 = arith.addf %scan3A_935, %mul3A_1026 : vector<16xf32>
      %mul3A_1028 = arith.mulf %sub3A_1025, %sub3A_1025 : vector<16xf32>
      %add3A_1029 = arith.addf %add3A_1027, %mul3A_1028 : vector<16xf32>
      %scan3A_1030 = arith.constant 125 : i32
      %add3A_1031 = arith.constant 2 : i32
      %add3A_1032 = arith.addi %mul3A_904, %add3A_1031 : i32
      %mul3A_1033 = arith.constant 2000 : i32
      %mul3A_1034 = arith.muli %add3A_1032, %mul3A_1033 : i32
      %add3A_1035 = arith.addi %mul3A_2, %mul3A_1034 : i32
      %dma_start3A_1036 = tpu.memref_slice %arg2[%add3A_1035] : memref<3200000xi32, #tpu.memory_space<hbm>> -> memref<2000xi32, #tpu.memory_space<hbm>>
      %dma_start3A_1037 = tpu.memref_slice %arg2[%add3A_1035] : memref<3200000xi32, #tpu.memory_space<hbm>> -> memref<2000xi32, #tpu.memory_space<hbm>>
      tpu.enqueue_dma source(%dma_start3A_1037 : memref<2000xi32, #tpu.memory_space<hbm>>) target(%arg12 : memref<2000xi32, #tpu.memory_space<vmem>>) target_semaphore(%arg24 : memref<!tpu.dma_semaphore, #tpu.memory_space<semaphore_mem>>)
      %add3A_1038 = arith.constant 1600000 : i32
      %add3A_1039 = arith.addi %add3A_1038, %mul3A_2 : i32
      %mul3A_1040 = arith.constant 2000 : i32
      %mul3A_1041 = arith.muli %add3A_1032, %mul3A_1040 : i32
      %add3A_1042 = arith.addi %add3A_1039, %mul3A_1041 : i32
      %dma_start3A_1043 = tpu.memref_slice %arg2[%add3A_1042] : memref<3200000xi32, #tpu.memory_space<hbm>> -> memref<2000xi32, #tpu.memory_space<hbm>>
      %dma_start3A_1044 = tpu.memref_slice %arg2[%add3A_1042] : memref<3200000xi32, #tpu.memory_space<hbm>> -> memref<2000xi32, #tpu.memory_space<hbm>>
      tpu.enqueue_dma source(%dma_start3A_1044 : memref<2000xi32, #tpu.memory_space<hbm>>) target(%arg13 : memref<2000xi32, #tpu.memory_space<vmem>>) target_semaphore(%arg24 : memref<!tpu.dma_semaphore, #tpu.memory_space<semaphore_mem>>)
      %add3A_1045 = arith.constant 1 : i32
      %add3A_1046 = arith.addi %mul3A_904, %add3A_1045 : i32
      %mul3A_1047 = arith.constant 2000 : i32
      %mul3A_1048 = arith.muli %add3A_1046, %mul3A_1047 : i32
      %add3A_1049 = arith.addi %mul3A_2, %mul3A_1048 : i32
      %dma_wait3A_1050 = tpu.memref_slice %arg2[%add3A_1049] : memref<3200000xi32, #tpu.memory_space<hbm>> -> memref<2000xi32, #tpu.memory_space<hbm>>
      %dma_wait3A_1051 = tpu.memref_slice %arg2[%add3A_1049] : memref<3200000xi32, #tpu.memory_space<hbm>> -> memref<2000xi32, #tpu.memory_space<hbm>>
      tpu.wait_dma2 semaphore(%arg25 : memref<!tpu.dma_semaphore, #tpu.memory_space<semaphore_mem>>) src(%dma_wait3A_1051 : memref<2000xi32, #tpu.memory_space<hbm>>) dst(%arg14 : memref<2000xi32, #tpu.memory_space<vmem>>)
      %add3A_1052 = arith.constant 1600000 : i32
      %add3A_1053 = arith.addi %add3A_1052, %mul3A_2 : i32
      %mul3A_1054 = arith.constant 2000 : i32
      %mul3A_1055 = arith.muli %add3A_1046, %mul3A_1054 : i32
      %add3A_1056 = arith.addi %add3A_1053, %mul3A_1055 : i32
      %dma_wait3A_1057 = tpu.memref_slice %arg2[%add3A_1056] : memref<3200000xi32, #tpu.memory_space<hbm>> -> memref<2000xi32, #tpu.memory_space<hbm>>
      %dma_wait3A_1058 = tpu.memref_slice %arg2[%add3A_1056] : memref<3200000xi32, #tpu.memory_space<hbm>> -> memref<2000xi32, #tpu.memory_space<hbm>>
      tpu.wait_dma2 semaphore(%arg25 : memref<!tpu.dma_semaphore, #tpu.memory_space<semaphore_mem>>) src(%dma_wait3A_1058 : memref<2000xi32, #tpu.memory_space<hbm>>) dst(%arg15 : memref<2000xi32, #tpu.memory_space<vmem>>)
      %scan3A_1059 = arith.constant 0 : i32
      %scan3A_1060 = arith.constant 124 : i32
      %scan3A_1061 = arith.addi %scan3A_1059, %scan3A_1060 : i32
      %scan3A_1062 = arith.constant 2 : i32
      %scan3A_1063 = scf.for %scan3A_1159 = %scan3A_1059 to %scan3A_1061 step %scan3A_1062 iter_args(%scan3A_1160 = %add3A_1029) -> (vector<16xf32>)  : i32 {
        %mul3A_1161 = arith.constant 1 : i32
        %mul3A_1162 = arith.muli %scan3A_1159, %mul3A_1161 : i32
        %add3A_1163 = arith.constant 0 : i32
        %add3A_1164 = arith.addi %add3A_1163, %mul3A_1162 : i32
        %mul3A_1165 = arith.constant 16 : i32
        %mul3A_1166 = arith.muli %add3A_1164, %mul3A_1165 : i32
        %get3A_1167 = arith.index_cast %mul3A_1166 : i32 to index
        %get3A_1168 = tpu.vector_load %arg14[%get3A_1167] {strides = array<i32>} : memref<2000xi32, #tpu.memory_space<vmem>>, vector<16xi32>,
        %get3A_1169 = arith.index_cast %mul3A_1166 : i32 to index
        %get3A_1170 = tpu.vector_load %arg15[%get3A_1169] {strides = array<i32>} : memref<2000xi32, #tpu.memory_space<vmem>>, vector<16xi32>,
        %gather3A_1171 = tpu.vector_load_idx %arg8[%get3A_1168] : memref<51200xf32, #tpu.memory_space<vmem>>[vector<16xi32>], vector<16xf32>,
        %gather3A_1172 = tpu.vector_load_idx %arg9[%get3A_1168] : memref<51200xf32, #tpu.memory_space<vmem>>[vector<16xi32>], vector<16xf32>,
        %gather3A_1173 = tpu.vector_load_idx %arg8[%get3A_1170] : memref<51200xf32, #tpu.memory_space<vmem>>[vector<16xi32>], vector<16xf32>,
        %gather3A_1174 = tpu.vector_load_idx %arg9[%get3A_1170] : memref<51200xf32, #tpu.memory_space<vmem>>[vector<16xi32>], vector<16xf32>,
        %bitcast3A_1175 = vector.bitcast %gather3A_1171 : vector<16xf32> to vector<16xi32>
        %and3A_1176 = arith.constant 15 : i32
        %and3A_1177 = vector.broadcast %and3A_1176 : i32 to vector<16xi32>
        %and3A_1178 = arith.andi %bitcast3A_1175, %and3A_1177 : vector<16xi32>
        %bitcast3A_1179 = vector.bitcast %gather3A_1173 : vector<16xf32> to vector<16xi32>
        %and3A_1180 = arith.constant 15 : i32
        %and3A_1181 = vector.broadcast %and3A_1180 : i32 to vector<16xi32>
        %and3A_1182 = arith.andi %bitcast3A_1179, %and3A_1181 : vector<16xi32>
        %mul3A_1183 = arith.constant 10 : i32
        %mul3A_1184 = vector.broadcast %mul3A_1183 : i32 to vector<16xi32>
        %mul3A_1185 = arith.muli %and3A_1178, %mul3A_1184 : vector<16xi32>
        %add3A_1186 = arith.addi %mul3A_1185, %and3A_1182 : vector<16xi32>
        %mul3A_1187 = arith.constant 2 : i32
        %mul3A_1188 = vector.broadcast %mul3A_1187 : i32 to vector<16xi32>
        %mul3A_1189 = arith.muli %add3A_1186, %mul3A_1188 : vector<16xi32>
        %mul3A_1190 = arith.constant 10 : i32
        %mul3A_1191 = vector.broadcast %mul3A_1190 : i32 to vector<16xi32>
        %mul3A_1192 = arith.muli %and3A_1182, %mul3A_1191 : vector<16xi32>
        %add3A_1193 = arith.addi %mul3A_1192, %and3A_1178 : vector<16xi32>
        %mul3A_1194 = arith.constant 2 : i32
        %mul3A_1195 = vector.broadcast %mul3A_1194 : i32 to vector<16xi32>
        %mul3A_1196 = arith.muli %add3A_1193, %mul3A_1195 : vector<16xi32>
        %gather3A_1197 = tpu.vector_load_idx %arg11[%mul3A_1189] : memref<256xi32, #tpu.memory_space<vmem>>[vector<16xi32>], vector<16xi32>,
        %add3A_1198 = arith.constant 1 : i32
        %add3A_1199 = vector.broadcast %add3A_1198 : i32 to vector<16xi32>
        %add3A_1200 = arith.addi %mul3A_1189, %add3A_1199 : vector<16xi32>
        %gather3A_1201 = tpu.vector_load_idx %arg11[%add3A_1200] : memref<256xi32, #tpu.memory_space<vmem>>[vector<16xi32>], vector<16xi32>,
        %gather3A_1202 = tpu.vector_load_idx %arg11[%mul3A_1196] : memref<256xi32, #tpu.memory_space<vmem>>[vector<16xi32>], vector<16xi32>,
        %add3A_1203 = arith.constant 1 : i32
        %add3A_1204 = vector.broadcast %add3A_1203 : i32 to vector<16xi32>
        %add3A_1205 = arith.addi %mul3A_1196, %add3A_1204 : vector<16xi32>
        %gather3A_1206 = tpu.vector_load_idx %arg11[%add3A_1205] : memref<256xi32, #tpu.memory_space<vmem>>[vector<16xi32>], vector<16xi32>,
        %shift_left3A_1207 = arith.constant 16 : i32
        %shift_left3A_1208 = vector.broadcast %shift_left3A_1207 : i32 to vector<16xi32>
        %shift_left3A_1209 = arith.shli %gather3A_1197, %shift_left3A_1208 : vector<16xi32>
        %bitcast3A_1210 = vector.bitcast %shift_left3A_1209 : vector<16xi32> to vector<16xf32>
        %and3A_1211 = vector.broadcast %scan3A_780 : i32 to vector<16xi32>
        %and3A_1212 = arith.andi %gather3A_1197, %and3A_1211 : vector<16xi32>
        %bitcast3A_1213 = vector.bitcast %and3A_1212 : vector<16xi32> to vector<16xf32>
        %shift_left3A_1214 = arith.constant 16 : i32
        %shift_left3A_1215 = vector.broadcast %shift_left3A_1214 : i32 to vector<16xi32>
        %shift_left3A_1216 = arith.shli %gather3A_1201, %shift_left3A_1215 : vector<16xi32>
        %bitcast3A_1217 = vector.bitcast %shift_left3A_1216 : vector<16xi32> to vector<16xf32>
        %and3A_1218 = vector.broadcast %scan3A_780 : i32 to vector<16xi32>
        %and3A_1219 = arith.andi %gather3A_1201, %and3A_1218 : vector<16xi32>
        %bitcast3A_1220 = vector.bitcast %and3A_1219 : vector<16xi32> to vector<16xf32>
        %shift_left3A_1221 = arith.constant 16 : i32
        %shift_left3A_1222 = vector.broadcast %shift_left3A_1221 : i32 to vector<16xi32>
        %shift_left3A_1223 = arith.shli %gather3A_1202, %shift_left3A_1222 : vector<16xi32>
        %bitcast3A_1224 = vector.bitcast %shift_left3A_1223 : vector<16xi32> to vector<16xf32>
        %and3A_1225 = vector.broadcast %scan3A_780 : i32 to vector<16xi32>
        %and3A_1226 = arith.andi %gather3A_1202, %and3A_1225 : vector<16xi32>
        %bitcast3A_1227 = vector.bitcast %and3A_1226 : vector<16xi32> to vector<16xf32>
        %shift_left3A_1228 = arith.constant 16 : i32
        %shift_left3A_1229 = vector.broadcast %shift_left3A_1228 : i32 to vector<16xi32>
        %shift_left3A_1230 = arith.shli %gather3A_1206, %shift_left3A_1229 : vector<16xi32>
        %bitcast3A_1231 = vector.bitcast %shift_left3A_1230 : vector<16xi32> to vector<16xf32>
        %and3A_1232 = vector.broadcast %scan3A_780 : i32 to vector<16xi32>
        %and3A_1233 = arith.andi %gather3A_1206, %and3A_1232 : vector<16xi32>
        %bitcast3A_1234 = vector.bitcast %and3A_1233 : vector<16xi32> to vector<16xf32>
        %mul3A_1235 = arith.mulf %bitcast3A_1210, %gather3A_1171 : vector<16xf32>
        %mul3A_1236 = arith.mulf %bitcast3A_1213, %gather3A_1172 : vector<16xf32>
        %add3A_1237 = arith.addf %mul3A_1235, %mul3A_1236 : vector<16xf32>
        %mul3A_1238 = arith.mulf %bitcast3A_1224, %gather3A_1173 : vector<16xf32>
        %mul3A_1239 = arith.mulf %bitcast3A_1227, %gather3A_1174 : vector<16xf32>
        %add3A_1240 = arith.addf %mul3A_1238, %mul3A_1239 : vector<16xf32>
        %sub3A_1241 = arith.subf %add3A_1237, %add3A_1240 : vector<16xf32>
        %mul3A_1242 = arith.mulf %bitcast3A_1217, %gather3A_1171 : vector<16xf32>
        %mul3A_1243 = arith.mulf %bitcast3A_1220, %gather3A_1172 : vector<16xf32>
        %add3A_1244 = arith.addf %mul3A_1242, %mul3A_1243 : vector<16xf32>
        %mul3A_1245 = arith.mulf %bitcast3A_1231, %gather3A_1173 : vector<16xf32>
        %mul3A_1246 = arith.mulf %bitcast3A_1234, %gather3A_1174 : vector<16xf32>
        %add3A_1247 = arith.addf %mul3A_1245, %mul3A_1246 : vector<16xf32>
        %sub3A_1248 = arith.subf %add3A_1244, %add3A_1247 : vector<16xf32>
        %mul3A_1249 = arith.mulf %sub3A_1241, %sub3A_1241 : vector<16xf32>
        %add3A_1250 = arith.addf %scan3A_1160, %mul3A_1249 : vector<16xf32>
        %mul3A_1251 = arith.mulf %sub3A_1248, %sub3A_1248 : vector<16xf32>
        %add3A_1252 = arith.addf %add3A_1250, %mul3A_1251 : vector<16xf32>
        %scan3A_1253 = arith.constant 1 : i32
        %scan3A_1254 = arith.addi %scan3A_1159, %scan3A_1253 : i32
        %mul3A_1255 = arith.constant 1 : i32
        %mul3A_1256 = arith.muli %scan3A_1254, %mul3A_1255 : i32
        %add3A_1257 = arith.constant 0 : i32
        %add3A_1258 = arith.addi %add3A_1257, %mul3A_1256 : i32
        %mul3A_1259 = arith.constant 16 : i32
        %mul3A_1260 = arith.muli %add3A_1258, %mul3A_1259 : i32
        %get3A_1261 = arith.index_cast %mul3A_1260 : i32 to index
        %get3A_1262 = tpu.vector_load %arg14[%get3A_1261] {strides = array<i32>} : memref<2000xi32, #tpu.memory_space<vmem>>, vector<16xi32>,
        %get3A_1263 = arith.index_cast %mul3A_1260 : i32 to index
        %get3A_1264 = tpu.vector_load %arg15[%get3A_1263] {strides = array<i32>} : memref<2000xi32, #tpu.memory_space<vmem>>, vector<16xi32>,
        %gather3A_1265 = tpu.vector_load_idx %arg8[%get3A_1262] : memref<51200xf32, #tpu.memory_space<vmem>>[vector<16xi32>], vector<16xf32>,
        %gather3A_1266 = tpu.vector_load_idx %arg9[%get3A_1262] : memref<51200xf32, #tpu.memory_space<vmem>>[vector<16xi32>], vector<16xf32>,
        %gather3A_1267 = tpu.vector_load_idx %arg8[%get3A_1264] : memref<51200xf32, #tpu.memory_space<vmem>>[vector<16xi32>], vector<16xf32>,
        %gather3A_1268 = tpu.vector_load_idx %arg9[%get3A_1264] : memref<51200xf32, #tpu.memory_space<vmem>>[vector<16xi32>], vector<16xf32>,
        %bitcast3A_1269 = vector.bitcast %gather3A_1265 : vector<16xf32> to vector<16xi32>
        %and3A_1270 = arith.constant 15 : i32
        %and3A_1271 = vector.broadcast %and3A_1270 : i32 to vector<16xi32>
        %and3A_1272 = arith.andi %bitcast3A_1269, %and3A_1271 : vector<16xi32>
        %bitcast3A_1273 = vector.bitcast %gather3A_1267 : vector<16xf32> to vector<16xi32>
        %and3A_1274 = arith.constant 15 : i32
        %and3A_1275 = vector.broadcast %and3A_1274 : i32 to vector<16xi32>
        %and3A_1276 = arith.andi %bitcast3A_1273, %and3A_1275 : vector<16xi32>
        %mul3A_1277 = arith.constant 10 : i32
        %mul3A_1278 = vector.broadcast %mul3A_1277 : i32 to vector<16xi32>
        %mul3A_1279 = arith.muli %and3A_1272, %mul3A_1278 : vector<16xi32>
        %add3A_1280 = arith.addi %mul3A_1279, %and3A_1276 : vector<16xi32>
        %mul3A_1281 = arith.constant 2 : i32
        %mul3A_1282 = vector.broadcast %mul3A_1281 : i32 to vector<16xi32>
        %mul3A_1283 = arith.muli %add3A_1280, %mul3A_1282 : vector<16xi32>
        %mul3A_1284 = arith.constant 10 : i32
        %mul3A_1285 = vector.broadcast %mul3A_1284 : i32 to vector<16xi32>
        %mul3A_1286 = arith.muli %and3A_1276, %mul3A_1285 : vector<16xi32>
        %add3A_1287 = arith.addi %mul3A_1286, %and3A_1272 : vector<16xi32>
        %mul3A_1288 = arith.constant 2 : i32
        %mul3A_1289 = vector.broadcast %mul3A_1288 : i32 to vector<16xi32>
        %mul3A_1290 = arith.muli %add3A_1287, %mul3A_1289 : vector<16xi32>
        %gather3A_1291 = tpu.vector_load_idx %arg11[%mul3A_1283] : memref<256xi32, #tpu.memory_space<vmem>>[vector<16xi32>], vector<16xi32>,
        %add3A_1292 = arith.constant 1 : i32
        %add3A_1293 = vector.broadcast %add3A_1292 : i32 to vector<16xi32>
        %add3A_1294 = arith.addi %mul3A_1283, %add3A_1293 : vector<16xi32>
        %gather3A_1295 = tpu.vector_load_idx %arg11[%add3A_1294] : memref<256xi32, #tpu.memory_space<vmem>>[vector<16xi32>], vector<16xi32>,
        %gather3A_1296 = tpu.vector_load_idx %arg11[%mul3A_1290] : memref<256xi32, #tpu.memory_space<vmem>>[vector<16xi32>], vector<16xi32>,
        %add3A_1297 = arith.constant 1 : i32
        %add3A_1298 = vector.broadcast %add3A_1297 : i32 to vector<16xi32>
        %add3A_1299 = arith.addi %mul3A_1290, %add3A_1298 : vector<16xi32>
        %gather3A_1300 = tpu.vector_load_idx %arg11[%add3A_1299] : memref<256xi32, #tpu.memory_space<vmem>>[vector<16xi32>], vector<16xi32>,
        %shift_left3A_1301 = arith.constant 16 : i32
        %shift_left3A_1302 = vector.broadcast %shift_left3A_1301 : i32 to vector<16xi32>
        %shift_left3A_1303 = arith.shli %gather3A_1291, %shift_left3A_1302 : vector<16xi32>
        %bitcast3A_1304 = vector.bitcast %shift_left3A_1303 : vector<16xi32> to vector<16xf32>
        %and3A_1305 = vector.broadcast %scan3A_780 : i32 to vector<16xi32>
        %and3A_1306 = arith.andi %gather3A_1291, %and3A_1305 : vector<16xi32>
        %bitcast3A_1307 = vector.bitcast %and3A_1306 : vector<16xi32> to vector<16xf32>
        %shift_left3A_1308 = arith.constant 16 : i32
        %shift_left3A_1309 = vector.broadcast %shift_left3A_1308 : i32 to vector<16xi32>
        %shift_left3A_1310 = arith.shli %gather3A_1295, %shift_left3A_1309 : vector<16xi32>
        %bitcast3A_1311 = vector.bitcast %shift_left3A_1310 : vector<16xi32> to vector<16xf32>
        %and3A_1312 = vector.broadcast %scan3A_780 : i32 to vector<16xi32>
        %and3A_1313 = arith.andi %gather3A_1295, %and3A_1312 : vector<16xi32>
        %bitcast3A_1314 = vector.bitcast %and3A_1313 : vector<16xi32> to vector<16xf32>
        %shift_left3A_1315 = arith.constant 16 : i32
        %shift_left3A_1316 = vector.broadcast %shift_left3A_1315 : i32 to vector<16xi32>
        %shift_left3A_1317 = arith.shli %gather3A_1296, %shift_left3A_1316 : vector<16xi32>
        %bitcast3A_1318 = vector.bitcast %shift_left3A_1317 : vector<16xi32> to vector<16xf32>
        %and3A_1319 = vector.broadcast %scan3A_780 : i32 to vector<16xi32>
        %and3A_1320 = arith.andi %gather3A_1296, %and3A_1319 : vector<16xi32>
        %bitcast3A_1321 = vector.bitcast %and3A_1320 : vector<16xi32> to vector<16xf32>
        %shift_left3A_1322 = arith.constant 16 : i32
        %shift_left3A_1323 = vector.broadcast %shift_left3A_1322 : i32 to vector<16xi32>
        %shift_left3A_1324 = arith.shli %gather3A_1300, %shift_left3A_1323 : vector<16xi32>
        %bitcast3A_1325 = vector.bitcast %shift_left3A_1324 : vector<16xi32> to vector<16xf32>
        %and3A_1326 = vector.broadcast %scan3A_780 : i32 to vector<16xi32>
        %and3A_1327 = arith.andi %gather3A_1300, %and3A_1326 : vector<16xi32>
        %bitcast3A_1328 = vector.bitcast %and3A_1327 : vector<16xi32> to vector<16xf32>
        %mul3A_1329 = arith.mulf %bitcast3A_1304, %gather3A_1265 : vector<16xf32>
        %mul3A_1330 = arith.mulf %bitcast3A_1307, %gather3A_1266 : vector<16xf32>
        %add3A_1331 = arith.addf %mul3A_1329, %mul3A_1330 : vector<16xf32>
        %mul3A_1332 = arith.mulf %bitcast3A_1318, %gather3A_1267 : vector<16xf32>
        %mul3A_1333 = arith.mulf %bitcast3A_1321, %gather3A_1268 : vector<16xf32>
        %add3A_1334 = arith.addf %mul3A_1332, %mul3A_1333 : vector<16xf32>
        %sub3A_1335 = arith.subf %add3A_1331, %add3A_1334 : vector<16xf32>
        %mul3A_1336 = arith.mulf %bitcast3A_1311, %gather3A_1265 : vector<16xf32>
        %mul3A_1337 = arith.mulf %bitcast3A_1314, %gather3A_1266 : vector<16xf32>
        %add3A_1338 = arith.addf %mul3A_1336, %mul3A_1337 : vector<16xf32>
        %mul3A_1339 = arith.mulf %bitcast3A_1325, %gather3A_1267 : vector<16xf32>
        %mul3A_1340 = arith.mulf %bitcast3A_1328, %gather3A_1268 : vector<16xf32>
        %add3A_1341 = arith.addf %mul3A_1339, %mul3A_1340 : vector<16xf32>
        %sub3A_1342 = arith.subf %add3A_1338, %add3A_1341 : vector<16xf32>
        %mul3A_1343 = arith.mulf %sub3A_1335, %sub3A_1335 : vector<16xf32>
        %add3A_1344 = arith.addf %add3A_1252, %mul3A_1343 : vector<16xf32>
        %mul3A_1345 = arith.mulf %sub3A_1342, %sub3A_1342 : vector<16xf32>
        %add3A_1346 = arith.addf %add3A_1344, %mul3A_1345 : vector<16xf32>
        scf.yield %add3A_1346 : vector<16xf32>
      }
      %scan3A_1064 = arith.constant 124 : i32
      %scan3A_1065 = arith.addi %scan3A_1059, %scan3A_1064 : i32
      %mul3A_1066 = arith.constant 1 : i32
      %mul3A_1067 = arith.muli %scan3A_1065, %mul3A_1066 : i32
      %add3A_1068 = arith.constant 0 : i32
      %add3A_1069 = arith.addi %add3A_1068, %mul3A_1067 : i32
      %mul3A_1070 = arith.constant 16 : i32
      %mul3A_1071 = arith.muli %add3A_1069, %mul3A_1070 : i32
      %get3A_1072 = arith.index_cast %mul3A_1071 : i32 to index
      %get3A_1073 = tpu.vector_load %arg14[%get3A_1072] {strides = array<i32>} : memref<2000xi32, #tpu.memory_space<vmem>>, vector<16xi32>,
      %get3A_1074 = arith.index_cast %mul3A_1071 : i32 to index
      %get3A_1075 = tpu.vector_load %arg15[%get3A_1074] {strides = array<i32>} : memref<2000xi32, #tpu.memory_space<vmem>>, vector<16xi32>,
      %gather3A_1076 = tpu.vector_load_idx %arg8[%get3A_1073] : memref<51200xf32, #tpu.memory_space<vmem>>[vector<16xi32>], vector<16xf32>,
      %gather3A_1077 = tpu.vector_load_idx %arg9[%get3A_1073] : memref<51200xf32, #tpu.memory_space<vmem>>[vector<16xi32>], vector<16xf32>,
      %gather3A_1078 = tpu.vector_load_idx %arg8[%get3A_1075] : memref<51200xf32, #tpu.memory_space<vmem>>[vector<16xi32>], vector<16xf32>,
      %gather3A_1079 = tpu.vector_load_idx %arg9[%get3A_1075] : memref<51200xf32, #tpu.memory_space<vmem>>[vector<16xi32>], vector<16xf32>,
      %bitcast3A_1080 = vector.bitcast %gather3A_1076 : vector<16xf32> to vector<16xi32>
      %and3A_1081 = arith.constant 15 : i32
      %and3A_1082 = vector.broadcast %and3A_1081 : i32 to vector<16xi32>
      %and3A_1083 = arith.andi %bitcast3A_1080, %and3A_1082 : vector<16xi32>
      %bitcast3A_1084 = vector.bitcast %gather3A_1078 : vector<16xf32> to vector<16xi32>
      %and3A_1085 = arith.constant 15 : i32
      %and3A_1086 = vector.broadcast %and3A_1085 : i32 to vector<16xi32>
      %and3A_1087 = arith.andi %bitcast3A_1084, %and3A_1086 : vector<16xi32>
      %mul3A_1088 = arith.constant 10 : i32
      %mul3A_1089 = vector.broadcast %mul3A_1088 : i32 to vector<16xi32>
      %mul3A_1090 = arith.muli %and3A_1083, %mul3A_1089 : vector<16xi32>
      %add3A_1091 = arith.addi %mul3A_1090, %and3A_1087 : vector<16xi32>
      %mul3A_1092 = arith.constant 2 : i32
      %mul3A_1093 = vector.broadcast %mul3A_1092 : i32 to vector<16xi32>
      %mul3A_1094 = arith.muli %add3A_1091, %mul3A_1093 : vector<16xi32>
      %mul3A_1095 = arith.constant 10 : i32
      %mul3A_1096 = vector.broadcast %mul3A_1095 : i32 to vector<16xi32>
      %mul3A_1097 = arith.muli %and3A_1087, %mul3A_1096 : vector<16xi32>
      %add3A_1098 = arith.addi %mul3A_1097, %and3A_1083 : vector<16xi32>
      %mul3A_1099 = arith.constant 2 : i32
      %mul3A_1100 = vector.broadcast %mul3A_1099 : i32 to vector<16xi32>
      %mul3A_1101 = arith.muli %add3A_1098, %mul3A_1100 : vector<16xi32>
      %gather3A_1102 = tpu.vector_load_idx %arg11[%mul3A_1094] : memref<256xi32, #tpu.memory_space<vmem>>[vector<16xi32>], vector<16xi32>,
      %add3A_1103 = arith.constant 1 : i32
      %add3A_1104 = vector.broadcast %add3A_1103 : i32 to vector<16xi32>
      %add3A_1105 = arith.addi %mul3A_1094, %add3A_1104 : vector<16xi32>
      %gather3A_1106 = tpu.vector_load_idx %arg11[%add3A_1105] : memref<256xi32, #tpu.memory_space<vmem>>[vector<16xi32>], vector<16xi32>,
      %gather3A_1107 = tpu.vector_load_idx %arg11[%mul3A_1101] : memref<256xi32, #tpu.memory_space<vmem>>[vector<16xi32>], vector<16xi32>,
      %add3A_1108 = arith.constant 1 : i32
      %add3A_1109 = vector.broadcast %add3A_1108 : i32 to vector<16xi32>
      %add3A_1110 = arith.addi %mul3A_1101, %add3A_1109 : vector<16xi32>
      %gather3A_1111 = tpu.vector_load_idx %arg11[%add3A_1110] : memref<256xi32, #tpu.memory_space<vmem>>[vector<16xi32>], vector<16xi32>,
      %shift_left3A_1112 = arith.constant 16 : i32
      %shift_left3A_1113 = vector.broadcast %shift_left3A_1112 : i32 to vector<16xi32>
      %shift_left3A_1114 = arith.shli %gather3A_1102, %shift_left3A_1113 : vector<16xi32>
      %bitcast3A_1115 = vector.bitcast %shift_left3A_1114 : vector<16xi32> to vector<16xf32>
      %and3A_1116 = vector.broadcast %scan3A_780 : i32 to vector<16xi32>
      %and3A_1117 = arith.andi %gather3A_1102, %and3A_1116 : vector<16xi32>
      %bitcast3A_1118 = vector.bitcast %and3A_1117 : vector<16xi32> to vector<16xf32>
      %shift_left3A_1119 = arith.constant 16 : i32
      %shift_left3A_1120 = vector.broadcast %shift_left3A_1119 : i32 to vector<16xi32>
      %shift_left3A_1121 = arith.shli %gather3A_1106, %shift_left3A_1120 : vector<16xi32>
      %bitcast3A_1122 = vector.bitcast %shift_left3A_1121 : vector<16xi32> to vector<16xf32>
      %and3A_1123 = vector.broadcast %scan3A_780 : i32 to vector<16xi32>
      %and3A_1124 = arith.andi %gather3A_1106, %and3A_1123 : vector<16xi32>
      %bitcast3A_1125 = vector.bitcast %and3A_1124 : vector<16xi32> to vector<16xf32>
      %shift_left3A_1126 = arith.constant 16 : i32
      %shift_left3A_1127 = vector.broadcast %shift_left3A_1126 : i32 to vector<16xi32>
      %shift_left3A_1128 = arith.shli %gather3A_1107, %shift_left3A_1127 : vector<16xi32>
      %bitcast3A_1129 = vector.bitcast %shift_left3A_1128 : vector<16xi32> to vector<16xf32>
      %and3A_1130 = vector.broadcast %scan3A_780 : i32 to vector<16xi32>
      %and3A_1131 = arith.andi %gather3A_1107, %and3A_1130 : vector<16xi32>
      %bitcast3A_1132 = vector.bitcast %and3A_1131 : vector<16xi32> to vector<16xf32>
      %shift_left3A_1133 = arith.constant 16 : i32
      %shift_left3A_1134 = vector.broadcast %shift_left3A_1133 : i32 to vector<16xi32>
      %shift_left3A_1135 = arith.shli %gather3A_1111, %shift_left3A_1134 : vector<16xi32>
      %bitcast3A_1136 = vector.bitcast %shift_left3A_1135 : vector<16xi32> to vector<16xf32>
      %and3A_1137 = vector.broadcast %scan3A_780 : i32 to vector<16xi32>
      %and3A_1138 = arith.andi %gather3A_1111, %and3A_1137 : vector<16xi32>
      %bitcast3A_1139 = vector.bitcast %and3A_1138 : vector<16xi32> to vector<16xf32>
      %mul3A_1140 = arith.mulf %bitcast3A_1115, %gather3A_1076 : vector<16xf32>
      %mul3A_1141 = arith.mulf %bitcast3A_1118, %gather3A_1077 : vector<16xf32>
      %add3A_1142 = arith.addf %mul3A_1140, %mul3A_1141 : vector<16xf32>
      %mul3A_1143 = arith.mulf %bitcast3A_1129, %gather3A_1078 : vector<16xf32>
      %mul3A_1144 = arith.mulf %bitcast3A_1132, %gather3A_1079 : vector<16xf32>
      %add3A_1145 = arith.addf %mul3A_1143, %mul3A_1144 : vector<16xf32>
      %sub3A_1146 = arith.subf %add3A_1142, %add3A_1145 : vector<16xf32>
      %mul3A_1147 = arith.mulf %bitcast3A_1122, %gather3A_1076 : vector<16xf32>
      %mul3A_1148 = arith.mulf %bitcast3A_1125, %gather3A_1077 : vector<16xf32>
      %add3A_1149 = arith.addf %mul3A_1147, %mul3A_1148 : vector<16xf32>
      %mul3A_1150 = arith.mulf %bitcast3A_1136, %gather3A_1078 : vector<16xf32>
      %mul3A_1151 = arith.mulf %bitcast3A_1139, %gather3A_1079 : vector<16xf32>
      %add3A_1152 = arith.addf %mul3A_1150, %mul3A_1151 : vector<16xf32>
      %sub3A_1153 = arith.subf %add3A_1149, %add3A_1152 : vector<16xf32>
      %mul3A_1154 = arith.mulf %sub3A_1146, %sub3A_1146 : vector<16xf32>
      %add3A_1155 = arith.addf %scan3A_1063, %mul3A_1154 : vector<16xf32>
      %mul3A_1156 = arith.mulf %sub3A_1153, %sub3A_1153 : vector<16xf32>
      %add3A_1157 = arith.addf %add3A_1155, %mul3A_1156 : vector<16xf32>
      %scan3A_1158 = arith.constant 125 : i32
      scf.yield %add3A_1157 : vector<16xf32>
    }
    %scan3A_786 = arith.constant 12 : i32
    %add3A_787 = arith.constant 48000 : i32
    %add3A_788 = arith.addi %mul3A_2, %add3A_787 : i32
    %dma_wait3A_789 = tpu.memref_slice %arg2[%add3A_788] : memref<3200000xi32, #tpu.memory_space<hbm>> -> memref<2000xi32, #tpu.memory_space<hbm>>
    %dma_wait3A_790 = tpu.memref_slice %arg2[%add3A_788] : memref<3200000xi32, #tpu.memory_space<hbm>> -> memref<2000xi32, #tpu.memory_space<hbm>>
    tpu.wait_dma2 semaphore(%arg24 : memref<!tpu.dma_semaphore, #tpu.memory_space<semaphore_mem>>) src(%dma_wait3A_790 : memref<2000xi32, #tpu.memory_space<hbm>>) dst(%arg12 : memref<2000xi32, #tpu.memory_space<vmem>>)
    %add3A_791 = arith.constant 1600000 : i32
    %add3A_792 = arith.addi %add3A_791, %mul3A_2 : i32
    %add3A_793 = arith.constant 48000 : i32
    %add3A_794 = arith.addi %add3A_792, %add3A_793 : i32
    %dma_wait3A_795 = tpu.memref_slice %arg2[%add3A_794] : memref<3200000xi32, #tpu.memory_space<hbm>> -> memref<2000xi32, #tpu.memory_space<hbm>>
    %dma_wait3A_796 = tpu.memref_slice %arg2[%add3A_794] : memref<3200000xi32, #tpu.memory_space<hbm>> -> memref<2000xi32, #tpu.memory_space<hbm>>
    tpu.wait_dma2 semaphore(%arg24 : memref<!tpu.dma_semaphore, #tpu.memory_space<semaphore_mem>>) src(%dma_wait3A_796 : memref<2000xi32, #tpu.memory_space<hbm>>) dst(%arg13 : memref<2000xi32, #tpu.memory_space<vmem>>)
    %scan3A_797 = arith.constant -65536 : i32
    %scan3A_798 = arith.constant 0 : i32
    %scan3A_799 = arith.constant 124 : i32
    %scan3A_800 = arith.addi %scan3A_798, %scan3A_799 : i32
    %scan3A_801 = arith.constant 2 : i32
    %scan3A_802 = scf.for %scan3A_897 = %scan3A_798 to %scan3A_800 step %scan3A_801 iter_args(%scan3A_898 = %scan3A_785) -> (vector<16xf32>)  : i32 {
      %mul3A_899 = arith.constant 1 : i32
      %mul3A_900 = arith.muli %scan3A_897, %mul3A_899 : i32
      %add3A_901 = arith.constant 0 : i32
      %add3A_902 = arith.addi %add3A_901, %mul3A_900 : i32
      %mul3A_903 = arith.constant 16 : i32
      %mul3A_904 = arith.muli %add3A_902, %mul3A_903 : i32
      %get3A_905 = arith.index_cast %mul3A_904 : i32 to index
      %get3A_906 = tpu.vector_load %arg12[%get3A_905] {strides = array<i32>} : memref<2000xi32, #tpu.memory_space<vmem>>, vector<16xi32>,
      %get3A_907 = arith.index_cast %mul3A_904 : i32 to index
      %get3A_908 = tpu.vector_load %arg13[%get3A_907] {strides = array<i32>} : memref<2000xi32, #tpu.memory_space<vmem>>, vector<16xi32>,
      %gather3A_909 = tpu.vector_load_idx %arg8[%get3A_906] : memref<51200xf32, #tpu.memory_space<vmem>>[vector<16xi32>], vector<16xf32>,
      %gather3A_910 = tpu.vector_load_idx %arg9[%get3A_906] : memref<51200xf32, #tpu.memory_space<vmem>>[vector<16xi32>], vector<16xf32>,
      %gather3A_911 = tpu.vector_load_idx %arg8[%get3A_908] : memref<51200xf32, #tpu.memory_space<vmem>>[vector<16xi32>], vector<16xf32>,
      %gather3A_912 = tpu.vector_load_idx %arg9[%get3A_908] : memref<51200xf32, #tpu.memory_space<vmem>>[vector<16xi32>], vector<16xf32>,
      %bitcast3A_913 = vector.bitcast %gather3A_909 : vector<16xf32> to vector<16xi32>
      %and3A_914 = arith.constant 15 : i32
      %and3A_915 = vector.broadcast %and3A_914 : i32 to vector<16xi32>
      %and3A_916 = arith.andi %bitcast3A_913, %and3A_915 : vector<16xi32>
      %bitcast3A_917 = vector.bitcast %gather3A_911 : vector<16xf32> to vector<16xi32>
      %and3A_918 = arith.constant 15 : i32
      %and3A_919 = vector.broadcast %and3A_918 : i32 to vector<16xi32>
      %and3A_920 = arith.andi %bitcast3A_917, %and3A_919 : vector<16xi32>
      %mul3A_921 = arith.constant 10 : i32
      %mul3A_922 = vector.broadcast %mul3A_921 : i32 to vector<16xi32>
      %mul3A_923 = arith.muli %and3A_916, %mul3A_922 : vector<16xi32>
      %add3A_924 = arith.addi %mul3A_923, %and3A_920 : vector<16xi32>
      %mul3A_925 = arith.constant 2 : i32
      %mul3A_926 = vector.broadcast %mul3A_925 : i32 to vector<16xi32>
      %mul3A_927 = arith.muli %add3A_924, %mul3A_926 : vector<16xi32>
      %mul3A_928 = arith.constant 10 : i32
      %mul3A_929 = vector.broadcast %mul3A_928 : i32 to vector<16xi32>
      %mul3A_930 = arith.muli %and3A_920, %mul3A_929 : vector<16xi32>
      %add3A_931 = arith.addi %mul3A_930, %and3A_916 : vector<16xi32>
      %mul3A_932 = arith.constant 2 : i32
      %mul3A_933 = vector.broadcast %mul3A_932 : i32 to vector<16xi32>
      %mul3A_934 = arith.muli %add3A_931, %mul3A_933 : vector<16xi32>
      %gather3A_935 = tpu.vector_load_idx %arg11[%mul3A_927] : memref<256xi32, #tpu.memory_space<vmem>>[vector<16xi32>], vector<16xi32>,
      %add3A_936 = arith.constant 1 : i32
      %add3A_937 = vector.broadcast %add3A_936 : i32 to vector<16xi32>
      %add3A_938 = arith.addi %mul3A_927, %add3A_937 : vector<16xi32>
      %gather3A_939 = tpu.vector_load_idx %arg11[%add3A_938] : memref<256xi32, #tpu.memory_space<vmem>>[vector<16xi32>], vector<16xi32>,
      %gather3A_940 = tpu.vector_load_idx %arg11[%mul3A_934] : memref<256xi32, #tpu.memory_space<vmem>>[vector<16xi32>], vector<16xi32>,
      %add3A_941 = arith.constant 1 : i32
      %add3A_942 = vector.broadcast %add3A_941 : i32 to vector<16xi32>
      %add3A_943 = arith.addi %mul3A_934, %add3A_942 : vector<16xi32>
      %gather3A_944 = tpu.vector_load_idx %arg11[%add3A_943] : memref<256xi32, #tpu.memory_space<vmem>>[vector<16xi32>], vector<16xi32>,
      %shift_left3A_945 = arith.constant 16 : i32
      %shift_left3A_946 = vector.broadcast %shift_left3A_945 : i32 to vector<16xi32>
      %shift_left3A_947 = arith.shli %gather3A_935, %shift_left3A_946 : vector<16xi32>
      %bitcast3A_948 = vector.bitcast %shift_left3A_947 : vector<16xi32> to vector<16xf32>
      %and3A_949 = vector.broadcast %scan3A_797 : i32 to vector<16xi32>
      %and3A_950 = arith.andi %gather3A_935, %and3A_949 : vector<16xi32>
      %bitcast3A_951 = vector.bitcast %and3A_950 : vector<16xi32> to vector<16xf32>
      %shift_left3A_952 = arith.constant 16 : i32
      %shift_left3A_953 = vector.broadcast %shift_left3A_952 : i32 to vector<16xi32>
      %shift_left3A_954 = arith.shli %gather3A_939, %shift_left3A_953 : vector<16xi32>
      %bitcast3A_955 = vector.bitcast %shift_left3A_954 : vector<16xi32> to vector<16xf32>
      %and3A_956 = vector.broadcast %scan3A_797 : i32 to vector<16xi32>
      %and3A_957 = arith.andi %gather3A_939, %and3A_956 : vector<16xi32>
      %bitcast3A_958 = vector.bitcast %and3A_957 : vector<16xi32> to vector<16xf32>
      %shift_left3A_959 = arith.constant 16 : i32
      %shift_left3A_960 = vector.broadcast %shift_left3A_959 : i32 to vector<16xi32>
      %shift_left3A_961 = arith.shli %gather3A_940, %shift_left3A_960 : vector<16xi32>
      %bitcast3A_962 = vector.bitcast %shift_left3A_961 : vector<16xi32> to vector<16xf32>
      %and3A_963 = vector.broadcast %scan3A_797 : i32 to vector<16xi32>
      %and3A_964 = arith.andi %gather3A_940, %and3A_963 : vector<16xi32>
      %bitcast3A_965 = vector.bitcast %and3A_964 : vector<16xi32> to vector<16xf32>
      %shift_left3A_966 = arith.constant 16 : i32
      %shift_left3A_967 = vector.broadcast %shift_left3A_966 : i32 to vector<16xi32>
      %shift_left3A_968 = arith.shli %gather3A_944, %shift_left3A_967 : vector<16xi32>
      %bitcast3A_969 = vector.bitcast %shift_left3A_968 : vector<16xi32> to vector<16xf32>
      %and3A_970 = vector.broadcast %scan3A_797 : i32 to vector<16xi32>
      %and3A_971 = arith.andi %gather3A_944, %and3A_970 : vector<16xi32>
      %bitcast3A_972 = vector.bitcast %and3A_971 : vector<16xi32> to vector<16xf32>
      %mul3A_973 = arith.mulf %bitcast3A_948, %gather3A_909 : vector<16xf32>
      %mul3A_974 = arith.mulf %bitcast3A_951, %gather3A_910 : vector<16xf32>
      %add3A_975 = arith.addf %mul3A_973, %mul3A_974 : vector<16xf32>
      %mul3A_976 = arith.mulf %bitcast3A_962, %gather3A_911 : vector<16xf32>
      %mul3A_977 = arith.mulf %bitcast3A_965, %gather3A_912 : vector<16xf32>
      %add3A_978 = arith.addf %mul3A_976, %mul3A_977 : vector<16xf32>
      %sub3A_979 = arith.subf %add3A_975, %add3A_978 : vector<16xf32>
      %mul3A_980 = arith.mulf %bitcast3A_955, %gather3A_909 : vector<16xf32>
      %mul3A_981 = arith.mulf %bitcast3A_958, %gather3A_910 : vector<16xf32>
      %add3A_982 = arith.addf %mul3A_980, %mul3A_981 : vector<16xf32>
      %mul3A_983 = arith.mulf %bitcast3A_969, %gather3A_911 : vector<16xf32>
      %mul3A_984 = arith.mulf %bitcast3A_972, %gather3A_912 : vector<16xf32>
      %add3A_985 = arith.addf %mul3A_983, %mul3A_984 : vector<16xf32>
      %sub3A_986 = arith.subf %add3A_982, %add3A_985 : vector<16xf32>
      %mul3A_987 = arith.mulf %sub3A_979, %sub3A_979 : vector<16xf32>
      %add3A_988 = arith.addf %scan3A_898, %mul3A_987 : vector<16xf32>
      %mul3A_989 = arith.mulf %sub3A_986, %sub3A_986 : vector<16xf32>
      %add3A_990 = arith.addf %add3A_988, %mul3A_989 : vector<16xf32>
      %scan3A_991 = arith.constant 1 : i32
      %scan3A_992 = arith.addi %scan3A_897, %scan3A_991 : i32
      %mul3A_993 = arith.constant 1 : i32
      %mul3A_994 = arith.muli %scan3A_992, %mul3A_993 : i32
      %add3A_995 = arith.constant 0 : i32
      %add3A_996 = arith.addi %add3A_995, %mul3A_994 : i32
      %mul3A_997 = arith.constant 16 : i32
      %mul3A_998 = arith.muli %add3A_996, %mul3A_997 : i32
      %get3A_999 = arith.index_cast %mul3A_998 : i32 to index
      %get3A_1000 = tpu.vector_load %arg12[%get3A_999] {strides = array<i32>} : memref<2000xi32, #tpu.memory_space<vmem>>, vector<16xi32>,
      %get3A_1001 = arith.index_cast %mul3A_998 : i32 to index
      %get3A_1002 = tpu.vector_load %arg13[%get3A_1001] {strides = array<i32>} : memref<2000xi32, #tpu.memory_space<vmem>>, vector<16xi32>,
      %gather3A_1003 = tpu.vector_load_idx %arg8[%get3A_1000] : memref<51200xf32, #tpu.memory_space<vmem>>[vector<16xi32>], vector<16xf32>,
      %gather3A_1004 = tpu.vector_load_idx %arg9[%get3A_1000] : memref<51200xf32, #tpu.memory_space<vmem>>[vector<16xi32>], vector<16xf32>,
      %gather3A_1005 = tpu.vector_load_idx %arg8[%get3A_1002] : memref<51200xf32, #tpu.memory_space<vmem>>[vector<16xi32>], vector<16xf32>,
      %gather3A_1006 = tpu.vector_load_idx %arg9[%get3A_1002] : memref<51200xf32, #tpu.memory_space<vmem>>[vector<16xi32>], vector<16xf32>,
      %bitcast3A_1007 = vector.bitcast %gather3A_1003 : vector<16xf32> to vector<16xi32>
      %and3A_1008 = arith.constant 15 : i32
      %and3A_1009 = vector.broadcast %and3A_1008 : i32 to vector<16xi32>
      %and3A_1010 = arith.andi %bitcast3A_1007, %and3A_1009 : vector<16xi32>
      %bitcast3A_1011 = vector.bitcast %gather3A_1005 : vector<16xf32> to vector<16xi32>
      %and3A_1012 = arith.constant 15 : i32
      %and3A_1013 = vector.broadcast %and3A_1012 : i32 to vector<16xi32>
      %and3A_1014 = arith.andi %bitcast3A_1011, %and3A_1013 : vector<16xi32>
      %mul3A_1015 = arith.constant 10 : i32
      %mul3A_1016 = vector.broadcast %mul3A_1015 : i32 to vector<16xi32>
      %mul3A_1017 = arith.muli %and3A_1010, %mul3A_1016 : vector<16xi32>
      %add3A_1018 = arith.addi %mul3A_1017, %and3A_1014 : vector<16xi32>
      %mul3A_1019 = arith.constant 2 : i32
      %mul3A_1020 = vector.broadcast %mul3A_1019 : i32 to vector<16xi32>
      %mul3A_1021 = arith.muli %add3A_1018, %mul3A_1020 : vector<16xi32>
      %mul3A_1022 = arith.constant 10 : i32
      %mul3A_1023 = vector.broadcast %mul3A_1022 : i32 to vector<16xi32>
      %mul3A_1024 = arith.muli %and3A_1014, %mul3A_1023 : vector<16xi32>
      %add3A_1025 = arith.addi %mul3A_1024, %and3A_1010 : vector<16xi32>
      %mul3A_1026 = arith.constant 2 : i32
      %mul3A_1027 = vector.broadcast %mul3A_1026 : i32 to vector<16xi32>
      %mul3A_1028 = arith.muli %add3A_1025, %mul3A_1027 : vector<16xi32>
      %gather3A_1029 = tpu.vector_load_idx %arg11[%mul3A_1021] : memref<256xi32, #tpu.memory_space<vmem>>[vector<16xi32>], vector<16xi32>,
      %add3A_1030 = arith.constant 1 : i32
      %add3A_1031 = vector.broadcast %add3A_1030 : i32 to vector<16xi32>
      %add3A_1032 = arith.addi %mul3A_1021, %add3A_1031 : vector<16xi32>
      %gather3A_1033 = tpu.vector_load_idx %arg11[%add3A_1032] : memref<256xi32, #tpu.memory_space<vmem>>[vector<16xi32>], vector<16xi32>,
      %gather3A_1034 = tpu.vector_load_idx %arg11[%mul3A_1028] : memref<256xi32, #tpu.memory_space<vmem>>[vector<16xi32>], vector<16xi32>,
      %add3A_1035 = arith.constant 1 : i32
      %add3A_1036 = vector.broadcast %add3A_1035 : i32 to vector<16xi32>
      %add3A_1037 = arith.addi %mul3A_1028, %add3A_1036 : vector<16xi32>
      %gather3A_1038 = tpu.vector_load_idx %arg11[%add3A_1037] : memref<256xi32, #tpu.memory_space<vmem>>[vector<16xi32>], vector<16xi32>,
      %shift_left3A_1039 = arith.constant 16 : i32
      %shift_left3A_1040 = vector.broadcast %shift_left3A_1039 : i32 to vector<16xi32>
      %shift_left3A_1041 = arith.shli %gather3A_1029, %shift_left3A_1040 : vector<16xi32>
      %bitcast3A_1042 = vector.bitcast %shift_left3A_1041 : vector<16xi32> to vector<16xf32>
      %and3A_1043 = vector.broadcast %scan3A_797 : i32 to vector<16xi32>
      %and3A_1044 = arith.andi %gather3A_1029, %and3A_1043 : vector<16xi32>
      %bitcast3A_1045 = vector.bitcast %and3A_1044 : vector<16xi32> to vector<16xf32>
      %shift_left3A_1046 = arith.constant 16 : i32
      %shift_left3A_1047 = vector.broadcast %shift_left3A_1046 : i32 to vector<16xi32>
      %shift_left3A_1048 = arith.shli %gather3A_1033, %shift_left3A_1047 : vector<16xi32>
      %bitcast3A_1049 = vector.bitcast %shift_left3A_1048 : vector<16xi32> to vector<16xf32>
      %and3A_1050 = vector.broadcast %scan3A_797 : i32 to vector<16xi32>
      %and3A_1051 = arith.andi %gather3A_1033, %and3A_1050 : vector<16xi32>
      %bitcast3A_1052 = vector.bitcast %and3A_1051 : vector<16xi32> to vector<16xf32>
      %shift_left3A_1053 = arith.constant 16 : i32
      %shift_left3A_1054 = vector.broadcast %shift_left3A_1053 : i32 to vector<16xi32>
      %shift_left3A_1055 = arith.shli %gather3A_1034, %shift_left3A_1054 : vector<16xi32>
      %bitcast3A_1056 = vector.bitcast %shift_left3A_1055 : vector<16xi32> to vector<16xf32>
      %and3A_1057 = vector.broadcast %scan3A_797 : i32 to vector<16xi32>
      %and3A_1058 = arith.andi %gather3A_1034, %and3A_1057 : vector<16xi32>
      %bitcast3A_1059 = vector.bitcast %and3A_1058 : vector<16xi32> to vector<16xf32>
      %shift_left3A_1060 = arith.constant 16 : i32
      %shift_left3A_1061 = vector.broadcast %shift_left3A_1060 : i32 to vector<16xi32>
      %shift_left3A_1062 = arith.shli %gather3A_1038, %shift_left3A_1061 : vector<16xi32>
      %bitcast3A_1063 = vector.bitcast %shift_left3A_1062 : vector<16xi32> to vector<16xf32>
      %and3A_1064 = vector.broadcast %scan3A_797 : i32 to vector<16xi32>
      %and3A_1065 = arith.andi %gather3A_1038, %and3A_1064 : vector<16xi32>
      %bitcast3A_1066 = vector.bitcast %and3A_1065 : vector<16xi32> to vector<16xf32>
      %mul3A_1067 = arith.mulf %bitcast3A_1042, %gather3A_1003 : vector<16xf32>
      %mul3A_1068 = arith.mulf %bitcast3A_1045, %gather3A_1004 : vector<16xf32>
      %add3A_1069 = arith.addf %mul3A_1067, %mul3A_1068 : vector<16xf32>
      %mul3A_1070 = arith.mulf %bitcast3A_1056, %gather3A_1005 : vector<16xf32>
      %mul3A_1071 = arith.mulf %bitcast3A_1059, %gather3A_1006 : vector<16xf32>
      %add3A_1072 = arith.addf %mul3A_1070, %mul3A_1071 : vector<16xf32>
      %sub3A_1073 = arith.subf %add3A_1069, %add3A_1072 : vector<16xf32>
      %mul3A_1074 = arith.mulf %bitcast3A_1049, %gather3A_1003 : vector<16xf32>
      %mul3A_1075 = arith.mulf %bitcast3A_1052, %gather3A_1004 : vector<16xf32>
      %add3A_1076 = arith.addf %mul3A_1074, %mul3A_1075 : vector<16xf32>
      %mul3A_1077 = arith.mulf %bitcast3A_1063, %gather3A_1005 : vector<16xf32>
      %mul3A_1078 = arith.mulf %bitcast3A_1066, %gather3A_1006 : vector<16xf32>
      %add3A_1079 = arith.addf %mul3A_1077, %mul3A_1078 : vector<16xf32>
      %sub3A_1080 = arith.subf %add3A_1076, %add3A_1079 : vector<16xf32>
      %mul3A_1081 = arith.mulf %sub3A_1073, %sub3A_1073 : vector<16xf32>
      %add3A_1082 = arith.addf %add3A_990, %mul3A_1081 : vector<16xf32>
      %mul3A_1083 = arith.mulf %sub3A_1080, %sub3A_1080 : vector<16xf32>
      %add3A_1084 = arith.addf %add3A_1082, %mul3A_1083 : vector<16xf32>
      scf.yield %add3A_1084 : vector<16xf32>
    }
    %scan3A_803 = arith.constant 124 : i32
    %scan3A_804 = arith.addi %scan3A_798, %scan3A_803 : i32
    %mul3A_805 = arith.constant 1 : i32
    %mul3A_806 = arith.muli %scan3A_804, %mul3A_805 : i32
    %add3A_807 = arith.constant 0 : i32
    %add3A_808 = arith.addi %add3A_807, %mul3A_806 : i32
    %mul3A_809 = arith.constant 16 : i32
    %mul3A_810 = arith.muli %add3A_808, %mul3A_809 : i32
    %get3A = arith.index_cast %mul3A_810 : i32 to index
    %get3A_811 = tpu.vector_load %arg12[%get3A] {strides = array<i32>} : memref<2000xi32, #tpu.memory_space<vmem>>, vector<16xi32>,
    %get3A_812 = arith.index_cast %mul3A_810 : i32 to index
    %get3A_813 = tpu.vector_load %arg13[%get3A_812] {strides = array<i32>} : memref<2000xi32, #tpu.memory_space<vmem>>, vector<16xi32>,
    %gather3A_814 = tpu.vector_load_idx %arg8[%get3A_811] : memref<51200xf32, #tpu.memory_space<vmem>>[vector<16xi32>], vector<16xf32>,
    %gather3A_815 = tpu.vector_load_idx %arg9[%get3A_811] : memref<51200xf32, #tpu.memory_space<vmem>>[vector<16xi32>], vector<16xf32>,
    %gather3A_816 = tpu.vector_load_idx %arg8[%get3A_813] : memref<51200xf32, #tpu.memory_space<vmem>>[vector<16xi32>], vector<16xf32>,
    %gather3A_817 = tpu.vector_load_idx %arg9[%get3A_813] : memref<51200xf32, #tpu.memory_space<vmem>>[vector<16xi32>], vector<16xf32>,
    %bitcast3A_818 = vector.bitcast %gather3A_814 : vector<16xf32> to vector<16xi32>
    %and3A_819 = arith.constant 15 : i32
    %and3A_820 = vector.broadcast %and3A_819 : i32 to vector<16xi32>
    %and3A_821 = arith.andi %bitcast3A_818, %and3A_820 : vector<16xi32>
    %bitcast3A_822 = vector.bitcast %gather3A_816 : vector<16xf32> to vector<16xi32>
    %and3A_823 = arith.constant 15 : i32
    %and3A_824 = vector.broadcast %and3A_823 : i32 to vector<16xi32>
    %and3A_825 = arith.andi %bitcast3A_822, %and3A_824 : vector<16xi32>
    %mul3A_826 = arith.constant 10 : i32
    %mul3A_827 = vector.broadcast %mul3A_826 : i32 to vector<16xi32>
    %mul3A_828 = arith.muli %and3A_821, %mul3A_827 : vector<16xi32>
    %add3A_829 = arith.addi %mul3A_828, %and3A_825 : vector<16xi32>
    %mul3A_830 = arith.constant 2 : i32
    %mul3A_831 = vector.broadcast %mul3A_830 : i32 to vector<16xi32>
    %mul3A_832 = arith.muli %add3A_829, %mul3A_831 : vector<16xi32>
    %mul3A_833 = arith.constant 10 : i32
    %mul3A_834 = vector.broadcast %mul3A_833 : i32 to vector<16xi32>
    %mul3A_835 = arith.muli %and3A_825, %mul3A_834 : vector<16xi32>
    %add3A_836 = arith.addi %mul3A_835, %and3A_821 : vector<16xi32>
    %mul3A_837 = arith.constant 2 : i32
    %mul3A_838 = vector.broadcast %mul3A_837 : i32 to vector<16xi32>
    %mul3A_839 = arith.muli %add3A_836, %mul3A_838 : vector<16xi32>
    %gather3A_840 = tpu.vector_load_idx %arg11[%mul3A_832] : memref<256xi32, #tpu.memory_space<vmem>>[vector<16xi32>], vector<16xi32>,
    %add3A_841 = arith.constant 1 : i32
    %add3A_842 = vector.broadcast %add3A_841 : i32 to vector<16xi32>
    %add3A_843 = arith.addi %mul3A_832, %add3A_842 : vector<16xi32>
    %gather3A_844 = tpu.vector_load_idx %arg11[%add3A_843] : memref<256xi32, #tpu.memory_space<vmem>>[vector<16xi32>], vector<16xi32>,
    %gather3A_845 = tpu.vector_load_idx %arg11[%mul3A_839] : memref<256xi32, #tpu.memory_space<vmem>>[vector<16xi32>], vector<16xi32>,
    %add3A_846 = arith.constant 1 : i32
    %add3A_847 = vector.broadcast %add3A_846 : i32 to vector<16xi32>
    %add3A_848 = arith.addi %mul3A_839, %add3A_847 : vector<16xi32>
    %gather3A_849 = tpu.vector_load_idx %arg11[%add3A_848] : memref<256xi32, #tpu.memory_space<vmem>>[vector<16xi32>], vector<16xi32>,
    %shift_left3A = arith.constant 16 : i32
    %shift_left3A_850 = vector.broadcast %shift_left3A : i32 to vector<16xi32>
    %shift_left3A_851 = arith.shli %gather3A_840, %shift_left3A_850 : vector<16xi32>
    %bitcast3A_852 = vector.bitcast %shift_left3A_851 : vector<16xi32> to vector<16xf32>
    %and3A_853 = vector.broadcast %scan3A_797 : i32 to vector<16xi32>
    %and3A_854 = arith.andi %gather3A_840, %and3A_853 : vector<16xi32>
    %bitcast3A_855 = vector.bitcast %and3A_854 : vector<16xi32> to vector<16xf32>
    %shift_left3A_856 = arith.constant 16 : i32
    %shift_left3A_857 = vector.broadcast %shift_left3A_856 : i32 to vector<16xi32>
    %shift_left3A_858 = arith.shli %gather3A_844, %shift_left3A_857 : vector<16xi32>
    %bitcast3A_859 = vector.bitcast %shift_left3A_858 : vector<16xi32> to vector<16xf32>
    %and3A_860 = vector.broadcast %scan3A_797 : i32 to vector<16xi32>
    %and3A_861 = arith.andi %gather3A_844, %and3A_860 : vector<16xi32>
    %bitcast3A_862 = vector.bitcast %and3A_861 : vector<16xi32> to vector<16xf32>
    %shift_left3A_863 = arith.constant 16 : i32
    %shift_left3A_864 = vector.broadcast %shift_left3A_863 : i32 to vector<16xi32>
    %shift_left3A_865 = arith.shli %gather3A_845, %shift_left3A_864 : vector<16xi32>
    %bitcast3A_866 = vector.bitcast %shift_left3A_865 : vector<16xi32> to vector<16xf32>
    %and3A_867 = vector.broadcast %scan3A_797 : i32 to vector<16xi32>
    %and3A_868 = arith.andi %gather3A_845, %and3A_867 : vector<16xi32>
    %bitcast3A_869 = vector.bitcast %and3A_868 : vector<16xi32> to vector<16xf32>
    %shift_left3A_870 = arith.constant 16 : i32
    %shift_left3A_871 = vector.broadcast %shift_left3A_870 : i32 to vector<16xi32>
    %shift_left3A_872 = arith.shli %gather3A_849, %shift_left3A_871 : vector<16xi32>
    %bitcast3A_873 = vector.bitcast %shift_left3A_872 : vector<16xi32> to vector<16xf32>
    %and3A_874 = vector.broadcast %scan3A_797 : i32 to vector<16xi32>
    %and3A_875 = arith.andi %gather3A_849, %and3A_874 : vector<16xi32>
    %bitcast3A_876 = vector.bitcast %and3A_875 : vector<16xi32> to vector<16xf32>
    %mul3A_877 = arith.mulf %bitcast3A_852, %gather3A_814 : vector<16xf32>
    %mul3A_878 = arith.mulf %bitcast3A_855, %gather3A_815 : vector<16xf32>
    %add3A_879 = arith.addf %mul3A_877, %mul3A_878 : vector<16xf32>
    %mul3A_880 = arith.mulf %bitcast3A_866, %gather3A_816 : vector<16xf32>
    %mul3A_881 = arith.mulf %bitcast3A_869, %gather3A_817 : vector<16xf32>
    %add3A_882 = arith.addf %mul3A_880, %mul3A_881 : vector<16xf32>
    %sub3A_883 = arith.subf %add3A_879, %add3A_882 : vector<16xf32>
    %mul3A_884 = arith.mulf %bitcast3A_859, %gather3A_814 : vector<16xf32>
    %mul3A_885 = arith.mulf %bitcast3A_862, %gather3A_815 : vector<16xf32>
    %add3A_886 = arith.addf %mul3A_884, %mul3A_885 : vector<16xf32>
    %mul3A_887 = arith.mulf %bitcast3A_873, %gather3A_816 : vector<16xf32>
    %mul3A_888 = arith.mulf %bitcast3A_876, %gather3A_817 : vector<16xf32>
    %add3A_889 = arith.addf %mul3A_887, %mul3A_888 : vector<16xf32>
    %sub3A_890 = arith.subf %add3A_886, %add3A_889 : vector<16xf32>
    %mul3A_891 = arith.mulf %sub3A_883, %sub3A_883 : vector<16xf32>
    %add3A_892 = arith.addf %scan3A_802, %mul3A_891 : vector<16xf32>
    %mul3A_893 = arith.mulf %sub3A_890, %sub3A_890 : vector<16xf32>
    %add3A_894 = arith.addf %add3A_892, %mul3A_893 : vector<16xf32>
    %scan3A_895 = arith.constant 125 : i32
    %swap3A = arith.constant 0 : index
    %swap3A_896 = tpu.vector_load %arg16[%swap3A] {strides = array<i32>} : memref<16xf32, #tpu.memory_space<vmem>>, vector<16xf32>,
    tpu.vector_store %arg16[%swap3A], %add3A_894 {strides = array<i32>} : memref<16xf32, #tpu.memory_space<vmem>>, vector<16xf32>,
    "tpu.region"() ({
      %run_scoped3A = tpu.sem_alloc : memref<!tpu.dma_semaphore, #tpu.memory_space<semaphore_mem>>
      %dma_start3A_897 = arith.constant 0 : i32
      %dma_start3A_898 = tpu.memref_slice %arg7[%add3A, %dma_start3A_897] : memref<32x16xf32, #tpu.memory_space<hbm>> -> memref<1x16xf32, #tpu.memory_space<hbm>>
      %dma_start3A_899 = tpu.memref_squeeze %dma_start3A_898 : memref<1x16xf32, #tpu.memory_space<hbm>> -> memref<16xf32, #tpu.memory_space<hbm>>
      %dma_start3A_900 = arith.constant 0 : i32
      %dma_start3A_901 = tpu.memref_slice %arg7[%add3A, %dma_start3A_900] : memref<32x16xf32, #tpu.memory_space<hbm>> -> memref<1x16xf32, #tpu.memory_space<hbm>>
      %dma_start3A_902 = tpu.memref_squeeze %dma_start3A_901 : memref<1x16xf32, #tpu.memory_space<hbm>> -> memref<16xf32, #tpu.memory_space<hbm>>
      tpu.enqueue_dma source(%arg16 : memref<16xf32, #tpu.memory_space<vmem>>) target(%dma_start3A_902 : memref<16xf32, #tpu.memory_space<hbm>>) target_semaphore(%run_scoped3A : memref<!tpu.dma_semaphore, #tpu.memory_space<semaphore_mem>>)
      %dma_wait3A_903 = arith.constant 0 : i32
      %dma_wait3A_904 = tpu.memref_slice %arg7[%add3A, %dma_wait3A_903] : memref<32x16xf32, #tpu.memory_space<hbm>> -> memref<1x16xf32, #tpu.memory_space<hbm>>
      %dma_wait3A_905 = tpu.memref_squeeze %dma_wait3A_904 : memref<1x16xf32, #tpu.memory_space<hbm>> -> memref<16xf32, #tpu.memory_space<hbm>>
      %dma_wait3A_906 = arith.constant 0 : i32
      %dma_wait3A_907 = tpu.memref_slice %arg7[%add3A, %dma_wait3A_906] : memref<32x16xf32, #tpu.memory_space<hbm>> -> memref<1x16xf32, #tpu.memory_space<hbm>>
      %dma_wait3A_908 = tpu.memref_squeeze %dma_wait3A_907 : memref<1x16xf32, #tpu.memory_space<hbm>> -> memref<16xf32, #tpu.memory_space<hbm>>
      tpu.wait_dma2 semaphore(%run_scoped3A : memref<!tpu.dma_semaphore, #tpu.memory_space<semaphore_mem>>) src(%arg16 : memref<16xf32, #tpu.memory_space<vmem>>) dst(%dma_wait3A_908 : memref<16xf32, #tpu.memory_space<hbm>>)
      tpu.yield
    }) : () -> ()
    return
  }
}

</mosaic_0001>

<sc_bundles>
// kernel: kernel.4.cloned.1.call-start
scs
__scs_entry_jumppad:
0x0: {  	(pc) =	sbr.rel $0x88, $3  }
0x1: {  	(tag) =	ssettag $0x0;
	lr =	simm.s32 $0x1  }
0x2: {  	[smem:$0x3F9D] =	sst lr;
	_ =	strace $0xD0000000  }
0x3: {  	_ = 	snop  }
0x4: {  	_ = 	snop  }
0x5: {  	_ = 	snop  }
0x6: {  	_ = 	snop  }
0x7: {  	_ = 	snop  }
__scs_overlays_trampoline_lowered:
0x8: {  	[smem:$0x3FAC] =	sst s0  }
0x9: {  	[smem:$0x3FAD] =	sst s1  }
0xa: {  	[smem:$0x3FAE] =	sst s2  }
0xb: {  	[smem:$0x3FAF] =	sst s3  }
0xc: {  	[smem:$0x3FB0] =	sst s4  }
0xd: {  	[smem:$0x3FB1] =	sst s5  }
0xe: {  	[smem:$0x3FB2] =	sst s6  }
0xf: {  	[smem:$0x3FB3] =	sst s7  }
0x10: {  	[smem:$0x3FB4] =	sst s8  }
0x11: {  	[smem:$0x3FB5] =	sst s9;
	s0 =	simm.s32 @!p0 $0x0  }
0x12: {  	s1 =	sld [smem:$0x3F9B];
	s0 =	simm.s32 @p0 $0x1  }
0x13: {  	[smem:$0x3FB6] =	sst s0;
	s0 =	simm.s32 @!p1 $0x0  }
0x14: {  	s2 =	sld [smem:$0x3F9A];
	s0 =	simm.s32 @p1 $0x1  }
0x15: {  	[smem:$0x3FB7] =	sst s0;
	s0 =	simm.s32 @!p2 $0x0  }
0x16: {  	s3 =	sld [smem:$0x3FDB];
	s0 =	simm.s32 @p2 $0x1  }
0x17: {  	s4 =	simm.s32 $0x1BF5;
	[smem:$0x3FB9] =	sst s0  }
0x18: {  	s0 =	sld [smem:$0x3F9C];
	_ =	swait.ge [sflag:s4], $0x0  }
0x19: {  	s7 =	sld [smem:$0x3F9D]  }
0x1a: {  	s8 =	sadd.s32 $0xFFFFE003, lr  }
0x1b: {  	s9 =	sadd.s32 $0xFFFFFEF7, lr;
	s5 =	simm.s32 $0xFFFFFFFF;
	p2 =	slt.u32 s8, $0xFFFFF086  }
0x1c: {  	p1 =	slt.u32 s9, $0xF7A;
	s5 =	simm.s32 @!p2 $0x0  }
0x1d: {  	s5 =	simm.s32 @p1 $0x1;
	p0 =	seq.s32 s7, s2  }
0x1e: {  	s7 =	smul.u32 @!p0 $0xF7A, s2;
	p2 =	seq.s32 @!p0 s5, $0x0  }
0x1f: {  	s9 =	smul.u32 $0xF7A, s1;
	s8 =	simm.s32 @!p0 $0x1BF5;
	p2 =	por !p2, p0  }
0x20: {  	[sflag:s8] =	ssyncset.s32 @!p0 $0xFFFFF086;
	s6 =	sadd.s32 @!p0 s3, s7;
	s7 =	simm.s32 @!p0 $0x108  }
0x21: {  	s3 =	sadd.s32 s3, s9;
	s6 =	sadd.s32 @!p0 $0x88, s6;
	s7 =	simm.s32 @p2 $0x1082  }
0x22: {  	[simem:s7], [sflag:s8] =	dma.local @!p0 [hbm:s6], $0xF7A  }
0x23: {  	s9 =	sor.u32 $0xD0000000, s2;
	s6 =	simm.s32 $0x108;
	_ =	swait.ge @!p0 [sflag:s8], $0x0  }
0x24: {  	s3 =	sadd.s32 $0x88, s3;
	s6 =	simm.s32 @!p1 $0x1082;
	[sflag:s4] =	ssyncset.s32 $0xFFFFF086  }
0x25: {  	[simem:s6], [sflag:s4] =	dma.local [hbm:s3], $0xF7A  }
0x26: {  	[smem:$0x3F9D] =	sst s1;
	(tag) =	ssettag s2;
	_ =	strace s9  }
0x27: {  	s1 =	sld [smem:$0x3FAD]  }
0x28: {  	s2 =	sld [smem:$0x3FAE]  }
0x29: {  	s4 =	sld [smem:$0x3FB0]  }
0x2a: {  	p0 =	seq.s32 s5, $0x0;
	s5 =	sld [smem:$0x3FB1]  }
0x2b: {  	s6 =	sld [smem:$0x3FB2]  }
0x2c: {  	s7 =	sld [smem:$0x3FB3]  }
0x2d: {  	s3 =	simm.s32 $0x108;
	s8 =	sld [smem:$0x3FB4]  }
0x2e: {  	s3 =	simm.s32 @!p0 $0x1082;
	s9 =	sld [smem:$0x3FB5]  }
0x2f: {  	lr =	sadd.s32 s0, s3;
	s0 =	sld [smem:$0x3FAC]  }
0x30: {  	s3 =	sld [smem:$0x3FAF]  }
0x31: {  	[smem:$0x3FB8] =	sst s10  }
0x32: {  	s10 =	sld [smem:$0x3FB6];
	_ =	sdelay $0x3  }
0x33: {  	p0 =	seq.s32 s10, $0x1;
	s10 =	sld [smem:$0x3FB8];
	_ =	sdelay $0x3  }
0x34: {  	[smem:$0x3FB8] =	sst s10  }
0x35: {  	s10 =	sld [smem:$0x3FB7];
	_ =	sdelay $0x3  }
0x36: {  	p1 =	seq.s32 s10, $0x1;
	s10 =	sld [smem:$0x3FB8];
	_ =	sdelay $0x3  }
0x37: {  	[smem:$0x3FB8] =	sst s10  }
0x38: {  	s10 =	sld [smem:$0x3FB9]  }
0x39: {  	_ = 	snop;
	(pc) =	sbr.ind lr, $3  }
0x3a: {  	_ = 	snop  }
0x3b: {  	_ = 	snop  }
0x3c: {  	p2 =	seq.s32 s10, $0x1;
	s10 =	sld [smem:$0x3FB8]  }
0x3d: {  	_ =	shalt  }
0x3e: {  	_ =	shalt  }
0x3f: {  	_ =	shalt  }
0x40: {  	_ =	shalt  }
0x41: {  	_ =	shalt  }
0x42: {  	_ =	shalt  }
0x43: {  	_ =	shalt  }
0x44: {  	_ =	shalt  }
0x45: {  	_ =	shalt  }
0x46: {  	_ =	shalt  }
0x47: {  	_ =	shalt  }
0x48: {  	_ =	shalt  }
0x49: {  	_ =	shalt  }
0x4a: {  	_ =	shalt  }
0x4b: {  	_ =	shalt  }
0x4c: {  	_ =	shalt  }
0x4d: {  	_ =	shalt  }
0x4e: {  	_ =	shalt  }
0x4f: {  	_ =	shalt  }
0x50: {  	_ =	shalt  }
0x51: {  	_ =	shalt  }
0x52: {  	_ =	shalt  }
0x53: {  	_ =	shalt  }
0x54: {  	_ =	shalt  }
0x55: {  	_ =	shalt  }
0x56: {  	_ =	shalt  }
0x57: {  	_ =	shalt  }
0x58: {  	_ =	shalt  }
0x59: {  	_ =	shalt  }
0x5a: {  	_ =	shalt  }
0x5b: {  	_ =	shalt  }
0x5c: {  	_ =	shalt  }
0x5d: {  	_ =	shalt  }
0x5e: {  	_ =	shalt  }
0x5f: {  	_ =	shalt  }
0x60: {  	_ =	shalt  }
0x61: {  	_ =	shalt  }
0x62: {  	_ =	shalt  }
0x63: {  	_ =	shalt  }
0x64: {  	_ =	shalt  }
0x65: {  	_ =	shalt  }
0x66: {  	_ =	shalt  }
0x67: {  	_ =	shalt  }
0x68: {  	_ =	shalt  }
0x69: {  	_ =	shalt  }
0x6a: {  	_ =	shalt  }
0x6b: {  	_ =	shalt  }
0x6c: {  	_ =	shalt  }
0x6d: {  	_ =	shalt  }
0x6e: {  	_ =	shalt  }
0x6f: {  	_ =	shalt  }
0x70: {  	_ =	shalt  }
0x71: {  	_ =	shalt  }
0x72: {  	_ =	shalt  }
0x73: {  	_ =	shalt  }
0x74: {  	_ =	shalt  }
0x75: {  	_ =	shalt  }
0x76: {  	_ =	shalt  }
0x77: {  	_ =	shalt  }
0x78: {  	_ =	shalt  }
0x79: {  	_ =	shalt  }
0x7a: {  	_ =	shalt  }
0x7b: {  	_ =	shalt  }
0x7c: {  	_ =	shalt  }
0x7d: {  	_ =	shalt  }
0x7e: {  	_ =	shalt  }
0x7f: {  	_ =	shalt  }
0x80: {  	_ =	shalt  }
0x81: {  	_ =	shalt  }
0x82: {  	_ =	shalt  }
0x83: {  	_ =	shalt  }
0x84: {  	_ =	shalt  }
0x85: {  	_ =	shalt  }
0x86: {  	_ =	shalt  }
0x87: {  	_ =	shalt  }
.Lfunc_end0:
.L_simem_size_0:
called_computation_lowered:
.L_overlay_start_0:
0x88: {  	s2 =	sld [smem:$0x3FD9]  }
0x89: {  	s3 =	sld [smem:$0x3FFE];
	_ =	sdelay $0x1  }
0x8a: {  	s1 =	srdreg.scid  }
0x8b: {  	s0 =	sand.u32 $0x1, s1  }
0x8c: {  	s16 =	sshll.u32 s0, $0xA;
	s2 =	sadd.s32 s3, s2  }
0x8d: {  	s2 =	sadd.s32 s2, s16  }
0x8e: {  	[smem:$0x3FC4] =	sst s2  }
0x8f: {  	_ = 	snop  }
0x90: {  	(tm) =	ssettm $0x1  }
0x91: {  	s17 =	sld [smem:$0x3FFB];
	_ =	sdelay $0x3  }
0x92: {  	_ =	strace s17  }
0x93: {  	s2 =	sld [smem:$0x3FFC];
	_ =	sdelay $0x3  }
0x94: {  	_ =	strace s2  }
0x95: {  	s2 =	sld [smem:$0x3FFD];
	_ =	sdelay $0x3  }
0x96: {  	_ =	strace s2  }
0x97: {  	_ =	strace $0x8FFFFFFF  }
0x98: {  	s18 =	sld [smem:$0x3FDB];
	_ =	sdelay $0x1  }
0x99: {  	s19 =	simm.s32 $_scs_section_size  }
0x9a: {  	s4 =	simm.s32 $_size__tile_overlayer_lowered;
	s5 =	simm.s32 $_tile_overlayer_lowered  }
0x9b: {  	s22 =	simm.s32 $0x1BFF;
	s21 =	sshll.u32 s5, $0x1;
	s2 =	sadd.s32 s19, s18  }
0x9c: {  	s6 =	simm.s32 $0x0;
	s20 =	sshll.u32 s4, $0x1;
	s4 =	sadd.s32 s21, s2  }
0x9d: {  	[timem:s6], [sflag:s22] =	dma.local [hbm:s4], s20  }
0x9e: {  	_ =	swait.ge [sflag:s22], s20  }
0x9f: {  	s3 =	ssub.s32 $0x0, s20;
	[sflag:s22] =	ssyncset.done $0x0  }
0xa0: {  	[sflag:s22] =	ssyncadd.s32 s3;
	_ =	sdelay $0x1  }
0xa1: {  	s23 =	simm.s32 $0x1B8B  }
0xa2: {  	_ =	swait.ge [sflag:s23], $0x1  }
0xa3: {  	[sflag:s23] =	ssyncset.done $0x0  }
0xa4: {  	s25 =	simm.s32 $0x1B8E;
	s24 =	sld [smem:$0x3FFE];
	[sflag:s23] =	ssyncadd.s32 $0xFFFFFFFF  }
0xa5: {  	s26 =	simm.s32 $execute0_lowered;
	[smem:$0x3FD2] =	sst s25  }
0xa6: {  	s4 =	sshll.u32 s26, $0x1;
	_ =	strace $0x80000046;
	[dreg:$0x1] =	wrdreg $0xFFFFFFFF  }
0xa7: {  	s28 =	simm.s32 $_size_execute0_lowered;
	s2 =	sadd.s32 s2, s4;
	[dreg:$0x0] =	wrdreg $0x0  }
0xa8: {  	s4 =	sshll.u32 s28, $0x1;
	[dreg:$0x2] =	wrdreg s2  }
0xa9: {  	[dreg:$0x3] =	wrdreg s4  }
0xaa: {  	[dreg:$0x4] =	wrdreg $0xC0  }
0xab: {  	_ =	task [dreg:s6], $0x5FFFF  }
0xac: {  	[dreg:$0x1] =	wrdreg $0xFFFFFFFF  }
0xad: {  	[dreg:$0x0] =	wrdreg $0x60  }
0xae: {  	[dreg:$0x2] =	wrdreg s24  }
0xaf: {  	[dreg:$0x3] =	wrdreg $0xFD800  }
0xb0: {  	[dreg:$0x4] =	wrdreg $0x9  }
0xb1: {  	_ =	task.clear_ibuf [dreg:s6], $0x5FFFF;
	_ =	strace $0x90000046  }
0xb2: {  	s29 =	simm.s32 $0x9;
	_ =	strace $0x80000048  }
0xb3: {  	_ =	swait.ge [sflag:s29], $0x1  }
0xb4: {  	[sflag:s29] =	ssyncadd.s32 $0xFFFFFFFF  }
0xb5: {  	_ =	strace $0x90000048  }
0xb6: {  	_ =	sfence  }
0xb7: {  	s30 =	sld [smem:$0x0];
	_ =	sdelay $0x2  }
0xb8: {  	s31 =	sshll.u32 s1, $0xD;
	s1 =	sshrl.u32 s1, $0x2  }
0xb9: {  	s3 =	sand.u32 $0x4000, s31;
	s1 =	sadd.s32 s1, s30  }
0xba: {  	s0 =	sor.u32 s3, s0;
	s1 =	sshll.u32 s1, $0x11  }
0xbb: {  	s0 =	sor.u32 s1, s0  }
0xbc: {  	s0 =	sadd.s32 $0x8F2B, s0  }
0xbd: {  	[sflag:s0] =	ssyncadd.remote.s32 $0x1  }
0xbe: {  	_ =	sfence.sel $0xFFFF  }
0xbf: {  	[dreg:$0x0] =	wrdreg $0xFFFFFFFF;
	(pc) =	sbr.abs _section_cstart, $3  }
0xc0: {  	[dreg:$0x1] =	wrdreg $0xFFFFFFFF  }
0xc1: {  	_ =	task.clear_ibuf [dreg:s6], $0x2FFFF;
	_ =	strace $0x9FFFFFFF  }
0xc2: {  	(tm) =	ssettm $0x7FFFFFFF  }
0xc3: {  	_ =	shalt  }
tec
execute0_lowered:
.L_overlay_start_1:
0x0: {  	(tag) =	ssettag $0x1  }
0x1: {  	s1 =	srdreg.scid;
	s4 =	rddreg [dreg:$0x0]  }
0x2: {  	s0 =	stileid.u32;
	s8 =	rddreg [dreg:$0x1]  }
0x3: {  	s2 =	simm.s32 $0x0;
	s13 =	simm.s32 $0x1000;
	s14 =	simm.s32 $0x2  }
0x4: {  	s15 =	simm.s32 $0x80;
	s16 =	simm.s32 $0x400;
	s17 =	simm.s32 $0x3  }
0x5: {  	s18 =	simm.s32 $0xE480;
	s19 =	simm.s32 $0xF100;
	s20 =	simm.s32 $0xD800  }
0x6: {  	s5 =	sand.u32 $0x1, s1;
	s3 =	smul.u32 $0xC80, s0;
	s1 =	rddreg [dreg:$0x2]  }
0x7: {  	s21 =	simm.s32 $0x0;
	[smem:$0x7FF] =	sst s2;
	s31 =	smul.u32 $0x19000, s0  }
0x8: {  	s10 =	sshrl.u32 s0, $0x3;
	s12 =	sshll.u32 s0, $0x7;
	s6 =	smul.u32 $0xC800, s5  }
0x9: {  	s7 =	sshll.u32 s5, $0x4;
	_ =	strace $0x80000047;
	s26 =	ssub.s32 $0x2, s5  }
0xa: {  	s30 =	smul.u32 $0x190000, s10;
	s12 =	sand.u32 $0x380, s12;
	s24 =	sor.u32 s0, s7  }
0xb: {  	s5 =	sshrl.u32 s26, $0x1;
	s10 =	sshrl.u32 s31, $0x2;
	s3 =	sadd.s32 s3, s6  }
0xc: {  	s6 =	smul.u32 $0xC350, s24;
	s11 =	ssub.s32 s26, s5;
	s7 =	sshrl.u32 s30, $0x2  }
0xd: {  	s25 =	sshrl.u32 s3, $0x3;
	s3 =	sadd.s32 $0xA00, s4;
	s7 =	sadd.s32 s7, s8  }
0xe: {  	s8 =	sadd.s32 s10, s8;
	s10 =	smax.u32 s11, $0x1;
	s11 =	simm.s32 $0x800  }
0xf: {  	s9 =	sadd.s32 s25, s4;
	s28 =	sshrl.u32 s6, $0x3;
	s5 =	sadd.s32 $0x1871D0, s6  }
0x10: {  	s6 =	sadd.s32 $0x1879A0, s6;
	s7 =	sadd.s32 s12, s7;
	s29 =	sadd.s32 s3, s28  }
0x11: {  	v0 =	vimm.f32 $0.0e+00;
	v1 =	vimm.f32 $1.000000000e+00;
	s12 =	simm.s32 $0x1;
	s9 =	sadd.s32 $0x62600, s9;
	s4 =	sadd.s32 $0x30D40, s29  }
.LBB2_1:
0x12: {  	s22 =	simm.s32 $0x40;
	s23 =	simm.s32 $0x0  }
.LBB2_2:
0x13: {  	p0 =	sne.s32 s22, $0x31FC0;
	[tilespmem:s23+$0x1000] =	vst v0;
	s23 =	smov.u32 s22;
	s22 =	sadd.s32 $0x40, s22  }
.Ltmp0:
0x14: {  	(pc) =	sbr.rel @p0 .LBB2_2-.Ltmp0, $2  }
0x15: {  	_ =	sdelay $0x2  }
0x16: {  	s23 =	sshra.s32 s23, $0x2  }
0x17: {  	[tilespmem:s23+$0x1000] =	vst v0;
	s22 =	simm.s32 $0x0;
	s23 =	simm.s32 $0x0  }
0x18: {  	[tilespmem:s22], [sflag:$0x1] =	stream.linear.gather [hbm4b:s4+s22], $0x7D0, $0x38;
	[tilespmem:$0x1C580] =	vst v63  }
.LBB2_4:
0x19: {  	s24 =	smul.u32 $0xFA0, s23;
	_ =	sdelay $0x1  }
0x1a: {  	s25 =	sadd.s32 s24, s5  }
0x1b: {  	s25 =	sshrl.u32 s25, $0x3  }
0x1c: {  	s25 =	sadd.s32 s3, s25  }
0x1d: {  	[tilespmem:s11], [sflag:$0x2] =	stream.linear.gather [hbm4b:s25+s22], $0x7D0, $0x38;
	[tilespmem:$0x1C580] =	vst v63  }
0x1e: {  	_ =	swait.ge [sflag:s12], $0x7D0  }
0x1f: {  	[sflag:s12] =	ssyncset.done $0x0  }
0x20: {  	s26 =	simm.s32 $0x0;
	s25 =	simm.s32 $0x40;
	[sflag:s12] =	ssyncadd.s32 $0xFFFFF830  }
.LBB2_5:
0x21: {  	p0 =	sne.s32 s25, $0x1F00;
	v2 =	vld [tilespmem:s26+$0x0];
	_ =	sdelay $0x3  }
.Ltmp1:
0x22: {  	(pc) =	sbr.rel @p0 .LBB2_5-.Ltmp1, $2  }
0x23: {  	_ =	sdelay $0x2  }
0x24: {  	s26 =	sshra.s32 s25, $0x2;
	s25 =	sadd.s32 $0x40, s25;
	[tilespmem:v2+s13+$0x0] =	vst.idx.add.f32.msk $0xffff, v1  }
0x25: {  	v2 =	vld [tilespmem:s26+$0x0];
	_ =	sdelay $0x5  }
0x26: {  	s24 =	sadd.s32 s24, s6  }
0x27: {  	s24 =	sshrl.u32 s24, $0x3  }
0x28: {  	s25 =	simm.s32 $0x0;
	s24 =	sadd.s32 s3, s24;
	[tilespmem:v2+s13+$0x0] =	vst.idx.add.f32.msk $0xffff, v1  }
0x29: {  	[tilespmem:s25], [sflag:$0x1] =	stream.linear.gather [hbm4b:s24+s25], $0x7D0, $0x38;
	[tilespmem:$0x1C580] =	vst v63  }
0x2a: {  	_ =	swait.ge [sflag:s14], $0x7D0  }
0x2b: {  	[sflag:s14] =	ssyncset.done $0x0  }
0x2c: {  	s25 =	simm.s32 $0x0;
	s24 =	simm.s32 $0x40;
	[sflag:s14] =	ssyncadd.s32 $0xFFFFF830  }
.LBB2_7:
0x2d: {  	p0 =	sne.s32 s24, $0x1F00;
	v2 =	vld [tilespmem:s25+$0x800];
	_ =	sdelay $0x3  }
.Ltmp2:
0x2e: {  	(pc) =	sbr.rel @p0 .LBB2_7-.Ltmp2, $2  }
0x2f: {  	_ =	sdelay $0x2  }
0x30: {  	s25 =	sshra.s32 s24, $0x2;
	s24 =	sadd.s32 $0x40, s24;
	[tilespmem:v2+s13+$0x0] =	vst.idx.add.f32.msk $0xffff, v1  }
0x31: {  	v2 =	vld [tilespmem:s25+$0x800];
	_ =	sdelay $0x1  }
0x32: {  	s23 =	sadd.s32 $0x1, s23  }
0x33: {  	p0 =	sne.s32 s23, $0xC  }
.Ltmp3:
0x34: {  	_ = 	snop;
	(pc) =	sbr.rel @p0 .LBB2_4-.Ltmp3, $2  }
0x35: {  	_ =	sdelay $0x2  }
0x36: {  	[tilespmem:v2+s13+$0x0] =	vst.idx.add.f32.msk $0xffff, v1  }
0x37: {  	_ =	swait.ge [sflag:s12], $0x7D0  }
0x38: {  	[sflag:s12] =	ssyncset.done $0x0  }
0x39: {  	s23 =	simm.s32 $0x0;
	s22 =	simm.s32 $0x40;
	[sflag:s12] =	ssyncadd.s32 $0xFFFFF830  }
.LBB2_10:
0x3a: {  	p0 =	sne.s32 s22, $0x1F00;
	v2 =	vld [tilespmem:s23+$0x0];
	_ =	sdelay $0x3  }
.Ltmp4:
0x3b: {  	(pc) =	sbr.rel @p0 .LBB2_10-.Ltmp4, $2  }
0x3c: {  	_ =	sdelay $0x2  }
0x3d: {  	s23 =	sshra.s32 s22, $0x2;
	s22 =	sadd.s32 $0x40, s22;
	[tilespmem:v2+s13+$0x0] =	vst.idx.add.f32.msk $0xffff, v1  }
0x3e: {  	v2 =	vld [tilespmem:s23+$0x0];
	_ =	sdelay $0x7  }
0x3f: {  	[tilespmem:v2+s13+$0x0] =	vst.idx.add.f32.msk $0xffff, v1  }
0x40: {  	[spmem:s7] =	stream.strided.scatter [tilespmem:s13], [sflag:$0x3], $0xC800, s16, s15, $0x38;
	[tilespmem:$0x1C580] =	vst v63  }
0x41: {  	_ =	swait.ge [sflag:s17], $0xC800  }
0x42: {  	[sflag:s17] =	ssyncset.done $0x0  }
0x43: {  	[sflag:s17] =	ssyncadd.s32 $0xFFFF3800  }
0x44: {  	s22 =	simm.s32 $0x40;
	s23 =	simm.s32 $0x0;
	[bflag:$0x0] =	sbarrier.arrive $0xFFFF  }
.LBB2_12:
0x45: {  	p0 =	sne.s32 s22, $0x31C0;
	[tilespmem:s23+$0xD800] =	vst v0;
	s23 =	smov.u32 s22;
	s22 =	sadd.s32 $0x40, s22  }
.Ltmp5:
0x46: {  	(pc) =	sbr.rel @p0 .LBB2_12-.Ltmp5, $2  }
0x47: {  	_ =	sdelay $0x2  }
0x48: {  	s23 =	sshra.s32 s23, $0x2  }
0x49: {  	[tilespmem:s23+$0xD800] =	vst v0;
	s22 =	simm.s32 $0x0  }
0x4a: {  	[tilespmem:s18], [sflag:$0x1] =	stream.strided.gather [spmem:s8], $0xC80, s16, s15, $0x38;
	[tilespmem:$0x1C580] =	vst v63  }
.LBB2_14:
0x4b: {  	s23 =	sshrl.u32 s22, $0x2  }
0x4c: {  	s23 =	smul.u32 $0x190000, s23;
	_ =	sdelay $0x1  }
0x4d: {  	s24 =	sshll.u32 s22, $0x8;
	s23 =	sshra.s32 s23, $0x2  }
0x4e: {  	s24 =	sand.u32 $0x300, s24;
	s23 =	sadd.s32 s23, s8  }
0x4f: {  	s23 =	sadd.s32 s24, s23  }
0x50: {  	s23 =	sadd.s32 $0x80, s23  }
0x51: {  	[tilespmem:s19], [sflag:$0x2] =	stream.strided.gather [spmem:s23], $0xC80, s16, s15, $0x38;
	[tilespmem:$0x1C580] =	vst v63  }
0x52: {  	_ =	swait.ge [sflag:s12], $0xC80  }
0x53: {  	[sflag:s12] =	ssyncset.done $0x0  }
0x54: {  	s23 =	simm.s32 $0x0;
	[sflag:s12] =	ssyncadd.s32 $0xFFFFF380  }
0x55: {  	s24 =	simm.s32 $0x40;
	v2 =	vld [tilespmem:s23+$0xE480]  }
.LBB2_15:
0x56: {  	p0 =	sne.s32 s24, $0x31C0;
	v3 =	vld [tilespmem:s23+$0xD800];
	_ =	sdelay $0x2  }
.Ltmp6:
0x57: {  	(pc) =	sbr.rel @p0 .LBB2_15-.Ltmp6, $4  }
0x58: {  	_ = 	snop  }
0x59: {  	v3 =	vadd.f32 v2, v3  }
0x5a: {  	s25 =	sshra.s32 s24, $0x2  }
0x5b: {  	s24 =	sadd.s32 $0x40, s24;
	v2 =	vld [tilespmem:s25+$0xE480];
	[tilespmem:s23+$0xD800] =	vst v3;
	s23 =	smov.u32 s25  }
0x5c: {  	p0 =	seq.s32 s22, $0x7  }
0x5d: {  	v3 =	vld [tilespmem:s23+$0xD800];
	s24 =	sshll.u32 @!p0 s22, $0x1  }
0x5e: {  	s24 =	sadd.s32 @!p0 $0x2, s24  }
0x5f: {  	s25 =	sshrl.u32 @!p0 s24, $0x3  }
0x60: {  	s25 =	smul.u32 @!p0 $0x190000, s25;
	_ =	sdelay $0x1  }
0x61: {  	s24 =	sshll.u32 @!p0 s24, $0x7;
	v2 =	vadd.f32 v2, v3;
	s25 =	sshra.s32 @!p0 s25, $0x2  }
0x62: {  	s26 =	simm.s32 @!p0 $0xE480;
	s24 =	sand.u32 @!p0 $0x300, s24;
	s25 =	sadd.s32 @!p0 s25, s8  }
0x63: {  	[tilespmem:s23+$0xD800] =	vst v2;
	s23 =	simm.s32 @!p0 $0x80;
	s24 =	sadd.s32 @!p0 s24, s25;
	s25 =	simm.s32 @!p0 $0x400  }
0x64: {  	[tilespmem:s26], [sflag:$0x1] =	stream.strided.gather @!p0 [spmem:s24], $0xC80, s25, s23, $0x38;
	[tilespmem:$0x1C580] =	vst v63  }
0x65: {  	_ =	swait.ge [sflag:s14], $0xC80  }
0x66: {  	[sflag:s14] =	ssyncset.done $0x0  }
0x67: {  	s23 =	simm.s32 $0x0;
	[sflag:s14] =	ssyncadd.s32 $0xFFFFF380  }
0x68: {  	s24 =	simm.s32 $0x40;
	v2 =	vld [tilespmem:s23+$0xF100]  }
.LBB2_17:
0x69: {  	p0 =	sne.s32 s24, $0x31C0;
	v3 =	vld [tilespmem:s23+$0xD800];
	_ =	sdelay $0x2  }
.Ltmp7:
0x6a: {  	(pc) =	sbr.rel @p0 .LBB2_17-.Ltmp7, $4  }
0x6b: {  	_ = 	snop  }
0x6c: {  	v3 =	vadd.f32 v2, v3  }
0x6d: {  	s25 =	sshra.s32 s24, $0x2  }
0x6e: {  	s24 =	sadd.s32 $0x40, s24;
	v2 =	vld [tilespmem:s25+$0xF100];
	[tilespmem:s23+$0xD800] =	vst v3;
	s23 =	smov.u32 s25  }
0x6f: {  	v3 =	vld [tilespmem:s23+$0xD800]  }
0x70: {  	s22 =	sadd.s32 $0x1, s22  }
0x71: {  	p0 =	sne.s32 s22, $0x8  }
.Ltmp8:
0x72: {  	_ = 	snop;
	(pc) =	sbr.rel @p0 .LBB2_14-.Ltmp8, $3  }
0x73: {  	_ = 	snop  }
0x74: {  	v2 =	vadd.f32 v2, v3;
	_ =	sdelay $0x1  }
0x75: {  	[tilespmem:s23+$0xD800] =	vst v2  }
0x76: {  	s21 =	sadd.s32 $0x1, s21  }
0x77: {  	p0 =	sne.s32 s21, s10  }
.Ltmp9:
0x78: {  	_ = 	snop;
	(pc) =	sbr.rel @p0 .LBB2_1-.Ltmp9, $4  }
0x79: {  	[hbm4b:s9+s2] =	stream.linear.scatter [tilespmem:s20], [sflag:$0x3], $0xC80, $0x38;
	[tilespmem:$0x1C580] =	vst v63  }
0x7a: {  	_ =	swait.ge [sflag:s17], $0xC80  }
0x7b: {  	[sflag:s17] =	ssyncset.done $0x0  }
0x7c: {  	[sflag:s17] =	ssyncadd.s32 $0xFFFFF380  }
0x7d: {  	_ =	sfence.sel $0x180000  }
0x7e: {  	[bflag:$0x0] =	sbarrier.arrive $0xFFFF  }
0x7f: {  	p0 =	sne.s32 s0, $0x0;
	_ =	strace $0x90000047  }
0x80: {  	s0 =	sadd.s32 @!p0 $0x100000, s1;
	[bflag:$0x2] =	sbarrier.arrive $0xFFFF  }
0x81: {  	[sflag:s0] =	ssyncadd.tile.s32 @!p0 $0x1;
	_ =	shalt  }
.Lfunc_end2:
_tile_overlayer_lowered:
.L_overlay_start_2:
0x82: {  	(tag) =	ssettag $0x2  }
0x83: {  	s0 =	rddreg [dreg:$0x0];
	s2 =	stileid.u32  }
0x84: {  	s1 =	rddreg [dreg:$0x1];
	p0 =	sne.s32 s2, $0x0  }
0x85: {  	s3 =	rddreg [dreg:$0x2];
	[bflag:$0x3] =	sbarrier.arrive $0xFFFF;
	s2 =	simm.s32 @!p0 $0x1C03  }
0x86: {  	[timem:s3], [sflag:s2] =	dma.local @!p0 [hbm:s0], s1  }
0x87: {  	s0 =	simm.s32 @!p0 $0x3  }
0x88: {  	_ =	swait.ge @!p0 [sflag:s0], s1  }
0x89: {  	s1 =	ssub.s32 @!p0 $0x0, s1;
	[sflag:s0] =	ssyncset.done @!p0 $0x0  }
0x8a: {  	[sflag:s0] =	ssyncadd.s32 @!p0 s1  }
0x8b: {  	[bflag:$0x3] =	sbarrier.arrive $0xFFFF  }
0x8c: {  	_ =	shalt  }

// kernel: kernel.7.cloned.1.call-start
scs
__scs_entry_jumppad:
0x0: {  	(pc) =	sbr.rel $0x88, $3  }
0x1: {  	(tag) =	ssettag $0x0;
	lr =	simm.s32 $0x1  }
0x2: {  	[smem:$0x3F9D] =	sst lr;
	_ =	strace $0xD0000000  }
0x3: {  	_ = 	snop  }
0x4: {  	_ = 	snop  }
0x5: {  	_ = 	snop  }
0x6: {  	_ = 	snop  }
0x7: {  	_ = 	snop  }
__scs_overlays_trampoline_lowered:
0x8: {  	[smem:$0x3FAC] =	sst s0  }
0x9: {  	[smem:$0x3FAD] =	sst s1  }
0xa: {  	[smem:$0x3FAE] =	sst s2  }
0xb: {  	[smem:$0x3FAF] =	sst s3  }
0xc: {  	[smem:$0x3FB0] =	sst s4  }
0xd: {  	[smem:$0x3FB1] =	sst s5  }
0xe: {  	[smem:$0x3FB2] =	sst s6  }
0xf: {  	[smem:$0x3FB3] =	sst s7  }
0x10: {  	[smem:$0x3FB4] =	sst s8  }
0x11: {  	[smem:$0x3FB5] =	sst s9;
	s0 =	simm.s32 @!p0 $0x0  }
0x12: {  	s1 =	sld [smem:$0x3F9B];
	s0 =	simm.s32 @p0 $0x1  }
0x13: {  	[smem:$0x3FB6] =	sst s0;
	s0 =	simm.s32 @!p1 $0x0  }
0x14: {  	s2 =	sld [smem:$0x3F9A];
	s0 =	simm.s32 @p1 $0x1  }
0x15: {  	[smem:$0x3FB7] =	sst s0;
	s0 =	simm.s32 @!p2 $0x0  }
0x16: {  	s3 =	sld [smem:$0x3FDB];
	s0 =	simm.s32 @p2 $0x1  }
0x17: {  	s4 =	simm.s32 $0x1BF5;
	[smem:$0x3FB9] =	sst s0  }
0x18: {  	s0 =	sld [smem:$0x3F9C];
	_ =	swait.ge [sflag:s4], $0x0  }
0x19: {  	s7 =	sld [smem:$0x3F9D]  }
0x1a: {  	s8 =	sadd.s32 $0xFFFFE003, lr  }
0x1b: {  	s9 =	sadd.s32 $0xFFFFFEF7, lr;
	s5 =	simm.s32 $0xFFFFFFFF;
	p2 =	slt.u32 s8, $0xFFFFF086  }
0x1c: {  	p1 =	slt.u32 s9, $0xF7A;
	s5 =	simm.s32 @!p2 $0x0  }
0x1d: {  	s5 =	simm.s32 @p1 $0x1;
	p0 =	seq.s32 s7, s2  }
0x1e: {  	s7 =	smul.u32 @!p0 $0xF7A, s2;
	p2 =	seq.s32 @!p0 s5, $0x0  }
0x1f: {  	s9 =	smul.u32 $0xF7A, s1;
	s8 =	simm.s32 @!p0 $0x1BF5;
	p2 =	por !p2, p0  }
0x20: {  	[sflag:s8] =	ssyncset.s32 @!p0 $0xFFFFF086;
	s6 =	sadd.s32 @!p0 s3, s7;
	s7 =	simm.s32 @!p0 $0x108  }
0x21: {  	s3 =	sadd.s32 s3, s9;
	s6 =	sadd.s32 @!p0 $0x88, s6;
	s7 =	simm.s32 @p2 $0x1082  }
0x22: {  	[simem:s7], [sflag:s8] =	dma.local @!p0 [hbm:s6], $0xF7A  }
0x23: {  	s9 =	sor.u32 $0xD0000000, s2;
	s6 =	simm.s32 $0x108;
	_ =	swait.ge @!p0 [sflag:s8], $0x0  }
0x24: {  	s3 =	sadd.s32 $0x88, s3;
	s6 =	simm.s32 @!p1 $0x1082;
	[sflag:s4] =	ssyncset.s32 $0xFFFFF086  }
0x25: {  	[simem:s6], [sflag:s4] =	dma.local [hbm:s3], $0xF7A  }
0x26: {  	[smem:$0x3F9D] =	sst s1;
	(tag) =	ssettag s2;
	_ =	strace s9  }
0x27: {  	s1 =	sld [smem:$0x3FAD]  }
0x28: {  	s2 =	sld [smem:$0x3FAE]  }
0x29: {  	s4 =	sld [smem:$0x3FB0]  }
0x2a: {  	p0 =	seq.s32 s5, $0x0;
	s5 =	sld [smem:$0x3FB1]  }
0x2b: {  	s6 =	sld [smem:$0x3FB2]  }
0x2c: {  	s7 =	sld [smem:$0x3FB3]  }
0x2d: {  	s3 =	simm.s32 $0x108;
	s8 =	sld [smem:$0x3FB4]  }
0x2e: {  	s3 =	simm.s32 @!p0 $0x1082;
	s9 =	sld [smem:$0x3FB5]  }
0x2f: {  	lr =	sadd.s32 s0, s3;
	s0 =	sld [smem:$0x3FAC]  }
0x30: {  	s3 =	sld [smem:$0x3FAF]  }
0x31: {  	[smem:$0x3FB8] =	sst s10  }
0x32: {  	s10 =	sld [smem:$0x3FB6];
	_ =	sdelay $0x3  }
0x33: {  	p0 =	seq.s32 s10, $0x1;
	s10 =	sld [smem:$0x3FB8];
	_ =	sdelay $0x3  }
0x34: {  	[smem:$0x3FB8] =	sst s10  }
0x35: {  	s10 =	sld [smem:$0x3FB7];
	_ =	sdelay $0x3  }
0x36: {  	p1 =	seq.s32 s10, $0x1;
	s10 =	sld [smem:$0x3FB8];
	_ =	sdelay $0x3  }
0x37: {  	[smem:$0x3FB8] =	sst s10  }
0x38: {  	s10 =	sld [smem:$0x3FB9]  }
0x39: {  	_ = 	snop;
	(pc) =	sbr.ind lr, $3  }
0x3a: {  	_ = 	snop  }
0x3b: {  	_ = 	snop  }
0x3c: {  	p2 =	seq.s32 s10, $0x1;
	s10 =	sld [smem:$0x3FB8]  }
0x3d: {  	_ =	shalt  }
0x3e: {  	_ =	shalt  }
0x3f: {  	_ =	shalt  }
0x40: {  	_ =	shalt  }
0x41: {  	_ =	shalt  }
0x42: {  	_ =	shalt  }
0x43: {  	_ =	shalt  }
0x44: {  	_ =	shalt  }
0x45: {  	_ =	shalt  }
0x46: {  	_ =	shalt  }
0x47: {  	_ =	shalt  }
0x48: {  	_ =	shalt  }
0x49: {  	_ =	shalt  }
0x4a: {  	_ =	shalt  }
0x4b: {  	_ =	shalt  }
0x4c: {  	_ =	shalt  }
0x4d: {  	_ =	shalt  }
0x4e: {  	_ =	shalt  }
0x4f: {  	_ =	shalt  }
0x50: {  	_ =	shalt  }
0x51: {  	_ =	shalt  }
0x52: {  	_ =	shalt  }
0x53: {  	_ =	shalt  }
0x54: {  	_ =	shalt  }
0x55: {  	_ =	shalt  }
0x56: {  	_ =	shalt  }
0x57: {  	_ =	shalt  }
0x58: {  	_ =	shalt  }
0x59: {  	_ =	shalt  }
0x5a: {  	_ =	shalt  }
0x5b: {  	_ =	shalt  }
0x5c: {  	_ =	shalt  }
0x5d: {  	_ =	shalt  }
0x5e: {  	_ =	shalt  }
0x5f: {  	_ =	shalt  }
0x60: {  	_ =	shalt  }
0x61: {  	_ =	shalt  }
0x62: {  	_ =	shalt  }
0x63: {  	_ =	shalt  }
0x64: {  	_ =	shalt  }
0x65: {  	_ =	shalt  }
0x66: {  	_ =	shalt  }
0x67: {  	_ =	shalt  }
0x68: {  	_ =	shalt  }
0x69: {  	_ =	shalt  }
0x6a: {  	_ =	shalt  }
0x6b: {  	_ =	shalt  }
0x6c: {  	_ =	shalt  }
0x6d: {  	_ =	shalt  }
0x6e: {  	_ =	shalt  }
0x6f: {  	_ =	shalt  }
0x70: {  	_ =	shalt  }
0x71: {  	_ =	shalt  }
0x72: {  	_ =	shalt  }
0x73: {  	_ =	shalt  }
0x74: {  	_ =	shalt  }
0x75: {  	_ =	shalt  }
0x76: {  	_ =	shalt  }
0x77: {  	_ =	shalt  }
0x78: {  	_ =	shalt  }
0x79: {  	_ =	shalt  }
0x7a: {  	_ =	shalt  }
0x7b: {  	_ =	shalt  }
0x7c: {  	_ =	shalt  }
0x7d: {  	_ =	shalt  }
0x7e: {  	_ =	shalt  }
0x7f: {  	_ =	shalt  }
0x80: {  	_ =	shalt  }
0x81: {  	_ =	shalt  }
0x82: {  	_ =	shalt  }
0x83: {  	_ =	shalt  }
0x84: {  	_ =	shalt  }
0x85: {  	_ =	shalt  }
0x86: {  	_ =	shalt  }
0x87: {  	_ =	shalt  }
.Lfunc_end0:
.L_simem_size_0:
called_computation.1_lowered:
.L_overlay_start_0:
0x88: {  	s2 =	sld [smem:$0x3FD9]  }
0x89: {  	s3 =	sld [smem:$0x3FFE];
	_ =	sdelay $0x1  }
0x8a: {  	s1 =	srdreg.scid  }
0x8b: {  	s0 =	sand.u32 $0x1, s1  }
0x8c: {  	s16 =	sshll.u32 s0, $0xA;
	s2 =	sadd.s32 s3, s2  }
0x8d: {  	s2 =	sadd.s32 s2, s16  }
0x8e: {  	[smem:$0x3FC4] =	sst s2  }
0x8f: {  	_ = 	snop  }
0x90: {  	(tm) =	ssettm $0x1  }
0x91: {  	s17 =	sld [smem:$0x3FFB];
	_ =	sdelay $0x3  }
0x92: {  	_ =	strace s17  }
0x93: {  	s2 =	sld [smem:$0x3FFC];
	_ =	sdelay $0x3  }
0x94: {  	_ =	strace s2  }
0x95: {  	s2 =	sld [smem:$0x3FFD];
	_ =	sdelay $0x3  }
0x96: {  	_ =	strace s2  }
0x97: {  	_ =	strace $0x8FFFFFFF  }
0x98: {  	s18 =	sld [smem:$0x3FDB];
	_ =	sdelay $0x1  }
0x99: {  	s19 =	simm.s32 $_scs_section_size  }
0x9a: {  	s4 =	simm.s32 $_size__tile_overlayer_lowered;
	s5 =	simm.s32 $_tile_overlayer_lowered  }
0x9b: {  	s22 =	simm.s32 $0x1BFF;
	s21 =	sshll.u32 s5, $0x1;
	s2 =	sadd.s32 s19, s18  }
0x9c: {  	s6 =	simm.s32 $0x0;
	s20 =	sshll.u32 s4, $0x1;
	s4 =	sadd.s32 s21, s2  }
0x9d: {  	[timem:s6], [sflag:s22] =	dma.local [hbm:s4], s20  }
0x9e: {  	_ =	swait.ge [sflag:s22], s20  }
0x9f: {  	s3 =	ssub.s32 $0x0, s20;
	[sflag:s22] =	ssyncset.done $0x0  }
0xa0: {  	[sflag:s22] =	ssyncadd.s32 s3;
	_ =	sdelay $0x1  }
0xa1: {  	s23 =	simm.s32 $0x1B8B  }
0xa2: {  	_ =	swait.ge [sflag:s23], $0x1  }
0xa3: {  	[sflag:s23] =	ssyncset.done $0x0  }
0xa4: {  	s25 =	simm.s32 $0x1B8E;
	s24 =	sld [smem:$0x3FFE];
	[sflag:s23] =	ssyncadd.s32 $0xFFFFFFFF  }
0xa5: {  	s26 =	simm.s32 $execute0_lowered;
	[smem:$0x3FD2] =	sst s25  }
0xa6: {  	s4 =	sshll.u32 s26, $0x1;
	_ =	strace $0x80000049;
	[dreg:$0x1] =	wrdreg $0xFFFFFFFF  }
0xa7: {  	s28 =	simm.s32 $_size_execute0_lowered;
	s2 =	sadd.s32 s2, s4;
	[dreg:$0x0] =	wrdreg $0x0  }
0xa8: {  	s4 =	sshll.u32 s28, $0x1;
	[dreg:$0x2] =	wrdreg s2  }
0xa9: {  	[dreg:$0x3] =	wrdreg s4  }
0xaa: {  	[dreg:$0x4] =	wrdreg $0xC0  }
0xab: {  	_ =	task [dreg:s6], $0x5FFFF  }
0xac: {  	[dreg:$0x1] =	wrdreg $0xFFFFFFFF  }
0xad: {  	[dreg:$0x0] =	wrdreg $0x60  }
0xae: {  	[dreg:$0x2] =	wrdreg s24  }
0xaf: {  	[dreg:$0x3] =	wrdreg $0x1C5000  }
0xb0: {  	[dreg:$0x4] =	wrdreg $0x9  }
0xb1: {  	_ =	task.clear_ibuf [dreg:s6], $0x5FFFF;
	_ =	strace $0x90000049  }
0xb2: {  	s29 =	simm.s32 $0x9;
	_ =	strace $0x8000004B  }
0xb3: {  	_ =	swait.ge [sflag:s29], $0x1  }
0xb4: {  	[sflag:s29] =	ssyncadd.s32 $0xFFFFFFFF  }
0xb5: {  	_ =	strace $0x9000004B  }
0xb6: {  	_ =	sfence  }
0xb7: {  	s30 =	sld [smem:$0x0];
	_ =	sdelay $0x2  }
0xb8: {  	s31 =	sshll.u32 s1, $0xD;
	s1 =	sshrl.u32 s1, $0x2  }
0xb9: {  	s3 =	sand.u32 $0x4000, s31;
	s1 =	sadd.s32 s1, s30  }
0xba: {  	s0 =	sor.u32 s3, s0;
	s1 =	sshll.u32 s1, $0x11  }
0xbb: {  	s0 =	sor.u32 s1, s0  }
0xbc: {  	s0 =	sadd.s32 $0x8F2B, s0  }
0xbd: {  	[sflag:s0] =	ssyncadd.remote.s32 $0x1  }
0xbe: {  	_ =	sfence.sel $0xFFFF  }
0xbf: {  	[dreg:$0x0] =	wrdreg $0xFFFFFFFF;
	(pc) =	sbr.abs _section_cstart, $3  }
0xc0: {  	[dreg:$0x1] =	wrdreg $0xFFFFFFFF  }
0xc1: {  	_ =	task.clear_ibuf [dreg:s6], $0x2FFFF;
	_ =	strace $0x9FFFFFFF  }
0xc2: {  	(tm) =	ssettm $0x7FFFFFFF  }
0xc3: {  	_ =	shalt  }
tec
execute0_lowered:
.L_overlay_start_1:
0x0: {  	(tag) =	ssettag $0x1  }
0x1: {  	v1 =	vlaneseq.u32  }
0x2: {  	v0 =	vmul.u32 $0x4, v1;
	_ =	sdelay $0x1  }
0x3: {  	v2 =	vor.u32 $0x1, v0  }
0x4: {  	v1 =	vmul.u32 $0x2, v1;
	[tilespmem:$0x1FEB0] =	vst v2;
	v2 =	vor.u32 $0x2, v0  }
0x5: {  	[tilespmem:$0x1FEC0] =	vst v2;
	v2 =	vor.u32 $0x3, v0  }
0x6: {  	[tilespmem:$0x1FED0] =	vst v2;
	v2 =	vor.u32 $0x1, v1  }
0x7: {  	[tilespmem:$0x1FEE0] =	vst v2;
	v2 =	vor.u32 $0x40, v0  }
0x8: {  	[tilespmem:$0x1FEF0] =	vst v2;
	v2 =	vor.u32 $0x41, v0  }
0x9: {  	[tilespmem:$0x1FF00] =	vst v2;
	v2 =	vor.u32 $0x42, v0  }
0xa: {  	[tilespmem:$0x1FF10] =	vst v2;
	v2 =	vor.u32 $0x43, v0  }
0xb: {  	[tilespmem:$0x1FF20] =	vst v2;
	v2 =	vor.u32 $0x20, v1  }
0xc: {  	s0 =	rddreg [dreg:$0x0];
	[tilespmem:$0x1FF30] =	vst v2;
	v2 =	vor.u32 $0x21, v1  }
0xd: {  	s1 =	rddreg [dreg:$0x1];
	s2 =	simm.s32 $0x0;
	vm0 =	vcmask $0x300;
	[tilespmem:$0x1FF40] =	vst v2;
	v2 =	vor.u32 $0x80, v0  }
0xe: {  	vm1 =	vcmask $0x704;
	vm2 =	vcmask $0xB08;
	[smem:$0x7FF] =	sst s2;
	[tilespmem:$0x1FF50] =	vst v2;
	v2 =	vor.u32 $0x81, v0  }
0xf: {  	s18 =	simm.s32 $0x1BA80;
	s19 =	simm.s32 $0x1BE00;
	_ =	strace $0x8000004A;
	[tilespmem:$0x1FF60] =	vst v2;
	v2 =	vor.u32 $0x82, v0  }
0x10: {  	s7 =	srdreg.scid;
	s11 =	stileid.u32;
	v5 =	vimm.s32 $0xC6C4C2C0;
	v6 =	vimm.s32 $0xC7C5C3C1;
	[tilespmem:$0x1FF70] =	vst v2;
	v2 =	vor.u32 $0x83, v0  }
0x11: {  	v3 =	vimm.s32 $0x18D;
	s28 =	simm.s32 $0x19300;
	s29 =	simm.s32 $0x19B00;
	s30 =	simm.s32 $0x1A300;
	[tilespmem:$0x1FF80] =	vst v2;
	v2 =	vor.u32 $0x40, v1  }
0x12: {  	v4 =	vimm.s32 $0x18E;
	s31 =	simm.s32 $0x1AB00;
	s3 =	sadd.s32 $0xA00, s0;
	s4 =	sadd.s32 $0x62600, s0;
	[tilespmem:$0x1FF90] =	vst v2;
	v2 =	vor.u32 $0x41, v1  }
0x13: {  	v63 =	vimm.s32 $0x18F;
	vm15 =	vcmask $0xF00;
	s5 =	sadd.s32 $0x65A00, s0;
	s6 =	sadd.s32 $0x68C00, s0;
	s7 =	sand.u32 $0x1, s7;
	[tilespmem:$0x1FFA0] =	vst v2;
	v2 =	vor.u32 $0xC0, v0  }
0x14: {  	s8 =	sadd.s32 $0x65800, s0;
	v5 =	vunpack.c.0.s8.s32 v5;
	v6 =	vunpack.c.0.s8.s32 v6;
	s9 =	ssub.s32 $0x2, s7;
	s7 =	sshll.u32 s7, $0x4;
	[tilespmem:$0x1FFB0] =	vst v2;
	v2 =	vor.u32 $0xC1, v0  }
0x15: {  	s22 =	sadd.s32 $0xC800, s1;
	v23 =	vor.u32 $0x61, v1;
	v24 =	vor.u32 $0x100, v0;
	s10 =	sshrl.u32 s9, $0x1;
	s7 =	sor.u32 s11, s7;
	[tilespmem:$0x1FFC0] =	vst v2;
	v2 =	vor.u32 $0xC2, v0  }
0x16: {  	v25 =	vor.u32 $0x101, v0;
	v26 =	vor.u32 $0x102, v0;
	s21 =	ssub.s32 s9, s10;
	s9 =	smul.u32 $0xC350, s7;
	s7 =	sshll.u32 s7, $0x4;
	[tilespmem:$0x1FFD0] =	vst v2;
	v2 =	vor.u32 $0xC3, v0  }
0x17: {  	s20 =	sshll.u32 s11, $0x4;
	v27 =	vor.u32 $0x103, v0;
	v28 =	vor.u32 $0x80, v1;
	s10 =	smul.u32 $0xC80, s11;
	s7 =	sand.u32 $0x180, s7;
	[tilespmem:$0x1FFE0] =	vst v2;
	v2 =	vor.u32 $0x60, v1  }
0x18: {  	v29 =	vor.u32 $0x81, v1;
	v30 =	vor.u32 $0x140, v0;
	s23 =	sshrl.u32 s9, $0x3;
	s12 =	sadd.s32 $0x186A00, s9;
	[dreg:$0x3] =	wrdreg s8;
	[tilespmem:$0x1FFF0] =	vst v2;
	v2 =	vimm.s32 $0x18C  }
0x19: {  	v31 =	vor.u32 $0x141, v0;
	v32 =	vor.u32 $0x142, v0;
	s11 =	sadd.s32 s3, s23;
	s24 =	sshrl.u32 s12, $0x3;
	[dreg:$0x4] =	wrdreg s22;
	v2 =	vsel vm0, $0x180, v2  }
0x1a: {  	v33 =	vor.u32 $0x143, v0;
	v34 =	vor.u32 $0xA0, v1;
	s26 =	smax.u32 s21, $0x1;
	s25 =	sadd.s32 s3, s24;
	[dreg:$0x5] =	wrdreg s11;
	v2 =	vsel vm1, $0x184, v2  }
0x1b: {  	v39 =	vor.u32 $0xA1, v1;
	s21 =	simm.s32 $0x1C180;
	s8 =	sand.u32 $0x70, s20;
	[dreg:$0x6] =	wrdreg s25;
	v35 =	vsel vm2, $0x188, v2;
	v2 =	vsel vm0, $0x181, v3  }
0x1c: {  	s23 =	simm.s32 $0x4;
	[dreg:$0x8] =	wrdreg s26;
	s0 =	sadd.s32 s8, s0;
	v3 =	vsel vm0, $0x182, v4;
	v4 =	vsel vm0, $0x183, v63;
	v2 =	vsel vm1, $0x185, v2  }
0x1d: {  	s22 =	simm.s32 $0x1;
	s25 =	simm.s32 $0x19200;
	s0 =	sadd.s32 s7, s0;
	v3 =	vsel vm1, $0x186, v3;
	v4 =	vsel vm1, $0x187, v4;
	v36 =	vsel vm2, $0x189, v2  }
0x1e: {  	s26 =	simm.s32 $0xC800;
	s11 =	simm.s32 $0x0;
	s0 =	sadd.s32 $0x6A600, s0;
	v37 =	vsel vm2, $0x18A, v3;
	v2 =	vand.u32 $0xFF, v5;
	v3 =	vand.u32 $0xFF, v6  }
0x1f: {  	s7 =	simm.s32 $0x3;
	[dreg:$0x7] =	wrdreg s0;
	s0 =	simm.s32 $0x2;
	v38 =	vsel vm2, $0x18B, v4;
	v40 =	vnsel vm15, $0xC6, v2;
	v41 =	vnsel vm15, $0xC7, v3  }
.LBB2_1:
0x20: {  	[dreg:$0x9] =	wrdreg s11;
	s11 =	simm.s32 $0x0  }
.LBB2_2:
0x21: {  	s8 =	smul.u32 $0x320, s11;
	_ =	sdelay $0x1  }
0x22: {  	s13 =	sadd.s32 s10, s8  }
0x23: {  	s8 =	sshrl.u32 s13, $0x3  }
0x24: {  	s15 =	simm.s32 $0x0;
	s16 =	simm.s32 $0x1B380;
	s14 =	sadd.s32 s4, s8  }
0x25: {  	[tilespmem:s16], [sflag:$0x1] =	stream.linear.gather [hbm4b:s14+s15], $0x320, $0x38;
	[tilespmem:$0x1DE00] =	vst v63  }
0x26: {  	s14 =	sadd.s32 $0xC800, s13  }
0x27: {  	s16 =	sshrl.u32 s14, $0x3  }
0x28: {  	s17 =	simm.s32 $0x1B700;
	s20 =	sadd.s32 s4, s16  }
0x29: {  	[tilespmem:s17], [sflag:$0x1] =	stream.linear.gather [hbm4b:s20+s15], $0x320, $0x38;
	[tilespmem:$0x1DE00] =	vst v63  }
0x2a: {  	s24 =	sadd.s32 s5, s8  }
0x2b: {  	[tilespmem:s18], [sflag:$0x1] =	stream.linear.gather [hbm4b:s24+s15], $0x320, $0x38;
	[tilespmem:$0x1DE00] =	vst v63  }
0x2c: {  	s16 =	sadd.s32 s5, s16  }
0x2d: {  	[tilespmem:s19], [sflag:$0x1] =	stream.linear.gather [hbm4b:s16+s15], $0x320, $0x38;
	[tilespmem:$0x1DE00] =	vst v63  }
0x2e: {  	s8 =	sadd.s32 s6, s8  }
0x2f: {  	[tilespmem:s21], [sflag:$0x1] =	stream.linear.gather [hbm4b:s8+s15], $0x320, $0x38;
	[tilespmem:$0x1DE00] =	vst v63  }
0x30: {  	_ =	swait.ge [sflag:s22], $0x320  }
0x31: {  	[sflag:s22] =	ssyncset.done $0x0  }
0x32: {  	[sflag:s22] =	ssyncadd.s32 $0xFFFFFCE0  }
0x33: {  	_ =	swait.ge [sflag:s22], $0x320  }
0x34: {  	[sflag:s22] =	ssyncset.done $0x0  }
0x35: {  	[sflag:s22] =	ssyncadd.s32 $0xFFFFFCE0  }
0x36: {  	_ =	swait.ge [sflag:s22], $0x320  }
0x37: {  	[sflag:s22] =	ssyncset.done $0x0  }
0x38: {  	[sflag:s22] =	ssyncadd.s32 $0xFFFFFCE0  }
0x39: {  	_ =	swait.ge [sflag:s22], $0x320  }
0x3a: {  	[sflag:s22] =	ssyncset.done $0x0  }
0x3b: {  	[sflag:s22] =	ssyncadd.s32 $0xFFFFFCE0  }
0x3c: {  	_ =	swait.ge [sflag:s22], $0x320  }
0x3d: {  	[sflag:s22] =	ssyncset.done $0x0  }
0x3e: {  	s24 =	simm.s32 $0x0;
	[sflag:s22] =	ssyncadd.s32 $0xFFFFFCE0  }
0x3f: {  	v2 =	vld [tilespmem:s24+$0x1B380]  }
0x40: {  	v3 =	vld [tilespmem:s24+$0x1B700];
	_ =	sdelay $0x4  }
0x41: {  	v44 =	vadd.f32 v3, v2;
	_ =	sdelay $0x1  }
0x42: {  	v2 =	vshra.s32 v44, $0x1;
	v5 =	vmul.f32 $5.000000000e-01, v44  }
0x43: {  	s8 =	simm.s32 $0x10;
	v2 =	vsub.s32 $0x5F3759DF, v2  }
0x44: {  	v6 =	vld [tilespmem:s8+$0x1B700];
	v4 =	vmul.f32 v2, v5  }
0x45: {  	v3 =	vld [tilespmem:s8+$0x1B380]  }
0x46: {  	v4 =	vmul.f32 v2, v4;
	_ =	sdelay $0x1  }
0x47: {  	v4 =	vsub.f32 $1.500000000e+00, v4;
	_ =	sdelay $0x1  }
0x48: {  	v43 =	vadd.f32 v6, v3;
	v2 =	vmul.f32 v2, v4;
	_ =	sdelay $0x1  }
0x49: {  	s15 =	simm.s32 $0x20;
	v3 =	vshra.s32 v43, $0x1;
	v45 =	vmul.f32 $5.000000000e-01, v43;
	v4 =	vmul.f32 v2, v5  }
0x4a: {  	v7 =	vld [tilespmem:s15+$0x1B700];
	v3 =	vsub.s32 $0x5F3759DF, v3  }
0x4b: {  	v6 =	vld [tilespmem:s15+$0x1B380];
	v8 =	vmul.f32 v3, v45;
	v4 =	vmul.f32 v4, v2;
	_ =	sdelay $0x1  }
0x4c: {  	v8 =	vmul.f32 v3, v8;
	v4 =	vsub.f32 $1.500000000e+00, v4;
	_ =	sdelay $0x1  }
0x4d: {  	v8 =	vsub.f32 $1.500000000e+00, v8;
	v4 =	vmul.f32 v4, v2  }
0x4e: {  	v42 =	vadd.f32 v7, v6  }
0x4f: {  	v3 =	vmul.f32 v3, v8;
	v5 =	vmul.f32 v4, v5  }
0x50: {  	s20 =	simm.s32 $0x30;
	v7 =	vshra.s32 v42, $0x1;
	v2 =	vmul.f32 $5.000000000e-01, v42  }
0x51: {  	v6 =	vld [tilespmem:s20+$0x1B380];
	v8 =	vmul.f32 v3, v45;
	v48 =	vmul.f32 v5, v4;
	v5 =	vsub.s32 $0x5F3759DF, v7  }
0x52: {  	v7 =	vld [tilespmem:s20+$0x1B700];
	v46 =	vmul.f32 v5, v2  }
0x53: {  	s16 =	simm.s32 $0x100;
	v47 =	vmul.f32 v8, v3;
	v8 =	vld [tilespmem:s24+$0x1BA80];
	v48 =	vsub.f32 $1.500000000e+00, v48  }
.LBB2_3:
0x54: {  	p0 =	sne.s32 s16, $0xC40;
	v46 =	vmul.f32 v5, v46;
	v49 =	vld [tilespmem:s24+$0x1BE00]  }
0x55: {  	v47 =	vsub.f32 $1.500000000e+00, v47;
	v48 =	vmul.f32 v48, v4  }
0x56: {  	vm0 =	vgt.f32 v44, $5.000000000e-01;
	v44 =	vmovc v43;
	v43 =	vmov v42;
	v46 =	vsub.f32 $1.500000000e+00, v46;
	v50 =	vld [tilespmem:s24+$0x1C180]  }
0x57: {  	v42 =	vadd.f32 v7, v6;
	v4 =	vmul.f32 v47, v3;
	v6 =	vnsel vm0, $0x0, v48  }
0x58: {  	v3 =	vmul.f32 v5, v46;
	v7 =	vmul.f32 v6, v8  }
.Ltmp0:
0x59: {  	v5 =	vshra.s32 v42, $0x1;
	v8 =	vmul.f32 v4, v45;
	v46 =	vmul.f32 v6, v49;
	v45 =	vmovc v2;
	(pc) =	sbr.rel @p0 .LBB2_3-.Ltmp0, $4  }
0x5a: {  	s17 =	sshra.s32 s16, $0x2;
	v2 =	vmul.f32 $5.000000000e-01, v42;
	v5 =	vsub.s32 $0x5F3759DF, v5;
	v7 =	vand.u32 $0xFFFFFFF0, v7  }
0x5b: {  	v47 =	vmul.f32 v3, v45;
	v6 =	vld [tilespmem:s17+$0x1B380];
	v8 =	vmul.f32 v8, v4;
	v48 =	vor.u32 v50, v7;
	[tilespmem:s24+$0x1BE00] =	vst v46  }
0x5c: {  	v46 =	vmul.f32 v5, v2;
	v7 =	vld [tilespmem:s17+$0x1B700];
	[tilespmem:s24+$0x1BA80] =	vst v48;
	s24 =	smov.u32 s8;
	s8 =	smov.u32 s15;
	s15 =	smov.u32 s20  }
0x5d: {  	s16 =	sadd.s32 $0x40, s16;
	v47 =	vmul.f32 v47, v3;
	s20 =	smov.u32 s17;
	v48 =	vsub.f32 $1.500000000e+00, v8;
	v8 =	vld [tilespmem:s24+$0x1BA80]  }
0x5e: {  	v46 =	vmul.f32 v5, v46;
	v49 =	vld [tilespmem:s24+$0x1BE00]  }
0x5f: {  	v47 =	vsub.f32 $1.500000000e+00, v47;
	v4 =	vmul.f32 v48, v4  }
0x60: {  	vm0 =	vgt.f32 v44, $5.000000000e-01;
	v17 =	vld [tilespmem:s24+$0x1C180];
	v46 =	vsub.f32 $1.500000000e+00, v46  }
0x61: {  	v6 =	vadd.f32 v7, v6;
	v3 =	vmul.f32 v47, v3;
	v4 =	vnsel vm0, $0x0, v4  }
0x62: {  	v18 =	vmul.f32 v5, v46;
	v19 =	vmul.f32 v4, v8  }
0x63: {  	v48 =	vshra.s32 v6, $0x1;
	v45 =	vmul.f32 v3, v45;
	v4 =	vmul.f32 v4, v49  }
0x64: {  	v50 =	vmul.f32 $5.000000000e-01, v6;
	v8 =	vsub.s32 $0x5F3759DF, v48;
	v7 =	vand.u32 $0xFFFFFFF0, v19  }
0x65: {  	v51 =	vmul.f32 v18, v2;
	v45 =	vmul.f32 v45, v3;
	v7 =	vor.u32 v17, v7;
	[tilespmem:s24+$0x1BE00] =	vst v4  }
0x66: {  	v52 =	vmul.f32 v8, v50;
	[tilespmem:s24+$0x1BA80] =	vst v7  }
0x67: {  	v53 =	vmul.f32 v51, v18;
	v54 =	vsub.f32 $1.500000000e+00, v45;
	v55 =	vld [tilespmem:s8+$0x1BA80]  }
0x68: {  	v4 =	vmul.f32 v8, v52;
	v56 =	vld [tilespmem:s8+$0x1BE00]  }
0x69: {  	v7 =	vsub.f32 $1.500000000e+00, v53;
	v3 =	vmul.f32 v54, v3  }
0x6a: {  	vm13 =	vgt.f32 v43, $5.000000000e-01;
	v57 =	vld [tilespmem:s8+$0x1C180];
	v4 =	vsub.f32 $1.500000000e+00, v4  }
0x6b: {  	v5 =	vmul.f32 v7, v18;
	v3 =	vnsel vm13, $0x0, v3  }
0x6c: {  	v4 =	vmul.f32 v8, v4;
	v58 =	vmul.f32 v3, v55  }
0x6d: {  	v2 =	vmul.f32 v5, v2;
	v3 =	vmul.f32 v3, v56  }
0x6e: {  	v7 =	vand.u32 $0xFFFFFFF0, v58  }
0x6f: {  	v8 =	vmul.f32 v4, v50;
	v2 =	vmul.f32 v2, v5;
	[tilespmem:s8+$0x1BE00] =	vst v3;
	v7 =	vor.u32 v57, v7  }
0x70: {  	[tilespmem:s8+$0x1BA80] =	vst v7  }
0x71: {  	v3 =	vmul.f32 v8, v4;
	v2 =	vsub.f32 $1.500000000e+00, v2;
	v7 =	vld [tilespmem:s15+$0x1BA80]  }
0x72: {  	v59 =	vld [tilespmem:s15+$0x1BE00]  }
0x73: {  	v3 =	vsub.f32 $1.500000000e+00, v3;
	v2 =	vmul.f32 v2, v5  }
0x74: {  	vm14 =	vgt.f32 v42, $5.000000000e-01;
	v60 =	vld [tilespmem:s15+$0x1C180]  }
0x75: {  	v3 =	vmul.f32 v3, v4;
	v2 =	vnsel vm14, $0x0, v2  }
0x76: {  	v61 =	vmul.f32 v2, v7  }
0x77: {  	v62 =	vmul.f32 v3, v50;
	v2 =	vmul.f32 v2, v59  }
0x78: {  	v4 =	vand.u32 $0xFFFFFFF0, v61  }
0x79: {  	v7 =	vmul.f32 v62, v3;
	[tilespmem:s15+$0x1BE00] =	vst v2;
	v4 =	vor.u32 v60, v4  }
0x7a: {  	[tilespmem:s15+$0x1BA80] =	vst v4  }
0x7b: {  	v2 =	vsub.f32 $1.500000000e+00, v7;
	v4 =	vld [tilespmem:s20+$0x1BA80]  }
0x7c: {  	v63 =	vld [tilespmem:s20+$0x1BE00]  }
0x7d: {  	v2 =	vmul.f32 v2, v3  }
0x7e: {  	vm15 =	vgt.f32 v6, $5.000000000e-01;
	v3 =	vld [tilespmem:s20+$0x1C180]  }
0x7f: {  	v2 =	vnsel vm15, $0x0, v2  }
0x80: {  	v4 =	vmul.f32 v2, v4  }
0x81: {  	v2 =	vmul.f32 v2, v63  }
0x82: {  	v4 =	vand.u32 $0xFFFFFFF0, v4  }
0x83: {  	[tilespmem:s20+$0x1BE00] =	vst v2;
	v3 =	vor.u32 v3, v4  }
0x84: {  	[tilespmem:s20+$0x1BA80] =	vst v3;
	s20 =	sadd.s32 s13, s1  }
0x85: {  	[spmem:s20] =	stream.linear.scatter [tilespmem:s18], [sflag:$0x4], $0x320, $0x38;
	[tilespmem:$0x1DE00] =	vst v63  }
0x86: {  	s11 =	sadd.s32 $0x1, s11;
	_ =	swait.ge [sflag:s23], $0x320  }
0x87: {  	p0 =	sne.s32 s11, $0x4;
	[sflag:s23] =	ssyncset.done $0x0  }
.Ltmp1:
0x88: {  	s24 =	sadd.s32 s14, s1;
	[sflag:s23] =	ssyncadd.s32 $0xFFFFFCE0;
	(pc) =	sbr.rel @p0 .LBB2_2-.Ltmp1, $4  }
0x89: {  	[spmem:s24] =	stream.linear.scatter [tilespmem:s19], [sflag:$0x4], $0x320, $0x38;
	[tilespmem:$0x1DE00] =	vst v63  }
0x8a: {  	_ =	swait.ge [sflag:s23], $0x320  }
0x8b: {  	[sflag:s23] =	ssyncset.done $0x0  }
0x8c: {  	[sflag:s23] =	ssyncadd.s32 $0xFFFFFCE0  }
0x8d: {  	s11 =	simm.s32 $0x0;
	s8 =	rddreg [dreg:$0x3];
	s13 =	simm.s32 $0x19000  }
0x8e: {  	[tilespmem:s13], [sflag:$0x4] =	stream.linear.gather [hbm4b:s8+s11], $0x200, $0x38;
	[tilespmem:$0x1DE00] =	vst v63  }
0x8f: {  	_ =	swait.ge [sflag:s23], $0x200  }
0x90: {  	v3 =	vld [tilespmem:$0x1FEB0];
	_ =	sdelay $0x1  }
0x91: {  	v4 =	vld [tilespmem:$0x1FEC0];
	_ =	sdelay $0x1  }
0x92: {  	v5 =	vld [tilespmem:$0x1FED0]  }
0x93: {  	[sflag:s23] =	ssyncset.done $0x0  }
0x94: {  	[sflag:s23] =	ssyncadd.s32 $0xFFFFFE00  }
0x95: {  	v2 =	vld.idx.msk [tilespmem:v0+s13+$0x0], $0xffff  }
0x96: {  	v3 =	vld.idx.msk [tilespmem:v3+s13+$0x0], $0xffff;
	_ =	sdelay $0x1  }
0x97: {  	v4 =	vld.idx.msk [tilespmem:v4+s13+$0x0], $0xffff;
	_ =	sdelay $0x1  }
0x98: {  	v5 =	vld.idx.msk [tilespmem:v5+s13+$0x0], $0xffff  }
0x99: {  	v6 =	vmul.f32 v2, v2;
	v7 =	vmul.f32 v3, v3;
	_ =	sdelay $0x1  }
0x9a: {  	v45 =	vmul.f32 v4, v4;
	v6 =	vadd.f32 v7, v6;
	_ =	sdelay $0x1  }
0x9b: {  	v46 =	vmul.f32 v5, v5;
	v6 =	vadd.f32 v45, v6;
	_ =	sdelay $0x1  }
0x9c: {  	v6 =	vadd.f32 v46, v6;
	_ =	sdelay $0x1  }
0x9d: {  	v7 =	vshra.s32 v6, $0x1;
	v6 =	vmul.f32 $5.000000000e-01, v6  }
0x9e: {  	v7 =	vsub.s32 $0x5F3759DF, v7  }
0x9f: {  	v8 =	vmul.f32 v7, v6;
	_ =	sdelay $0x1  }
0xa0: {  	v8 =	vmul.f32 v7, v8;
	_ =	sdelay $0x1  }
0xa1: {  	v8 =	vsub.f32 $1.500000000e+00, v8;
	_ =	sdelay $0x1  }
0xa2: {  	v7 =	vmul.f32 v7, v8;
	_ =	sdelay $0x1  }
0xa3: {  	v8 =	vmul.f32 v7, v6;
	_ =	sdelay $0x1  }
0xa4: {  	v8 =	vmul.f32 v8, v7;
	_ =	sdelay $0x1  }
0xa5: {  	v8 =	vsub.f32 $1.500000000e+00, v8;
	_ =	sdelay $0x1  }
0xa6: {  	v7 =	vmul.f32 v8, v7;
	_ =	sdelay $0x1  }
0xa7: {  	v6 =	vmul.f32 v7, v6;
	_ =	sdelay $0x1  }
0xa8: {  	v6 =	vmul.f32 v6, v7;
	_ =	sdelay $0x1  }
0xa9: {  	v6 =	vsub.f32 $1.500000000e+00, v6;
	_ =	sdelay $0x1  }
0xaa: {  	v6 =	vmul.f32 v6, v7;
	_ =	sdelay $0x1  }
0xab: {  	v2 =	vmul.f32 v6, v2;
	v4 =	vmul.f32 v6, v4;
	_ =	sdelay $0x1  }
0xac: {  	v2 =	vadd.s32 $0x8000, v2;
	v4 =	vadd.s32 $0x8000, v4  }
0xad: {  	v2 =	vshrl.u32 v2, $0x10;
	v4 =	vand.u32 $0xFFFF0000, v4  }
0xae: {  	v2 =	vor.u32 v4, v2  }
0xaf: {  	[tilespmem:v1+s25+$0x0] =	vst.idx.msk $0xffff, v2;
	v2 =	vld [tilespmem:$0x1FEE0];
	_ =	sdelay $0x2  }
0xb0: {  	v3 =	vmul.f32 v6, v3;
	v5 =	vmul.f32 v6, v5;
	_ =	sdelay $0x1  }
0xb1: {  	v3 =	vadd.s32 $0x8000, v3;
	v5 =	vadd.s32 $0x8000, v5  }
0xb2: {  	v3 =	vshrl.u32 v3, $0x10;
	v47 =	vand.u32 $0xFFFF0000, v5  }
0xb3: {  	v3 =	vor.u32 v47, v3  }
0xb4: {  	[tilespmem:v2+s25+$0x0] =	vst.idx.msk $0xffff, v3;
	v2 =	vld [tilespmem:$0x1FEF0]  }
0xb5: {  	v3 =	vld [tilespmem:$0x1FF00];
	_ =	sdelay $0x1  }
0xb6: {  	v48 =	vld [tilespmem:$0x1FF10];
	_ =	sdelay $0x1  }
0xb7: {  	v49 =	vld [tilespmem:$0x1FF20];
	_ =	sdelay $0x2  }
0xb8: {  	v2 =	vld.idx.msk [tilespmem:v2+s13+$0x0], $0xffff  }
0xb9: {  	v3 =	vld.idx.msk [tilespmem:v3+s13+$0x0], $0xffff;
	_ =	sdelay $0x1  }
0xba: {  	v4 =	vld.idx.msk [tilespmem:v48+s13+$0x0], $0xffff;
	_ =	sdelay $0x1  }
0xbb: {  	v5 =	vld.idx.msk [tilespmem:v49+s13+$0x0], $0xffff  }
0xbc: {  	v50 =	vmul.f32 v2, v2;
	v51 =	vmul.f32 v3, v3;
	_ =	sdelay $0x1  }
0xbd: {  	v52 =	vmul.f32 v4, v4;
	v6 =	vadd.f32 v51, v50;
	_ =	sdelay $0x1  }
0xbe: {  	v53 =	vmul.f32 v5, v5;
	v6 =	vadd.f32 v52, v6;
	_ =	sdelay $0x1  }
0xbf: {  	v6 =	vadd.f32 v53, v6;
	_ =	sdelay $0x1  }
0xc0: {  	v7 =	vshra.s32 v6, $0x1;
	v6 =	vmul.f32 $5.000000000e-01, v6  }
0xc1: {  	v7 =	vsub.s32 $0x5F3759DF, v7  }
0xc2: {  	v54 =	vmul.f32 v7, v6;
	_ =	sdelay $0x1  }
0xc3: {  	v8 =	vmul.f32 v7, v54;
	_ =	sdelay $0x1  }
0xc4: {  	v8 =	vsub.f32 $1.500000000e+00, v8;
	_ =	sdelay $0x1  }
0xc5: {  	v7 =	vmul.f32 v7, v8;
	_ =	sdelay $0x1  }
0xc6: {  	v8 =	vmul.f32 v7, v6;
	_ =	sdelay $0x1  }
0xc7: {  	v8 =	vmul.f32 v8, v7;
	_ =	sdelay $0x1  }
0xc8: {  	v8 =	vsub.f32 $1.500000000e+00, v8;
	_ =	sdelay $0x1  }
0xc9: {  	v7 =	vmul.f32 v8, v7;
	_ =	sdelay $0x1  }
0xca: {  	v6 =	vmul.f32 v7, v6;
	_ =	sdelay $0x1  }
0xcb: {  	v6 =	vmul.f32 v6, v7;
	_ =	sdelay $0x1  }
0xcc: {  	v6 =	vsub.f32 $1.500000000e+00, v6  }
0xcd: {  	v56 =	vld [tilespmem:$0x1FF30]  }
0xce: {  	v6 =	vmul.f32 v6, v7;
	_ =	sdelay $0x1  }
0xcf: {  	v2 =	vmul.f32 v6, v2;
	v4 =	vmul.f32 v6, v4;
	_ =	sdelay $0x1  }
0xd0: {  	v2 =	vadd.s32 $0x8000, v2;
	v4 =	vadd.s32 $0x8000, v4  }
0xd1: {  	v2 =	vshrl.u32 v2, $0x10;
	v4 =	vand.u32 $0xFFFF0000, v4  }
0xd2: {  	v2 =	vor.u32 v4, v2  }
0xd3: {  	[tilespmem:v56+s25+$0x0] =	vst.idx.msk $0xffff, v2;
	v2 =	vld [tilespmem:$0x1FF40];
	_ =	sdelay $0x2  }
0xd4: {  	v3 =	vmul.f32 v6, v3;
	v5 =	vmul.f32 v6, v5;
	_ =	sdelay $0x1  }
0xd5: {  	v3 =	vadd.s32 $0x8000, v3;
	v5 =	vadd.s32 $0x8000, v5  }
0xd6: {  	v3 =	vshrl.u32 v3, $0x10;
	v55 =	vand.u32 $0xFFFF0000, v5  }
0xd7: {  	v3 =	vor.u32 v55, v3  }
0xd8: {  	[tilespmem:v2+s25+$0x0] =	vst.idx.msk $0xffff, v3;
	v2 =	vld [tilespmem:$0x1FF50]  }
0xd9: {  	v3 =	vld [tilespmem:$0x1FF60];
	_ =	sdelay $0x1  }
0xda: {  	v57 =	vld [tilespmem:$0x1FF70];
	_ =	sdelay $0x1  }
0xdb: {  	v58 =	vld [tilespmem:$0x1FF80];
	_ =	sdelay $0x2  }
0xdc: {  	v2 =	vld.idx.msk [tilespmem:v2+s13+$0x0], $0xffff  }
0xdd: {  	v3 =	vld.idx.msk [tilespmem:v3+s13+$0x0], $0xffff;
	_ =	sdelay $0x1  }
0xde: {  	v4 =	vld.idx.msk [tilespmem:v57+s13+$0x0], $0xffff;
	_ =	sdelay $0x1  }
0xdf: {  	v5 =	vld.idx.msk [tilespmem:v58+s13+$0x0], $0xffff  }
0xe0: {  	v59 =	vmul.f32 v2, v2;
	v60 =	vmul.f32 v3, v3;
	_ =	sdelay $0x1  }
0xe1: {  	v61 =	vmul.f32 v4, v4;
	v6 =	vadd.f32 v60, v59;
	_ =	sdelay $0x1  }
0xe2: {  	v62 =	vmul.f32 v5, v5;
	v6 =	vadd.f32 v61, v6;
	_ =	sdelay $0x1  }
0xe3: {  	v6 =	vadd.f32 v62, v6;
	_ =	sdelay $0x1  }
0xe4: {  	v7 =	vshra.s32 v6, $0x1;
	v6 =	vmul.f32 $5.000000000e-01, v6  }
0xe5: {  	v7 =	vsub.s32 $0x5F3759DF, v7  }
0xe6: {  	v63 =	vmul.f32 v7, v6;
	_ =	sdelay $0x1  }
0xe7: {  	v8 =	vmul.f32 v7, v63;
	_ =	sdelay $0x1  }
0xe8: {  	v8 =	vsub.f32 $1.500000000e+00, v8;
	_ =	sdelay $0x1  }
0xe9: {  	v7 =	vmul.f32 v7, v8;
	_ =	sdelay $0x1  }
0xea: {  	v8 =	vmul.f32 v7, v6;
	_ =	sdelay $0x1  }
0xeb: {  	v8 =	vmul.f32 v8, v7;
	_ =	sdelay $0x1  }
0xec: {  	v8 =	vsub.f32 $1.500000000e+00, v8;
	_ =	sdelay $0x1  }
0xed: {  	v7 =	vmul.f32 v8, v7;
	_ =	sdelay $0x1  }
0xee: {  	v6 =	vmul.f32 v7, v6;
	_ =	sdelay $0x1  }
0xef: {  	v6 =	vmul.f32 v6, v7;
	_ =	sdelay $0x1  }
0xf0: {  	v6 =	vsub.f32 $1.500000000e+00, v6  }
0xf1: {  	v9 =	vld [tilespmem:$0x1FF90]  }
0xf2: {  	v6 =	vmul.f32 v6, v7;
	_ =	sdelay $0x1  }
0xf3: {  	v2 =	vmul.f32 v6, v2;
	v4 =	vmul.f32 v6, v4;
	_ =	sdelay $0x1  }
0xf4: {  	v2 =	vadd.s32 $0x8000, v2;
	v4 =	vadd.s32 $0x8000, v4  }
0xf5: {  	v2 =	vshrl.u32 v2, $0x10;
	v4 =	vand.u32 $0xFFFF0000, v4  }
0xf6: {  	v2 =	vor.u32 v4, v2  }
0xf7: {  	[tilespmem:v9+s25+$0x0] =	vst.idx.msk $0xffff, v2;
	v2 =	vld [tilespmem:$0x1FFA0];
	_ =	sdelay $0x2  }
0xf8: {  	v3 =	vmul.f32 v6, v3;
	v5 =	vmul.f32 v6, v5;
	_ =	sdelay $0x1  }
0xf9: {  	v3 =	vadd.s32 $0x8000, v3;
	v5 =	vadd.s32 $0x8000, v5  }
0xfa: {  	v3 =	vshrl.u32 v3, $0x10;
	v8 =	vand.u32 $0xFFFF0000, v5  }
0xfb: {  	v3 =	vor.u32 v8, v3  }
0xfc: {  	[tilespmem:v2+s25+$0x0] =	vst.idx.msk $0xffff, v3;
	v2 =	vld [tilespmem:$0x1FFB0]  }
0xfd: {  	v3 =	vld [tilespmem:$0x1FFC0];
	_ =	sdelay $0x1  }
0xfe: {  	v10 =	vld [tilespmem:$0x1FFD0];
	_ =	sdelay $0x1  }
0xff: {  	v11 =	vld [tilespmem:$0x1FFE0];
	_ =	sdelay $0x2  }
0x100: {  	v2 =	vld.idx.msk [tilespmem:v2+s13+$0x0], $0xffff  }
0x101: {  	v3 =	vld.idx.msk [tilespmem:v3+s13+$0x0], $0xffff;
	_ =	sdelay $0x1  }
0x102: {  	v4 =	vld.idx.msk [tilespmem:v10+s13+$0x0], $0xffff;
	_ =	sdelay $0x1  }
0x103: {  	v5 =	vld.idx.msk [tilespmem:v11+s13+$0x0], $0xffff  }
0x104: {  	v12 =	vmul.f32 v2, v2;
	v13 =	vmul.f32 v3, v3;
	_ =	sdelay $0x1  }
0x105: {  	v14 =	vmul.f32 v4, v4;
	v6 =	vadd.f32 v13, v12;
	_ =	sdelay $0x1  }
0x106: {  	v15 =	vmul.f32 v5, v5;
	v6 =	vadd.f32 v14, v6;
	_ =	sdelay $0x1  }
0x107: {  	v6 =	vadd.f32 v15, v6;
	_ =	sdelay $0x1  }
0x108: {  	v7 =	vshra.s32 v6, $0x1;
	v6 =	vmul.f32 $5.000000000e-01, v6  }
0x109: {  	v7 =	vsub.s32 $0x5F3759DF, v7  }
0x10a: {  	v16 =	vmul.f32 v7, v6;
	_ =	sdelay $0x1  }
0x10b: {  	v8 =	vmul.f32 v7, v16;
	_ =	sdelay $0x1  }
0x10c: {  	v8 =	vsub.f32 $1.500000000e+00, v8;
	_ =	sdelay $0x1  }
0x10d: {  	v7 =	vmul.f32 v7, v8;
	_ =	sdelay $0x1  }
0x10e: {  	v8 =	vmul.f32 v7, v6;
	_ =	sdelay $0x1  }
0x10f: {  	v8 =	vmul.f32 v8, v7;
	_ =	sdelay $0x1  }
0x110: {  	v8 =	vsub.f32 $1.500000000e+00, v8;
	_ =	sdelay $0x1  }
0x111: {  	v7 =	vmul.f32 v8, v7;
	_ =	sdelay $0x1  }
0x112: {  	v6 =	vmul.f32 v7, v6;
	_ =	sdelay $0x1  }
0x113: {  	v6 =	vmul.f32 v6, v7;
	_ =	sdelay $0x1  }
0x114: {  	v6 =	vsub.f32 $1.500000000e+00, v6;
	_ =	sdelay $0x1  }
0x115: {  	v18 =	vld [tilespmem:$0x1FFF0];
	v6 =	vmul.f32 v6, v7;
	_ =	sdelay $0x1  }
0x116: {  	v2 =	vmul.f32 v6, v2  }
0x117: {  	v4 =	vmul.f32 v6, v4;
	v3 =	vmul.f32 v6, v3  }
0x118: {  	v5 =	vmul.f32 v6, v5  }
0x119: {  	v2 =	vadd.s32 $0x8000, v2;
	v4 =	vadd.s32 $0x8000, v4;
	v3 =	vadd.s32 $0x8000, v3  }
0x11a: {  	v5 =	vadd.s32 $0x8000, v5;
	v2 =	vshrl.u32 v2, $0x10;
	v4 =	vand.u32 $0xFFFF0000, v4  }
0x11b: {  	v3 =	vshrl.u32 v3, $0x10;
	v17 =	vand.u32 $0xFFFF0000, v5;
	v2 =	vor.u32 v4, v2  }
0x11c: {  	v3 =	vor.u32 v17, v3;
	[tilespmem:v18+s25+$0x0] =	vst.idx.msk $0xffff, v2  }
0x11d: {  	[tilespmem:v23+s25+$0x0] =	vst.idx.msk $0xffff, v3  }
0x11e: {  	v2 =	vld.idx.msk [tilespmem:v24+s13+$0x0], $0xffff  }
0x11f: {  	v3 =	vld.idx.msk [tilespmem:v25+s13+$0x0], $0xffff;
	_ =	sdelay $0x1  }
0x120: {  	v4 =	vld.idx.msk [tilespmem:v26+s13+$0x0], $0xffff;
	_ =	sdelay $0x1  }
0x121: {  	v19 =	vld.idx.msk [tilespmem:v27+s13+$0x0], $0xffff  }
0x122: {  	v42 =	vmul.f32 v2, v2;
	v43 =	vmul.f32 v3, v3;
	_ =	sdelay $0x1  }
0x123: {  	v44 =	vmul.f32 v4, v4;
	v6 =	vadd.f32 v43, v42;
	_ =	sdelay $0x1  }
0x124: {  	v45 =	vmul.f32 v19, v19;
	v6 =	vadd.f32 v44, v6;
	_ =	sdelay $0x1  }
0x125: {  	v6 =	vadd.f32 v45, v6;
	_ =	sdelay $0x1  }
0x126: {  	v7 =	vshra.s32 v6, $0x1;
	v6 =	vmul.f32 $5.000000000e-01, v6  }
0x127: {  	v7 =	vsub.s32 $0x5F3759DF, v7  }
0x128: {  	v46 =	vmul.f32 v7, v6;
	_ =	sdelay $0x1  }
0x129: {  	v8 =	vmul.f32 v7, v46;
	_ =	sdelay $0x1  }
0x12a: {  	v8 =	vsub.f32 $1.500000000e+00, v8;
	_ =	sdelay $0x1  }
0x12b: {  	v7 =	vmul.f32 v7, v8;
	_ =	sdelay $0x1  }
0x12c: {  	v8 =	vmul.f32 v7, v6;
	_ =	sdelay $0x1  }
0x12d: {  	v8 =	vmul.f32 v8, v7;
	_ =	sdelay $0x1  }
0x12e: {  	v8 =	vsub.f32 $1.500000000e+00, v8;
	_ =	sdelay $0x1  }
0x12f: {  	v7 =	vmul.f32 v8, v7;
	_ =	sdelay $0x1  }
0x130: {  	v6 =	vmul.f32 v7, v6;
	_ =	sdelay $0x1  }
0x131: {  	v6 =	vmul.f32 v6, v7;
	_ =	sdelay $0x1  }
0x132: {  	v6 =	vsub.f32 $1.500000000e+00, v6;
	_ =	sdelay $0x1  }
0x133: {  	v6 =	vmul.f32 v6, v7;
	_ =	sdelay $0x1  }
0x134: {  	v2 =	vmul.f32 v6, v2  }
0x135: {  	v4 =	vmul.f32 v6, v4;
	v3 =	vmul.f32 v6, v3  }
0x136: {  	v5 =	vmul.f32 v6, v19  }
0x137: {  	v2 =	vadd.s32 $0x8000, v2;
	v4 =	vadd.s32 $0x8000, v4;
	v3 =	vadd.s32 $0x8000, v3  }
0x138: {  	v5 =	vadd.s32 $0x8000, v5;
	v2 =	vshrl.u32 v2, $0x10;
	v4 =	vand.u32 $0xFFFF0000, v4  }
0x139: {  	v3 =	vshrl.u32 v3, $0x10;
	v47 =	vand.u32 $0xFFFF0000, v5;
	v2 =	vor.u32 v4, v2  }
0x13a: {  	v3 =	vor.u32 v47, v3;
	[tilespmem:v28+s25+$0x0] =	vst.idx.msk $0xffff, v2  }
0x13b: {  	[tilespmem:v29+s25+$0x0] =	vst.idx.msk $0xffff, v3  }
0x13c: {  	v2 =	vld.idx.msk [tilespmem:v30+s13+$0x0], $0xffff  }
0x13d: {  	v3 =	vld.idx.msk [tilespmem:v31+s13+$0x0], $0xffff;
	_ =	sdelay $0x1  }
0x13e: {  	v48 =	vld.idx.msk [tilespmem:v32+s13+$0x0], $0xffff;
	_ =	sdelay $0x1  }
0x13f: {  	v49 =	vld.idx.msk [tilespmem:v33+s13+$0x0], $0xffff  }
0x140: {  	v50 =	vmul.f32 v2, v2;
	v51 =	vmul.f32 v3, v3;
	_ =	sdelay $0x1  }
0x141: {  	v52 =	vmul.f32 v48, v48;
	v6 =	vadd.f32 v51, v50;
	_ =	sdelay $0x1  }
0x142: {  	v53 =	vmul.f32 v49, v49;
	v6 =	vadd.f32 v52, v6;
	_ =	sdelay $0x1  }
0x143: {  	v6 =	vadd.f32 v53, v6;
	_ =	sdelay $0x1  }
0x144: {  	v7 =	vshra.s32 v6, $0x1;
	v6 =	vmul.f32 $5.000000000e-01, v6  }
0x145: {  	v7 =	vsub.s32 $0x5F3759DF, v7  }
0x146: {  	v54 =	vmul.f32 v7, v6;
	_ =	sdelay $0x1  }
0x147: {  	v8 =	vmul.f32 v7, v54;
	_ =	sdelay $0x1  }
0x148: {  	v8 =	vsub.f32 $1.500000000e+00, v8;
	_ =	sdelay $0x1  }
0x149: {  	v7 =	vmul.f32 v7, v8;
	_ =	sdelay $0x1  }
0x14a: {  	v8 =	vmul.f32 v7, v6;
	_ =	sdelay $0x1  }
0x14b: {  	v8 =	vmul.f32 v8, v7;
	_ =	sdelay $0x1  }
0x14c: {  	v8 =	vsub.f32 $1.500000000e+00, v8;
	_ =	sdelay $0x1  }
0x14d: {  	v7 =	vmul.f32 v8, v7;
	_ =	sdelay $0x1  }
0x14e: {  	v6 =	vmul.f32 v7, v6;
	_ =	sdelay $0x1  }
0x14f: {  	v6 =	vmul.f32 v6, v7;
	_ =	sdelay $0x1  }
0x150: {  	v6 =	vsub.f32 $1.500000000e+00, v6;
	_ =	sdelay $0x1  }
0x151: {  	v6 =	vmul.f32 v6, v7;
	_ =	sdelay $0x1  }
0x152: {  	v2 =	vmul.f32 v6, v2  }
0x153: {  	v4 =	vmul.f32 v6, v48;
	v3 =	vmul.f32 v6, v3  }
0x154: {  	v5 =	vmul.f32 v6, v49  }
0x155: {  	v2 =	vadd.s32 $0x8000, v2;
	v4 =	vadd.s32 $0x8000, v4;
	v3 =	vadd.s32 $0x8000, v3  }
0x156: {  	v5 =	vadd.s32 $0x8000, v5;
	v2 =	vshrl.u32 v2, $0x10;
	v4 =	vand.u32 $0xFFFF0000, v4  }
0x157: {  	v3 =	vshrl.u32 v3, $0x10;
	v55 =	vand.u32 $0xFFFF0000, v5;
	v2 =	vor.u32 v4, v2  }
0x158: {  	v3 =	vor.u32 v55, v3;
	[tilespmem:v34+s25+$0x0] =	vst.idx.msk $0xffff, v2  }
0x159: {  	[tilespmem:v39+s25+$0x0] =	vst.idx.msk $0xffff, v3  }
0x15a: {  	v2 =	vld.idx.msk [tilespmem:v35+s13+$0x0], $0xffff  }
0x15b: {  	v3 =	vld.idx.msk [tilespmem:v36+s13+$0x0], $0xffff;
	_ =	sdelay $0x1  }
0x15c: {  	v56 =	vld.idx.msk [tilespmem:v37+s13+$0x0], $0xffff;
	_ =	sdelay $0x1  }
0x15d: {  	v57 =	vld.idx.msk [tilespmem:v38+s13+$0x0], $0xffff  }
0x15e: {  	v58 =	vmul.f32 v2, v2;
	v59 =	vmul.f32 v3, v3;
	_ =	sdelay $0x1  }
0x15f: {  	v60 =	vmul.f32 v56, v56;
	v6 =	vadd.f32 v59, v58;
	_ =	sdelay $0x1  }
0x160: {  	v61 =	vmul.f32 v57, v57;
	v6 =	vadd.f32 v60, v6;
	_ =	sdelay $0x1  }
0x161: {  	v6 =	vadd.f32 v61, v6;
	_ =	sdelay $0x1  }
0x162: {  	v7 =	vshra.s32 v6, $0x1;
	v6 =	vmul.f32 $5.000000000e-01, v6  }
0x163: {  	v7 =	vsub.s32 $0x5F3759DF, v7  }
0x164: {  	v62 =	vmul.f32 v7, v6;
	_ =	sdelay $0x1  }
0x165: {  	v8 =	vmul.f32 v7, v62;
	_ =	sdelay $0x1  }
0x166: {  	v8 =	vsub.f32 $1.500000000e+00, v8;
	_ =	sdelay $0x1  }
0x167: {  	v7 =	vmul.f32 v7, v8;
	_ =	sdelay $0x1  }
0x168: {  	v8 =	vmul.f32 v7, v6;
	_ =	sdelay $0x1  }
0x169: {  	v8 =	vmul.f32 v8, v7;
	_ =	sdelay $0x1  }
0x16a: {  	v8 =	vsub.f32 $1.500000000e+00, v8;
	_ =	sdelay $0x1  }
0x16b: {  	v7 =	vmul.f32 v8, v7;
	_ =	sdelay $0x1  }
0x16c: {  	v6 =	vmul.f32 v7, v6;
	_ =	sdelay $0x1  }
0x16d: {  	v6 =	vmul.f32 v6, v7;
	_ =	sdelay $0x1  }
0x16e: {  	v6 =	vsub.f32 $1.500000000e+00, v6;
	_ =	sdelay $0x1  }
0x16f: {  	v6 =	vmul.f32 v6, v7;
	_ =	sdelay $0x1  }
0x170: {  	v2 =	vmul.f32 v6, v2  }
0x171: {  	v4 =	vmul.f32 v6, v56;
	v3 =	vmul.f32 v6, v3  }
0x172: {  	v5 =	vmul.f32 v6, v57  }
0x173: {  	v2 =	vadd.s32 $0x8000, v2;
	v4 =	vadd.s32 $0x8000, v4;
	v3 =	vadd.s32 $0x8000, v3  }
0x174: {  	v5 =	vadd.s32 $0x8000, v5;
	v2 =	vshrl.u32 v2, $0x10;
	v4 =	vand.u32 $0xFFFF0000, v4  }
0x175: {  	v3 =	vshrl.u32 v3, $0x10;
	v63 =	vand.u32 $0xFFFF0000, v5;
	v2 =	vor.u32 v4, v2  }
0x176: {  	v3 =	vor.u32 v63, v3;
	[tilespmem:v40+s25+$0x0] =	vst.idx.msk $0xffff, v2  }
0x177: {  	[tilespmem:v41+s25+$0x0] =	vst.idx.msk $0xffff, v3  }
0x178: {  	[bflag:$0x0] =	sbarrier.arrive $0xFFFF  }
0x179: {  	[tilespmem:s11], [sflag:$0x1] =	stream.linear.gather [spmem:s1], $0xC800, $0x38;
	[tilespmem:$0x1DE00] =	vst v63  }
0x17a: {  	s17 =	rddreg [dreg:$0x4]  }
0x17b: {  	[tilespmem:s26], [sflag:$0x1] =	stream.linear.gather [spmem:s17], $0xC800, $0x38;
	[tilespmem:$0x1DE00] =	vst v63  }
0x17c: {  	s20 =	rddreg [dreg:$0x5]  }
0x17d: {  	[tilespmem:s28], [sflag:$0x2] =	stream.linear.gather [hbm4b:s20+s11], $0x7D0, $0x38;
	[tilespmem:$0x1DE00] =	vst v63  }
0x17e: {  	s24 =	rddreg [dreg:$0x6]  }
0x17f: {  	[tilespmem:s29], [sflag:$0x2] =	stream.linear.gather [hbm4b:s24+s11], $0x7D0, $0x38;
	[tilespmem:$0x1DE00] =	vst v63  }
0x180: {  	_ =	swait.ge [sflag:s22], $0xC800  }
0x181: {  	[sflag:s22] =	ssyncset.done $0x0  }
0x182: {  	[sflag:s22] =	ssyncadd.s32 $0xFFFF3800  }
0x183: {  	_ =	swait.ge [sflag:s22], $0xC800  }
0x184: {  	[sflag:s22] =	ssyncset.done $0x0  }
0x185: {  	v42 =	vimm.f32 $0.0e+00;
	[sflag:s22] =	ssyncadd.s32 $0xFFFF3800  }
.LBB2_6:
0x186: {  	s13 =	smul.u32 $0xFA0, s11;
	_ =	sdelay $0x1  }
0x187: {  	s8 =	sadd.s32 $0x7D0, s13  }
0x188: {  	s14 =	sadd.s32 s9, s8  }
0x189: {  	s8 =	sadd.s32 s12, s8;
	s14 =	sshrl.u32 s14, $0x3  }
0x18a: {  	s8 =	sshrl.u32 s8, $0x3;
	s14 =	sadd.s32 s3, s14  }
0x18b: {  	[tilespmem:s30], [sflag:$0x3] =	stream.linear.gather [hbm4b:s14+s2], $0x7D0, $0x38;
	[tilespmem:$0x1DE00] =	vst v63  }
0x18c: {  	s8 =	sadd.s32 s3, s8  }
0x18d: {  	[tilespmem:s31], [sflag:$0x3] =	stream.linear.gather [hbm4b:s8+s2], $0x7D0, $0x38;
	[tilespmem:$0x1DE00] =	vst v63  }
0x18e: {  	_ =	swait.ge [sflag:s0], $0x7D0  }
0x18f: {  	[sflag:s0] =	ssyncset.done $0x0  }
0x190: {  	[sflag:s0] =	ssyncadd.s32 $0xFFFFF830  }
0x191: {  	_ =	swait.ge [sflag:s0], $0x7D0  }
0x192: {  	[sflag:s0] =	ssyncset.done $0x0  }
0x193: {  	s16 =	simm.s32 $0x19B10;
	[sflag:s0] =	ssyncadd.s32 $0xFFFFF830  }
0x194: {  	s17 =	simm.s32 $0x19310;
	v2 =	vld [tilespmem:s16+$0xFFFFFFF0]  }
0x195: {  	v3 =	vld [tilespmem:s17+$0xFFFFFFF0]  }
0x196: {  	v4 =	vld [tilespmem:s17+$0x0];
	_ =	sdelay $0x1  }
0x197: {  	v6 =	vld [tilespmem:s16+$0x0];
	_ =	sdelay $0x1  }
0x198: {  	s20 =	simm.s32 $0x19B30  }
0x199: {  	v50 =	vld [tilespmem:s20+$0x0]  }
0x19a: {  	v5 =	vld.idx.msk [tilespmem:v2+s2+$0x0], $0xffff  }
0x19b: {  	v49 =	vld.idx.msk [tilespmem:v3+s2+$0x0], $0xffff  }
0x19c: {  	s24 =	simm.s32 $0x19330;
	v46 =	vld.idx.msk [tilespmem:v4+s2+$0x0], $0xffff  }
0x19d: {  	v53 =	vld [tilespmem:s24+$0xFFFFFFF0]  }
0x19e: {  	v47 =	vld.idx.msk [tilespmem:v6+s2+$0x0], $0xffff  }
0x19f: {  	v55 =	vld [tilespmem:s20+$0xFFFFFFF0];
	v7 =	vand.u32 $0xF, v5  }
0x1a0: {  	v8 =	vmul.u32 $0xA, v7  }
0x1a1: {  	v52 =	vld [tilespmem:s24+$0x0];
	v43 =	vand.u32 $0xF, v49;
	v44 =	vand.u32 $0xF, v46  }
0x1a2: {  	v45 =	vmul.u32 $0xA, v44;
	v8 =	vadd.s32 v43, v8  }
0x1a3: {  	v48 =	vand.u32 $0xF, v47;
	v8 =	vshll.u32 v8, $0x1  }
0x1a4: {  	v2 =	vld.idx.msk [tilespmem:v2+s26+$0x0], $0xffff;
	v45 =	vadd.s32 v45, v48  }
0x1a5: {  	v15 =	vmul.u32 $0xA, v43;
	v43 =	vld.idx.msk [tilespmem:v50+s2+$0x0], $0xffff;
	v54 =	vshll.u32 v45, $0x1  }
0x1a6: {  	v14 =	vmul.u32 $0xA, v48;
	v48 =	vld.idx.msk [tilespmem:v53+s2+$0x0], $0xffff;
	v51 =	vor.u32 $0x1, v8  }
0x1a7: {  	v45 =	vld.idx.msk [tilespmem:v55+s2+$0x0], $0xffff  }
0x1a8: {  	v44 =	vadd.s32 v44, v14;
	v8 =	vld.idx.msk [tilespmem:v8+s25+$0x0], $0xffff  }
0x1a9: {  	v61 =	vshll.u32 v44, $0x1;
	v44 =	vld.idx.msk [tilespmem:v52+s2+$0x0], $0xffff  }
0x1aa: {  	v59 =	vld.idx.msk [tilespmem:v54+s25+$0x0], $0xffff  }
0x1ab: {  	v56 =	vor.u32 $0x1, v54;
	v57 =	vld.idx.msk [tilespmem:v51+s25+$0x0], $0xffff  }
0x1ac: {  	v11 =	vand.u32 $0xF, v48;
	v10 =	vand.u32 $0xF, v45;
	v51 =	vld.idx.msk [tilespmem:v4+s26+$0x0], $0xffff;
	v4 =	vadd.s32 v15, v7  }
0x1ad: {  	v7 =	vor.u32 $0x1, v61;
	v16 =	vshll.u32 v8, $0x10;
	v8 =	vand.u32 $0xFFFF0000, v8  }
0x1ae: {  	v4 =	vshll.u32 v4, $0x1;
	v58 =	vmul.f32 v16, v5;
	v8 =	vmul.f32 v8, v2  }
0x1af: {  	v19 =	vand.u32 $0xF, v44;
	v13 =	vmul.u32 $0xA, v11;
	v62 =	vor.u32 $0x1, v4  }
0x1b0: {  	v55 =	vld.idx.msk [tilespmem:v55+s26+$0x0], $0xffff;
	v17 =	vshll.u32 v59, $0x10;
	v60 =	vand.u32 $0xFFFF0000, v57;
	v54 =	vadd.f32 v8, v58  }
0x1b1: {  	v58 =	vmul.f32 v60, v2;
	v2 =	vand.u32 $0xF, v43;
	v8 =	vshll.u32 v57, $0x10;
	v60 =	vld.idx.msk [tilespmem:v3+s26+$0x0], $0xffff  }
0x1b2: {  	v3 =	vld.idx.msk [tilespmem:v61+s25+$0x0], $0xffff;
	v9 =	vmul.u32 $0xA, v2;
	v63 =	vmul.f32 v8, v5;
	v8 =	vmul.u32 $0xA, v10  }
0x1b3: {  	v12 =	vmul.u32 $0xA, v19;
	v18 =	vmul.f32 v17, v46;
	v5 =	vand.u32 $0xFFFF0000, v59;
	v59 =	vld.idx.msk [tilespmem:v7+s25+$0x0], $0xffff  }
0x1b4: {  	v7 =	vmul.f32 v5, v51;
	v5 =	vld.idx.msk [tilespmem:v4+s25+$0x0], $0xffff;
	v11 =	vadd.s32 v11, v8;
	v8 =	vadd.s32 v19, v9  }
0x1b5: {  	v4 =	vld.idx.msk [tilespmem:v62+s25+$0x0], $0xffff;
	v9 =	vadd.s32 v12, v2;
	v2 =	vadd.s32 v13, v10;
	v57 =	vshll.u32 v11, $0x1  }
0x1b6: {  	s15 =	simm.s32 $0x19350;
	s14 =	simm.s32 $0x2;
	s8 =	simm.s32 $0x19B50;
	v62 =	vld.idx.msk [tilespmem:v6+s26+$0x0], $0xffff;
	v61 =	vadd.f32 v7, v18;
	v6 =	vshll.u32 v9, $0x1;
	v7 =	vor.u32 $0x1, v57  }
.LBB2_7:
0x1b7: {  	v9 =	vld [tilespmem:s8+$0xFFFFFFF0];
	s14 =	sadd.s32 $0x2, s14;
	v8 =	vshll.u32 v8, $0x1;
	v10 =	vadd.f32 v58, v63;
	v11 =	vshll.u32 v3, $0x10  }
0x1b8: {  	v3 =	vand.u32 $0xFFFF0000, v3;
	v12 =	vld [tilespmem:s8+$0x0];
	p0 =	slt.u32 s14, $0x7A;
	v13 =	vor.u32 $0x1, v8;
	v11 =	vmul.f32 v11, v47  }
0x1b9: {  	v58 =	vshll.u32 v5, $0x10;
	v5 =	vand.u32 $0xFFFF0000, v5;
	v63 =	vld.idx.msk [tilespmem:v56+s25+$0x0], $0xffff;
	v56 =	vshll.u32 v59, $0x10  }
0x1ba: {  	v14 =	vand.u32 $0xFFFF0000, v4;
	v58 =	vmul.f32 v58, v49;
	v5 =	vmul.f32 v5, v60;
	v57 =	vld.idx.msk [tilespmem:v57+s25+$0x0], $0xffff  }
0x1bb: {  	v4 =	vshll.u32 v4, $0x10;
	v14 =	vmul.f32 v14, v60;
	v3 =	vmul.f32 v3, v62;
	v15 =	vld [tilespmem:s15+$0x0]  }
0x1bc: {  	v4 =	vmul.f32 v4, v49;
	v5 =	vadd.f32 v5, v58;
	v58 =	vmul.f32 v56, v47;
	v47 =	vmovc v43;
	v16 =	vld [tilespmem:s15+$0xFFFFFFF0]  }
0x1bd: {  	v49 =	vmovc v48;
	v56 =	vor.u32 $0x1, v6;
	v43 =	vand.u32 $0xFFFF0000, v59;
	v3 =	vadd.f32 v3, v11;
	v7 =	vld.idx.msk [tilespmem:v7+s25+$0x0], $0xffff  }
0x1be: {  	v4 =	vadd.f32 v14, v4;
	v11 =	vmul.f32 v43, v62;
	v5 =	vsub.f32 v5, v54;
	v6 =	vld.idx.msk [tilespmem:v6+s25+$0x0], $0xffff  }
0x1bf: {  	v14 =	vshll.u32 v63, $0x10;
	v48 =	vand.u32 $0xFFFF0000, v63;
	v3 =	vsub.f32 v61, v3  }
0x1c0: {  	v54 =	vshll.u32 v57, $0x10;
	v5 =	vmul.f32 v5, v5;
	v59 =	vmul.f32 v48, v51;
	v43 =	vld.idx.msk [tilespmem:v12+s2+$0x0], $0xffff  }
0x1c1: {  	v11 =	vadd.f32 v11, v58;
	v48 =	vand.u32 $0xFFFF0000, v57;
	v54 =	vmul.f32 v54, v45  }
0x1c2: {  	v4 =	vsub.f32 v4, v10;
	v48 =	vmul.f32 v48, v55;
	v5 =	vadd.f32 v5, v42;
	v57 =	vld.idx.msk [tilespmem:v9+s2+$0x0], $0xffff  }
0x1c3: {  	v14 =	vmul.f32 v14, v46;
	v3 =	vmul.f32 v3, v3;
	v10 =	vand.u32 $0xFFFF0000, v7;
	v51 =	vld.idx.msk [tilespmem:v52+s26+$0x0], $0xffff;
	v52 =	vmovc v15  }
0x1c4: {  	v4 =	vmul.f32 v4, v4;
	v54 =	vadd.f32 v48, v54;
	v58 =	vmul.f32 v10, v55;
	v15 =	vld.idx.msk [tilespmem:v15+s2+$0x0], $0xffff  }
0x1c5: {  	v46 =	vmovc v44;
	v14 =	vadd.f32 v59, v14;
	v7 =	vshll.u32 v7, $0x10;
	v10 =	vshll.u32 v6, $0x10;
	v48 =	vld.idx.msk [tilespmem:v16+s2+$0x0], $0xffff  }
0x1c6: {  	v2 =	vshll.u32 v2, $0x1;
	v4 =	vadd.f32 v4, v5;
	v55 =	vand.u32 $0xF, v43  }
0x1c7: {  	v62 =	vor.u32 $0x1, v2;
	v5 =	vsub.f32 v14, v11;
	v61 =	vmul.u32 $0xA, v55  }
0x1c8: {  	v63 =	vmul.f32 v7, v45;
	v6 =	vand.u32 $0xFFFF0000, v6;
	v4 =	vadd.f32 v3, v4;
	v60 =	vld.idx.msk [tilespmem:v53+s26+$0x0], $0xffff;
	v53 =	vmovc v16  }
0x1c9: {  	v10 =	vmul.f32 v10, v46;
	v7 =	vand.u32 $0xF, v57;
	v45 =	vmovc v57;
	v3 =	vld.idx.msk [tilespmem:v8+s25+$0x0], $0xffff;
	v8 =	vmul.f32 v5, v5  }
.Ltmp2:
0x1ca: {  	v11 =	vmul.u32 $0xA, v7;
	v6 =	vmul.f32 v6, v51;
	v14 =	vand.u32 $0xF, v15;
	v44 =	vmovc v15;
	v59 =	vld.idx.msk [tilespmem:v13+s25+$0x0], $0xffff;
	(pc) =	sbr.rel @p0 .LBB2_7-.Ltmp2, $4  }
0x1cb: {  	v13 =	vand.u32 $0xF, v48;
	v15 =	vmul.u32 $0xA, v14;
	v5 =	vld.idx.msk [tilespmem:v2+s25+$0x0], $0xffff;
	v42 =	vadd.f32 v8, v4  }
0x1cc: {  	v2 =	vmul.u32 $0xA, v13;
	v11 =	vadd.s32 v13, v11;
	v8 =	vadd.s32 v14, v61;
	v4 =	vld.idx.msk [tilespmem:v62+s25+$0x0], $0xffff  }
0x1cd: {  	v61 =	vadd.f32 v6, v10;
	v57 =	vshll.u32 v11, $0x1;
	v11 =	vadd.s32 v15, v55;
	v62 =	vld.idx.msk [tilespmem:v50+s26+$0x0], $0xffff;
	v50 =	vmovc v12  }
0x1ce: {  	s8 =	sadd.s32 $0x20, s8;
	s15 =	sadd.s32 $0x20, s15;
	v2 =	vadd.s32 v2, v7;
	v7 =	vor.u32 $0x1, v57;
	v6 =	vshll.u32 v11, $0x1;
	v55 =	vld.idx.msk [tilespmem:v9+s26+$0x0], $0xffff  }
0x1cf: {  	v9 =	vld [tilespmem:$0x19AC0];
	_ =	sdelay $0x1  }
0x1d0: {  	v10 =	vld [tilespmem:$0x1A2C0];
	_ =	sdelay $0x3  }
0x1d1: {  	v11 =	vld.idx.msk [tilespmem:v56+s25+$0x0], $0xffff  }
0x1d2: {  	v12 =	vld.idx.msk [tilespmem:v57+s25+$0x0], $0xffff  }
0x1d3: {  	v56 =	vld.idx.msk [tilespmem:v9+s2+$0x0], $0xffff  }
0x1d4: {  	v8 =	vshll.u32 v8, $0x1;
	v14 =	vld.idx.msk [tilespmem:v6+s25+$0x0], $0xffff;
	v2 =	vshll.u32 v2, $0x1;
	v17 =	vshll.u32 v3, $0x10  }
0x1d5: {  	v6 =	vor.u32 $0x1, v6;
	v3 =	vand.u32 $0xFFFF0000, v3;
	v13 =	vor.u32 $0x1, v8;
	v57 =	vld.idx.msk [tilespmem:v10+s2+$0x0], $0xffff  }
0x1d6: {  	v7 =	vld.idx.msk [tilespmem:v7+s25+$0x0], $0xffff;
	v16 =	vor.u32 $0x1, v2;
	v17 =	vmul.f32 v17, v47;
	v20 =	vshll.u32 v5, $0x10  }
0x1d7: {  	v15 =	vld.idx.msk [tilespmem:v52+s26+$0x0], $0xffff;
	v5 =	vand.u32 $0xFFFF0000, v5;
	v21 =	vand.u32 $0xFFFF0000, v4;
	v20 =	vmul.f32 v20, v49  }
0x1d8: {  	v52 =	vld.idx.msk [tilespmem:v53+s26+$0x0], $0xffff;
	v5 =	vmul.f32 v5, v60;
	v4 =	vshll.u32 v4, $0x10;
	v53 =	vand.u32 $0xF, v56  }
0x1d9: {  	v22 =	vld.idx.msk [tilespmem:v50+s26+$0x0], $0xffff;
	v21 =	vmul.f32 v21, v60;
	v4 =	vmul.f32 v4, v49;
	v18 =	vmul.u32 $0xA, v53  }
0x1da: {  	v3 =	vmul.f32 v3, v62;
	v5 =	vadd.f32 v5, v20;
	v8 =	vld.idx.msk [tilespmem:v8+s25+$0x0], $0xffff;
	v19 =	vand.u32 $0xF, v57  }
0x1db: {  	v2 =	vld.idx.msk [tilespmem:v2+s25+$0x0], $0xffff;
	v4 =	vadd.f32 v21, v4;
	v18 =	vadd.s32 v18, v19;
	v19 =	vmul.u32 $0xA, v19  }
0x1dc: {  	v5 =	vsub.f32 v5, v54;
	v49 =	vld.idx.msk [tilespmem:v10+s26+$0x0], $0xffff;
	v10 =	vadd.f32 v58, v63;
	v18 =	vshll.u32 v18, $0x1  }
0x1dd: {  	v6 =	vld.idx.msk [tilespmem:v6+s25+$0x0], $0xffff;
	v3 =	vadd.f32 v3, v17;
	v19 =	vadd.s32 v53, v19;
	v53 =	vor.u32 $0x1, v18  }
0x1de: {  	v13 =	vld.idx.msk [tilespmem:v13+s25+$0x0], $0xffff;
	v5 =	vmul.f32 v5, v5;
	v4 =	vsub.f32 v4, v10;
	v19 =	vshll.u32 v19, $0x1  }
0x1df: {  	v20 =	vshll.u32 v59, $0x10;
	v50 =	vld.idx.msk [tilespmem:v9+s26+$0x0], $0xffff;
	v9 =	vor.u32 $0x1, v19  }
0x1e0: {  	s8 =	sadd.s32 $0xFA0, s13;
	v16 =	vld.idx.msk [tilespmem:v16+s25+$0x0], $0xffff;
	v3 =	vsub.f32 v61, v3;
	v5 =	vadd.f32 v5, v42;
	v4 =	vmul.f32 v4, v4  }
0x1e1: {  	s13 =	sadd.s32 s9, s8;
	v20 =	vmul.f32 v20, v47;
	v63 =	vshll.u32 v14, $0x10;
	v58 =	vld.idx.msk [tilespmem:v18+s25+$0x0], $0xffff  }
0x1e2: {  	s8 =	sadd.s32 s12, s8;
	s13 =	sshrl.u32 s13, $0x3;
	v3 =	vmul.f32 v3, v3;
	v10 =	vshll.u32 v11, $0x10;
	v4 =	vadd.f32 v4, v5;
	v21 =	vld.idx.msk [tilespmem:v53+s25+$0x0], $0xffff  }
0x1e3: {  	s8 =	sshrl.u32 s8, $0x3;
	v60 =	vand.u32 $0xFFFF0000, v59;
	s13 =	sadd.s32 s3, s13;
	v10 =	vmul.f32 v10, v46;
	v46 =	vmul.f32 v63, v44;
	v19 =	vld.idx.msk [tilespmem:v19+s25+$0x0], $0xffff  }
0x1e4: {  	v3 =	vadd.f32 v3, v4;
	v18 =	vmul.f32 v60, v62;
	v62 =	vand.u32 $0xFFFF0000, v11;
	v9 =	vld.idx.msk [tilespmem:v9+s25+$0x0], $0xffff;
	[tilespmem:s28], [sflag:$0x2] =	stream.linear.gather [hbm4b:s13+s2], $0x7D0, $0x38  }
0x1e5: {  	s8 =	sadd.s32 s3, s8;
	v11 =	vshll.u32 v12, $0x10;
	v12 =	vand.u32 $0xFFFF0000, v12;
	v47 =	vmul.f32 v62, v51  }
0x1e6: {  	v11 =	vmul.f32 v11, v45;
	v12 =	vmul.f32 v12, v55;
	v51 =	vshll.u32 v13, $0x10;
	[tilespmem:s29], [sflag:$0x2] =	stream.linear.gather [hbm4b:s8+s2], $0x7D0, $0x38;
	[tilespmem:$0x1DE00] =	vst v63  }
0x1e7: {  	v53 =	vand.u32 $0xFFFF0000, v16;
	v18 =	vadd.f32 v18, v20;
	v10 =	vadd.f32 v47, v10;
	_ =	swait.ge [sflag:s7], $0x7D0  }
0x1e8: {  	v16 =	vshll.u32 v16, $0x10;
	v13 =	vand.u32 $0xFFFF0000, v13;
	v20 =	vand.u32 $0xFFFF0000, v7;
	[sflag:s7] =	ssyncset.done $0x0  }
0x1e9: {  	v7 =	vshll.u32 v7, $0x10;
	v54 =	vmul.f32 v16, v48;
	v5 =	vsub.f32 v10, v18;
	[sflag:s7] =	ssyncadd.s32 $0xFFFFF830  }
0x1ea: {  	v7 =	vmul.f32 v7, v45;
	v47 =	vshll.u32 v2, $0x10;
	v2 =	vand.u32 $0xFFFF0000, v2;
	_ =	swait.ge [sflag:s7], $0x7D0  }
0x1eb: {  	v2 =	vmul.f32 v2, v52;
	v10 =	vand.u32 $0xFFFF0000, v14;
	v4 =	vmul.f32 v5, v5;
	[sflag:s7] =	ssyncset.done $0x0  }
0x1ec: {  	s16 =	simm.s32 $0x1AB10;
	v5 =	vmul.f32 v10, v15;
	v10 =	vadd.f32 v12, v11;
	v12 =	vmul.f32 v47, v48;
	[sflag:s7] =	ssyncadd.s32 $0xFFFFF830  }
0x1ed: {  	v18 =	vmul.f32 v53, v52;
	v11 =	vmul.f32 v20, v55;
	v55 =	vshll.u32 v6, $0x10;
	v20 =	vld [tilespmem:s16+$0xFFFFFFF0]  }
0x1ee: {  	s17 =	simm.s32 $0x1A310;
	v6 =	vand.u32 $0xFFFF0000, v6;
	v59 =	vand.u32 $0xFFFF0000, v19;
	v2 =	vadd.f32 v2, v12  }
0x1ef: {  	v6 =	vmul.f32 v6, v15;
	v3 =	vadd.f32 v4, v3;
	v7 =	vadd.f32 v11, v7;
	v14 =	vld [tilespmem:s17+$0xFFFFFFF0]  }
0x1f0: {  	v15 =	vmul.f32 v59, v49;
	v2 =	vsub.f32 v2, v10;
	v10 =	vadd.f32 v18, v54  }
0x1f1: {  	v4 =	vadd.f32 v5, v46;
	v5 =	vshll.u32 v8, $0x10;
	v8 =	vand.u32 $0xFFFF0000, v8  }
0x1f2: {  	v5 =	vmul.f32 v5, v43;
	v8 =	vmul.f32 v8, v22;
	v7 =	vsub.f32 v10, v7;
	v10 =	vld [tilespmem:s17+$0x0]  }
0x1f3: {  	v62 =	vshll.u32 v9, $0x10;
	v9 =	vand.u32 $0xFFFF0000, v9;
	v2 =	vmul.f32 v2, v2  }
0x1f4: {  	v12 =	vmul.f32 v55, v44;
	v5 =	vadd.f32 v8, v5;
	v8 =	vmul.f32 v13, v22;
	v13 =	vld [tilespmem:s16+$0x0]  }
0x1f5: {  	v11 =	vmul.f32 v51, v43;
	v2 =	vadd.f32 v2, v3;
	v3 =	vmul.f32 v7, v7;
	v7 =	vld.idx.msk [tilespmem:v20+s2+$0x0], $0xffff  }
0x1f6: {  	v9 =	vmul.f32 v9, v49;
	v6 =	vadd.f32 v6, v12;
	v4 =	vsub.f32 v4, v5  }
0x1f7: {  	s20 =	simm.s32 $0x1AB30;
	v18 =	vmul.f32 v62, v57;
	v5 =	vadd.f32 v8, v11;
	v8 =	vand.u32 $0xFFFF0000, v21;
	v47 =	vld.idx.msk [tilespmem:v14+s2+$0x0], $0xffff  }
0x1f8: {  	v42 =	vld [tilespmem:s20+$0x0];
	v8 =	vmul.f32 v8, v50;
	v4 =	vmul.f32 v4, v4;
	v2 =	vadd.f32 v3, v2  }
0x1f9: {  	v3 =	vsub.f32 v6, v5;
	v5 =	vand.u32 $0xFFFF0000, v58;
	v6 =	vshll.u32 v21, $0x10;
	v21 =	vld [tilespmem:s20+$0xFFFFFFF0]  }
0x1fa: {  	v5 =	vmul.f32 v5, v50;
	v2 =	vadd.f32 v4, v2;
	v45 =	vld.idx.msk [tilespmem:v10+s2+$0x0], $0xffff;
	v11 =	vand.u32 $0xF, v7  }
0x1fb: {  	v4 =	vshll.u32 v58, $0x10;
	v58 =	vshll.u32 v19, $0x10;
	v60 =	vmul.u32 $0xA, v11  }
0x1fc: {  	s24 =	simm.s32 $0x1A330;
	v4 =	vmul.f32 v4, v56;
	v48 =	vld.idx.msk [tilespmem:v13+s2+$0x0], $0xffff;
	v12 =	vmul.f32 v58, v57;
	v61 =	vand.u32 $0xF, v47  }
0x1fd: {  	v6 =	vmul.f32 v6, v56;
	v50 =	vld [tilespmem:s24+$0x0];
	v3 =	vmul.f32 v3, v3;
	v16 =	vadd.s32 v61, v60  }
0x1fe: {  	v4 =	vadd.f32 v5, v4;
	v5 =	vadd.f32 v15, v12;
	v16 =	vshll.u32 v16, $0x1  }
0x1ff: {  	v6 =	vadd.f32 v8, v6;
	v8 =	vadd.f32 v9, v18;
	v63 =	vand.u32 $0xF, v45  }
0x200: {  	v46 =	vld [tilespmem:s24+$0xFFFFFFF0];
	v4 =	vsub.f32 v4, v5;
	v56 =	vmul.u32 $0xA, v63  }
0x201: {  	v43 =	vld.idx.msk [tilespmem:v42+s2+$0x0], $0xffff;
	v2 =	vadd.f32 v3, v2;
	v3 =	vsub.f32 v6, v8;
	v58 =	vand.u32 $0xF, v48  }
0x202: {  	v49 =	vld.idx.msk [tilespmem:v21+s2+$0x0], $0xffff;
	v4 =	vmul.f32 v4, v4;
	v5 =	vadd.s32 v56, v58;
	v59 =	vor.u32 $0x1, v16  }
0x203: {  	v5 =	vshll.u32 v5, $0x1;
	v9 =	vld.idx.msk [tilespmem:v16+s25+$0x0], $0xffff  }
0x204: {  	v6 =	vld.idx.msk [tilespmem:v20+s26+$0x0], $0xffff;
	v3 =	vmul.f32 v3, v3;
	v8 =	vmul.u32 $0xA, v58;
	v2 =	vadd.f32 v4, v2  }
0x205: {  	v44 =	vld.idx.msk [tilespmem:v50+s2+$0x0], $0xffff  }
0x206: {  	v58 =	vld.idx.msk [tilespmem:v14+s26+$0x0], $0xffff;
	v53 =	vadd.f32 v3, v2;
	v3 =	vadd.s32 v63, v8  }
0x207: {  	v2 =	vmul.u32 $0xA, v61;
	v14 =	vand.u32 $0xF, v49;
	v3 =	vshll.u32 v3, $0x1;
	v4 =	vld.idx.msk [tilespmem:v59+s25+$0x0], $0xffff  }
0x208: {  	v55 =	vor.u32 $0x1, v5;
	v60 =	vld.idx.msk [tilespmem:v5+s25+$0x0], $0xffff;
	v8 =	vshll.u32 v9, $0x10;
	v9 =	vand.u32 $0xFFFF0000, v9  }
0x209: {  	v51 =	vld.idx.msk [tilespmem:v46+s2+$0x0], $0xffff;
	v62 =	vmul.u32 $0xA, v14;
	v8 =	vmul.f32 v8, v7;
	v9 =	vmul.f32 v9, v6  }
0x20a: {  	v52 =	vld.idx.msk [tilespmem:v10+s26+$0x0], $0xffff;
	v63 =	vand.u32 $0xF, v44;
	v2 =	vadd.s32 v2, v11;
	v10 =	vor.u32 $0x1, v3  }
0x20b: {  	v57 =	vmul.u32 $0xA, v63;
	v54 =	vadd.f32 v9, v8;
	v8 =	vshll.u32 v2, $0x1  }
0x20c: {  	v5 =	vand.u32 $0xFFFF0000, v4;
	v4 =	vshll.u32 v4, $0x10;
	v11 =	vor.u32 $0x1, v8  }
0x20d: {  	v56 =	vld.idx.msk [tilespmem:v21+s26+$0x0], $0xffff;
	v2 =	vmul.f32 v5, v6;
	v9 =	vand.u32 $0xF, v43;
	v6 =	vshll.u32 v60, $0x10  }
0x20e: {  	v5 =	vmul.f32 v4, v7;
	v7 =	vand.u32 $0xFFFF0000, v60;
	v4 =	vld.idx.msk [tilespmem:v3+s25+$0x0], $0xffff;
	v61 =	vmul.u32 $0xA, v9  }
0x20f: {  	v59 =	vld.idx.msk [tilespmem:v10+s25+$0x0], $0xffff;
	v3 =	vmul.f32 v6, v45;
	v10 =	vmul.f32 v7, v52;
	v7 =	vand.u32 $0xF, v51  }
0x210: {  	v9 =	vadd.s32 v57, v9;
	v18 =	vmul.u32 $0xA, v7;
	v7 =	vadd.s32 v7, v62;
	v6 =	vld.idx.msk [tilespmem:v8+s25+$0x0], $0xffff  }
0x211: {  	v7 =	vshll.u32 v7, $0x1;
	v60 =	vadd.f32 v10, v3;
	v3 =	vshll.u32 v9, $0x1;
	v62 =	vld.idx.msk [tilespmem:v11+s25+$0x0], $0xffff  }
0x212: {  	s14 =	simm.s32 $0x1A350;
	s13 =	simm.s32 $0x2;
	s8 =	simm.s32 $0x1AB50;
	v57 =	vadd.s32 v18, v14;
	v8 =	vadd.s32 v63, v61;
	v61 =	vld.idx.msk [tilespmem:v13+s26+$0x0], $0xffff;
	v63 =	vor.u32 $0x1, v7  }
.LBB2_9:
0x213: {  	v9 =	vld [tilespmem:s8+$0xFFFFFFF0];
	s13 =	sadd.s32 $0x2, s13;
	v8 =	vshll.u32 v8, $0x1;
	v2 =	vadd.f32 v2, v5;
	v5 =	vshll.u32 v4, $0x10  }
0x214: {  	v4 =	vand.u32 $0xFFFF0000, v4;
	v10 =	vld [tilespmem:s8+$0x0];
	p0 =	slt.u32 s13, $0x7A;
	v11 =	vor.u32 $0x1, v8;
	v5 =	vmul.f32 v5, v48  }
0x215: {  	v14 =	vshll.u32 v59, $0x10;
	v12 =	vshll.u32 v6, $0x10;
	v6 =	vand.u32 $0xFFFF0000, v6;
	v13 =	vld.idx.msk [tilespmem:v55+s25+$0x0], $0xffff  }
0x216: {  	v15 =	vand.u32 $0xFFFF0000, v62;
	v12 =	vmul.f32 v12, v47;
	v6 =	vmul.f32 v6, v58;
	v7 =	vld.idx.msk [tilespmem:v7+s25+$0x0], $0xffff  }
0x217: {  	v17 =	vshll.u32 v62, $0x10;
	v15 =	vmul.f32 v15, v58;
	v4 =	vmul.f32 v4, v61;
	v16 =	vld [tilespmem:s14+$0x0]  }
0x218: {  	v14 =	vmul.f32 v14, v48;
	v48 =	vmovc v43;
	v6 =	vadd.f32 v6, v12;
	v12 =	vmul.f32 v17, v47;
	v18 =	vld [tilespmem:s14+$0xFFFFFFF0]  }
0x219: {  	v19 =	vand.u32 $0xFFFF0000, v59;
	v55 =	vor.u32 $0x1, v3;
	v47 =	vmovc v51;
	v4 =	vadd.f32 v4, v5;
	v17 =	vld.idx.msk [tilespmem:v63+s25+$0x0], $0xffff  }
0x21a: {  	v5 =	vsub.f32 v6, v54;
	v6 =	vadd.f32 v15, v12;
	v12 =	vmul.f32 v19, v61;
	v3 =	vld.idx.msk [tilespmem:v3+s25+$0x0], $0xffff  }
0x21b: {  	v15 =	vshll.u32 v13, $0x10;
	v13 =	vand.u32 $0xFFFF0000, v13;
	v4 =	vsub.f32 v60, v4  }
0x21c: {  	v19 =	vshll.u32 v7, $0x10;
	v5 =	vmul.f32 v5, v5;
	v13 =	vmul.f32 v13, v52;
	v43 =	vld.idx.msk [tilespmem:v10+s2+$0x0], $0xffff  }
0x21d: {  	v7 =	vand.u32 $0xFFFF0000, v7;
	v12 =	vadd.f32 v12, v14;
	v19 =	vmul.f32 v19, v49  }
0x21e: {  	v6 =	vsub.f32 v6, v2;
	v7 =	vmul.f32 v7, v56;
	v5 =	vadd.f32 v5, v53;
	v14 =	vld.idx.msk [tilespmem:v9+s2+$0x0], $0xffff  }
0x21f: {  	v15 =	vmul.f32 v15, v45;
	v4 =	vmul.f32 v4, v4;
	v2 =	vand.u32 $0xFFFF0000, v17;
	v52 =	vld.idx.msk [tilespmem:v50+s26+$0x0], $0xffff;
	v50 =	vmovc v16  }
0x220: {  	v6 =	vmul.f32 v6, v6;
	v54 =	vadd.f32 v7, v19;
	v2 =	vmul.f32 v2, v56;
	v16 =	vld.idx.msk [tilespmem:v16+s2+$0x0], $0xffff  }
0x221: {  	v45 =	vmovc v44;
	v13 =	vadd.f32 v13, v15;
	v7 =	vshll.u32 v17, $0x10;
	v17 =	vshll.u32 v3, $0x10;
	v51 =	vld.idx.msk [tilespmem:v18+s2+$0x0], $0xffff  }
0x222: {  	v19 =	vshll.u32 v57, $0x1;
	v6 =	vadd.f32 v6, v5;
	v15 =	vand.u32 $0xF, v43  }
0x223: {  	v21 =	vor.u32 $0x1, v19;
	v12 =	vsub.f32 v13, v12;
	v20 =	vmul.u32 $0xA, v15  }
0x224: {  	v5 =	vmul.f32 v7, v49;
	v3 =	vand.u32 $0xFFFF0000, v3;
	v7 =	vadd.f32 v4, v6;
	v58 =	vld.idx.msk [tilespmem:v46+s26+$0x0], $0xffff;
	v46 =	vmovc v18  }
0x225: {  	v17 =	vmul.f32 v17, v45;
	v13 =	vand.u32 $0xF, v14;
	v49 =	vmovc v14;
	v4 =	vld.idx.msk [tilespmem:v8+s25+$0x0], $0xffff;
	v8 =	vmul.f32 v12, v12  }
.Ltmp3:
0x226: {  	v3 =	vmul.f32 v3, v52;
	v12 =	vmul.u32 $0xA, v13;
	v14 =	vand.u32 $0xF, v16;
	v44 =	vmovc v16;
	v59 =	vld.idx.msk [tilespmem:v11+s25+$0x0], $0xffff;
	(pc) =	sbr.rel @p0 .LBB2_9-.Ltmp3, $4  }
0x227: {  	v11 =	vand.u32 $0xF, v51;
	v16 =	vmul.u32 $0xA, v14;
	v6 =	vld.idx.msk [tilespmem:v19+s25+$0x0], $0xffff;
	v53 =	vadd.f32 v8, v7  }
0x228: {  	v18 =	vmul.u32 $0xA, v11;
	v7 =	vadd.s32 v11, v12;
	v8 =	vadd.s32 v14, v20;
	v62 =	vld.idx.msk [tilespmem:v21+s25+$0x0], $0xffff  }
0x229: {  	v60 =	vadd.f32 v3, v17;
	v7 =	vshll.u32 v7, $0x1;
	v11 =	vadd.s32 v16, v15;
	v61 =	vld.idx.msk [tilespmem:v42+s26+$0x0], $0xffff;
	v42 =	vmovc v10  }
0x22a: {  	s8 =	sadd.s32 $0x20, s8;
	s14 =	sadd.s32 $0x20, s14;
	v57 =	vadd.s32 v18, v13;
	v63 =	vor.u32 $0x1, v7;
	v3 =	vshll.u32 v11, $0x1;
	v56 =	vld.idx.msk [tilespmem:v9+s26+$0x0], $0xffff  }
0x22b: {  	_ = 	snop  }
0x22c: {  	v8 =	vshll.u32 v8, $0x1  }
0x22d: {  	v2 =	vadd.f32 v2, v5;
	v17 =	vshll.u32 v4, $0x10;
	v19 =	vand.u32 $0xFFFF0000, v4  }
0x22e: {  	v12 =	vshll.u32 v59, $0x10;
	v9 =	vor.u32 $0x1, v8;
	v5 =	vmul.f32 v17, v48  }
0x22f: {  	v11 =	vld.idx.msk [tilespmem:v55+s25+$0x0], $0xffff;
	v10 =	vshll.u32 v6, $0x10;
	v18 =	vand.u32 $0xFFFF0000, v6;
	v12 =	vmul.f32 v12, v48  }
0x230: {  	v7 =	vld.idx.msk [tilespmem:v7+s25+$0x0], $0xffff;
	v17 =	vand.u32 $0xFFFF0000, v59;
	v10 =	vmul.f32 v10, v47;
	v13 =	vand.u32 $0xFFFF0000, v62  }
0x231: {  	v16 =	vld.idx.msk [tilespmem:v63+s25+$0x0], $0xffff;
	v6 =	vmul.f32 v18, v58;
	v14 =	vshll.u32 v62, $0x10;
	v13 =	vmul.f32 v13, v58  }
0x232: {  	v15 =	vld [tilespmem:$0x1AAC0];
	v4 =	vmul.f32 v19, v61;
	v55 =	vmul.f32 v14, v47;
	v14 =	vor.u32 $0x1, v3  }
0x233: {  	v62 =	vmul.f32 v17, v61;
	v47 =	vshll.u32 v57, $0x1;
	v6 =	vadd.f32 v6, v10  }
0x234: {  	v17 =	vld [tilespmem:$0x1B2C0];
	v4 =	vadd.f32 v4, v5;
	v59 =	vadd.f32 v13, v55;
	v63 =	vshll.u32 v11, $0x10  }
0x235: {  	v3 =	vld.idx.msk [tilespmem:v3+s25+$0x0], $0xffff;
	v11 =	vand.u32 $0xFFFF0000, v11;
	v18 =	vshll.u32 v7, $0x10;
	v7 =	vand.u32 $0xFFFF0000, v7  }
0x236: {  	v10 =	vadd.f32 v62, v12;
	v12 =	vld.idx.msk [tilespmem:v50+s26+$0x0], $0xffff;
	v48 =	vand.u32 $0xFFFF0000, v16;
	v50 =	vor.u32 $0x1, v47  }
0x237: {  	v58 =	vsub.f32 v6, v54;
	v11 =	vmul.f32 v11, v52;
	v18 =	vmul.f32 v18, v49  }
0x238: {  	v8 =	vld.idx.msk [tilespmem:v8+s25+$0x0], $0xffff;
	v45 =	vmul.f32 v63, v45;
	v7 =	vmul.f32 v7, v56;
	v52 =	vshll.u32 v16, $0x10  }
0x239: {  	v21 =	vld.idx.msk [tilespmem:v42+s26+$0x0], $0xffff;
	v4 =	vsub.f32 v60, v4;
	v2 =	vsub.f32 v59, v2;
	v5 =	vmul.f32 v58, v58  }
0x23a: {  	v6 =	vadd.f32 v11, v45;
	v19 =	vshll.u32 v3, $0x10;
	v20 =	vld.idx.msk [tilespmem:v15+s2+$0x0], $0xffff;
	v11 =	vmul.f32 v48, v56  }
0x23b: {  	v3 =	vand.u32 $0xFFFF0000, v3;
	v55 =	vld.idx.msk [tilespmem:v47+s25+$0x0], $0xffff;
	v2 =	vmul.f32 v2, v2;
	v4 =	vmul.f32 v4, v4  }
0x23c: {  	v56 =	vld.idx.msk [tilespmem:v46+s26+$0x0], $0xffff;
	v5 =	vadd.f32 v5, v53;
	v6 =	vsub.f32 v6, v10;
	v53 =	vmul.f32 v19, v44  }
0x23d: {  	v3 =	vmul.f32 v3, v12;
	v58 =	vshll.u32 v8, $0x10;
	v8 =	vand.u32 $0xFFFF0000, v8;
	v19 =	vld.idx.msk [tilespmem:v17+s2+$0x0], $0xffff  }
0x23e: {  	v7 =	vadd.f32 v7, v18;
	v10 =	vmul.f32 v52, v49;
	v8 =	vmul.f32 v8, v21  }
0x23f: {  	v2 =	vadd.f32 v2, v5;
	v54 =	vmul.f32 v6, v6;
	v3 =	vadd.f32 v3, v53;
	v5 =	vld.idx.msk [tilespmem:v50+s25+$0x0], $0xffff  }
0x240: {  	v10 =	vadd.f32 v11, v10;
	v11 =	vmul.f32 v58, v43;
	v57 =	vand.u32 $0xF, v20  }
0x241: {  	v22 =	vshll.u32 v55, $0x10;
	v6 =	vand.u32 $0xFFFF0000, v55;
	v59 =	vmul.u32 $0xA, v57  }
0x242: {  	v14 =	vld.idx.msk [tilespmem:v14+s25+$0x0], $0xffff;
	v22 =	vmul.f32 v22, v51;
	v6 =	vmul.f32 v6, v56;
	v60 =	vand.u32 $0xF, v19  }
0x243: {  	v2 =	vadd.f32 v4, v2;
	v16 =	vadd.s32 v59, v60;
	v18 =	vmul.u32 $0xA, v60  }
0x244: {  	v9 =	vld.idx.msk [tilespmem:v9+s25+$0x0], $0xffff;
	v6 =	vadd.f32 v6, v22;
	v62 =	vand.u32 $0xFFFF0000, v5;
	v16 =	vshll.u32 v16, $0x1  }
0x245: {  	v5 =	vshll.u32 v5, $0x10;
	v4 =	vadd.s32 v57, v18;
	v61 =	vor.u32 $0x1, v16  }
0x246: {  	v13 =	vmul.f32 v62, v56;
	v5 =	vmul.f32 v5, v51;
	v4 =	vshll.u32 v4, $0x1  }
0x247: {  	v47 =	vand.u32 $0xFFFF0000, v14;
	v48 =	vshll.u32 v14, $0x10;
	v8 =	vadd.f32 v8, v11  }
0x248: {  	v50 =	vld.idx.msk [tilespmem:v15+s26+$0x0], $0xffff;
	v49 =	vmul.f32 v47, v12;
	v6 =	vsub.f32 v6, v7;
	v5 =	vadd.f32 v13, v5  }
0x249: {  	v2 =	vadd.f32 v54, v2;
	v22 =	vshll.u32 v9, $0x10;
	v42 =	vor.u32 $0x1, v4;
	v63 =	vld.idx.msk [tilespmem:v16+s25+$0x0], $0xffff  }
0x24a: {  	v9 =	vand.u32 $0xFFFF0000, v9;
	v6 =	vmul.f32 v6, v6;
	v5 =	vsub.f32 v5, v10;
	v46 =	vld.idx.msk [tilespmem:v61+s25+$0x0], $0xffff  }
0x24b: {  	v3 =	vsub.f32 v3, v8;
	v45 =	vmul.f32 v22, v43;
	v9 =	vmul.f32 v9, v21;
	v4 =	vld.idx.msk [tilespmem:v4+s25+$0x0], $0xffff  }
0x24c: {  	v51 =	vmul.f32 v48, v44;
	v2 =	vadd.f32 v6, v2;
	v5 =	vmul.f32 v5, v5  }
0x24d: {  	v52 =	vld.idx.msk [tilespmem:v17+s26+$0x0], $0xffff;
	v3 =	vmul.f32 v3, v3;
	v9 =	vadd.f32 v9, v45  }
0x24e: {  	v6 =	vadd.f32 v49, v51;
	v13 =	vld.idx.msk [tilespmem:v42+s25+$0x0], $0xffff;
	v2 =	vadd.f32 v5, v2;
	v53 =	vshll.u32 v63, $0x10  }
0x24f: {  	v7 =	vand.u32 $0xFFFF0000, v63;
	v54 =	vshll.u32 v46, $0x10;
	v5 =	vmul.f32 v53, v20  }
0x250: {  	v7 =	vmul.f32 v7, v50;
	v11 =	vand.u32 $0xFFFF0000, v46;
	v55 =	vshll.u32 v4, $0x10  }
0x251: {  	v4 =	vand.u32 $0xFFFF0000, v4;
	v57 =	vmul.f32 v54, v20;
	v58 =	vmul.f32 v11, v50  }
0x252: {  	v6 =	vsub.f32 v6, v9;
	v14 =	vmul.f32 v55, v19;
	v4 =	vmul.f32 v4, v52  }
0x253: {  	v56 =	vshll.u32 v13, $0x10;
	v13 =	vand.u32 $0xFFFF0000, v13;
	v5 =	vadd.f32 v7, v5  }
0x254: {  	v59 =	vmul.f32 v56, v19;
	v10 =	vmul.f32 v13, v52;
	v4 =	vadd.f32 v4, v14  }
0x255: {  	v2 =	vadd.f32 v3, v2;
	v61 =	vadd.f32 v58, v57  }
0x256: {  	s11 =	sadd.s32 $0x1, s11;
	v60 =	vmul.f32 v6, v6;
	v62 =	vadd.f32 v10, v59;
	v3 =	vsub.f32 v5, v4  }
0x257: {  	p0 =	sne.s32 s11, $0xC  }
.Ltmp4:
0x258: {  	v2 =	vadd.f32 v60, v2;
	v63 =	vsub.f32 v61, v62;
	v3 =	vmul.f32 v3, v3;
	(pc) =	sbr.rel @p0 .LBB2_6-.Ltmp4, $3  }
0x259: {  	_ = 	snop  }
0x25a: {  	v2 =	vadd.f32 v3, v2;
	v3 =	vmul.f32 v63, v63;
	_ =	sdelay $0x1  }
0x25b: {  	v42 =	vadd.f32 v3, v2  }
0x25c: {  	_ =	swait.ge [sflag:s0], $0x7D0  }
0x25d: {  	[sflag:s0] =	ssyncset.done $0x0  }
0x25e: {  	[sflag:s0] =	ssyncadd.s32 $0xFFFFF830  }
0x25f: {  	_ =	swait.ge [sflag:s0], $0x7D0  }
0x260: {  	[sflag:s0] =	ssyncset.done $0x0  }
0x261: {  	s8 =	simm.s32 $0x19B10;
	[sflag:s0] =	ssyncadd.s32 $0xFFFFF830  }
0x262: {  	v2 =	vld [tilespmem:s8+$0xFFFFFFF0]  }
0x263: {  	s11 =	simm.s32 $0x19310  }
0x264: {  	v3 =	vld [tilespmem:s11+$0xFFFFFFF0];
	_ =	sdelay $0x1  }
0x265: {  	v4 =	vld [tilespmem:s11+$0x0];
	_ =	sdelay $0x1  }
0x266: {  	v9 =	vld [tilespmem:s8+$0x0];
	_ =	sdelay $0x1  }
0x267: {  	v5 =	vld.idx.msk [tilespmem:v2+s2+$0x0], $0xffff;
	_ =	sdelay $0x1  }
0x268: {  	s24 =	simm.s32 $0x19330;
	v52 =	vld.idx.msk [tilespmem:v3+s2+$0x0], $0xffff  }
0x269: {  	v49 =	vld [tilespmem:s24+$0x0]  }
0x26a: {  	v48 =	vld.idx.msk [tilespmem:v4+s2+$0x0], $0xffff  }
0x26b: {  	v46 =	vld [tilespmem:s24+$0xFFFFFFF0];
	v6 =	vand.u32 $0xF, v5  }
0x26c: {  	v51 =	vld.idx.msk [tilespmem:v9+s2+$0x0], $0xffff;
	v7 =	vmul.u32 $0xA, v6  }
0x26d: {  	v8 =	vand.u32 $0xF, v52  }
0x26e: {  	v7 =	vadd.s32 v8, v7  }
0x26f: {  	s20 =	simm.s32 $0x19B30;
	v10 =	vand.u32 $0xF, v48;
	v7 =	vshll.u32 v7, $0x1  }
0x270: {  	v43 =	vld [tilespmem:s20+$0x0];
	v11 =	vmul.u32 $0xA, v10  }
0x271: {  	v14 =	vld [tilespmem:s20+$0xFFFFFFF0];
	v12 =	vand.u32 $0xF, v51  }
0x272: {  	v45 =	vld.idx.msk [tilespmem:v49+s2+$0x0], $0xffff;
	v11 =	vadd.s32 v11, v12;
	v13 =	vor.u32 $0x1, v7  }
0x273: {  	v50 =	vld.idx.msk [tilespmem:v46+s2+$0x0], $0xffff;
	v11 =	vshll.u32 v11, $0x1  }
0x274: {  	v7 =	vld.idx.msk [tilespmem:v7+s25+$0x0], $0xffff  }
0x275: {  	v2 =	vld.idx.msk [tilespmem:v2+s26+$0x0], $0xffff;
	_ =	sdelay $0x1  }
0x276: {  	v16 =	vand.u32 $0xF, v45;
	v12 =	vmul.u32 $0xA, v12;
	v13 =	vld.idx.msk [tilespmem:v13+s25+$0x0], $0xffff  }
0x277: {  	v17 =	vand.u32 $0xF, v50;
	v18 =	vmul.u32 $0xA, v16;
	v8 =	vmul.u32 $0xA, v8;
	v15 =	vld.idx.msk [tilespmem:v11+s25+$0x0], $0xffff  }
0x278: {  	v47 =	vld.idx.msk [tilespmem:v14+s2+$0x0], $0xffff;
	v10 =	vadd.s32 v10, v12;
	v61 =	vshll.u32 v7, $0x10;
	v7 =	vand.u32 $0xFFFF0000, v7  }
0x279: {  	v44 =	vld.idx.msk [tilespmem:v43+s2+$0x0], $0xffff;
	v10 =	vshll.u32 v10, $0x1;
	v12 =	vmul.f32 v61, v5;
	v7 =	vmul.f32 v7, v2  }
0x27a: {  	v53 =	vld.idx.msk [tilespmem:v4+s26+$0x0], $0xffff;
	v19 =	vmul.u32 $0xA, v17;
	v4 =	vadd.s32 v8, v6;
	v6 =	vor.u32 $0x1, v10  }
0x27b: {  	v8 =	vand.u32 $0xFFFF0000, v13;
	v54 =	vadd.f32 v7, v12;
	v7 =	vshll.u32 v4, $0x1  }
0x27c: {  	v58 =	vld.idx.msk [tilespmem:v3+s26+$0x0], $0xffff;
	v3 =	vand.u32 $0xFFFF0000, v15;
	v2 =	vmul.f32 v8, v2;
	v62 =	vor.u32 $0x1, v7  }
0x27d: {  	v56 =	vld.idx.msk [tilespmem:v14+s26+$0x0], $0xffff;
	v8 =	vshll.u32 v15, $0x10;
	v15 =	vand.u32 $0xF, v47;
	v4 =	vshll.u32 v13, $0x10  }
0x27e: {  	v5 =	vmul.f32 v4, v5;
	v4 =	vld.idx.msk [tilespmem:v10+s25+$0x0], $0xffff;
	v10 =	vmul.f32 v8, v48;
	v8 =	vmul.u32 $0xA, v15  }
0x27f: {  	v55 =	vor.u32 $0x1, v11;
	v11 =	vand.u32 $0xF, v44;
	v59 =	vld.idx.msk [tilespmem:v6+s25+$0x0], $0xffff;
	v3 =	vmul.f32 v3, v53  }
0x280: {  	v63 =	vmul.u32 $0xA, v11;
	v11 =	vadd.s32 v18, v11;
	v6 =	vld.idx.msk [tilespmem:v7+s25+$0x0], $0xffff;
	v7 =	vadd.s32 v17, v8  }
0x281: {  	v57 =	vadd.s32 v19, v15;
	v60 =	vadd.f32 v3, v10;
	v62 =	vld.idx.msk [tilespmem:v62+s25+$0x0], $0xffff;
	v7 =	vshll.u32 v7, $0x1  }
0x282: {  	s13 =	simm.s32 $0x19350;
	s11 =	simm.s32 $0x2;
	s8 =	simm.s32 $0x19B50;
	v61 =	vld.idx.msk [tilespmem:v9+s26+$0x0], $0xffff;
	v3 =	vshll.u32 v11, $0x1;
	v8 =	vadd.s32 v16, v63;
	v63 =	vor.u32 $0x1, v7  }
.LBB2_12:
0x283: {  	v9 =	vld [tilespmem:s8+$0xFFFFFFF0];
	s11 =	sadd.s32 $0x2, s11;
	v8 =	vshll.u32 v8, $0x1;
	v2 =	vadd.f32 v2, v5;
	v5 =	vshll.u32 v4, $0x10  }
0x284: {  	v4 =	vand.u32 $0xFFFF0000, v4;
	v10 =	vld [tilespmem:s8+$0x0];
	p0 =	slt.u32 s11, $0x7A;
	v11 =	vor.u32 $0x1, v8;
	v5 =	vmul.f32 v5, v51  }
0x285: {  	v14 =	vshll.u32 v59, $0x10;
	v12 =	vshll.u32 v6, $0x10;
	v6 =	vand.u32 $0xFFFF0000, v6;
	v13 =	vld.idx.msk [tilespmem:v55+s25+$0x0], $0xffff  }
0x286: {  	v15 =	vand.u32 $0xFFFF0000, v62;
	v12 =	vmul.f32 v12, v52;
	v6 =	vmul.f32 v6, v58;
	v7 =	vld.idx.msk [tilespmem:v7+s25+$0x0], $0xffff  }
0x287: {  	v17 =	vshll.u32 v62, $0x10;
	v15 =	vmul.f32 v15, v58;
	v4 =	vmul.f32 v4, v61;
	v16 =	vld [tilespmem:s13+$0x0]  }
0x288: {  	v14 =	vmul.f32 v14, v51;
	v51 =	vmovc v44;
	v6 =	vadd.f32 v6, v12;
	v12 =	vmul.f32 v17, v52;
	v18 =	vld [tilespmem:s13+$0xFFFFFFF0]  }
0x289: {  	v19 =	vand.u32 $0xFFFF0000, v59;
	v55 =	vor.u32 $0x1, v3;
	v52 =	vmovc v50;
	v4 =	vadd.f32 v4, v5;
	v17 =	vld.idx.msk [tilespmem:v63+s25+$0x0], $0xffff  }
0x28a: {  	v5 =	vsub.f32 v6, v54;
	v6 =	vadd.f32 v15, v12;
	v12 =	vmul.f32 v19, v61;
	v3 =	vld.idx.msk [tilespmem:v3+s25+$0x0], $0xffff  }
0x28b: {  	v15 =	vshll.u32 v13, $0x10;
	v13 =	vand.u32 $0xFFFF0000, v13;
	v4 =	vsub.f32 v60, v4  }
0x28c: {  	v19 =	vshll.u32 v7, $0x10;
	v5 =	vmul.f32 v5, v5;
	v13 =	vmul.f32 v13, v53;
	v44 =	vld.idx.msk [tilespmem:v10+s2+$0x0], $0xffff  }
0x28d: {  	v7 =	vand.u32 $0xFFFF0000, v7;
	v12 =	vadd.f32 v12, v14;
	v19 =	vmul.f32 v19, v47  }
0x28e: {  	v6 =	vsub.f32 v6, v2;
	v7 =	vmul.f32 v7, v56;
	v5 =	vadd.f32 v5, v42;
	v14 =	vld.idx.msk [tilespmem:v9+s2+$0x0], $0xffff  }
0x28f: {  	v15 =	vmul.f32 v15, v48;
	v4 =	vmul.f32 v4, v4;
	v2 =	vand.u32 $0xFFFF0000, v17;
	v53 =	vld.idx.msk [tilespmem:v49+s26+$0x0], $0xffff;
	v49 =	vmovc v16  }
0x290: {  	v6 =	vmul.f32 v6, v6;
	v54 =	vadd.f32 v7, v19;
	v2 =	vmul.f32 v2, v56;
	v16 =	vld.idx.msk [tilespmem:v16+s2+$0x0], $0xffff  }
0x291: {  	v48 =	vmovc v45;
	v13 =	vadd.f32 v13, v15;
	v7 =	vshll.u32 v17, $0x10;
	v17 =	vshll.u32 v3, $0x10;
	v50 =	vld.idx.msk [tilespmem:v18+s2+$0x0], $0xffff  }
0x292: {  	v19 =	vshll.u32 v57, $0x1;
	v6 =	vadd.f32 v6, v5;
	v15 =	vand.u32 $0xF, v44  }
0x293: {  	v21 =	vor.u32 $0x1, v19;
	v12 =	vsub.f32 v13, v12;
	v20 =	vmul.u32 $0xA, v15  }
0x294: {  	v5 =	vmul.f32 v7, v47;
	v3 =	vand.u32 $0xFFFF0000, v3;
	v7 =	vadd.f32 v4, v6;
	v58 =	vld.idx.msk [tilespmem:v46+s26+$0x0], $0xffff;
	v46 =	vmovc v18  }
0x295: {  	v17 =	vmul.f32 v17, v48;
	v13 =	vand.u32 $0xF, v14;
	v47 =	vmovc v14;
	v4 =	vld.idx.msk [tilespmem:v8+s25+$0x0], $0xffff;
	v8 =	vmul.f32 v12, v12  }
.Ltmp5:
0x296: {  	v3 =	vmul.f32 v3, v53;
	v12 =	vmul.u32 $0xA, v13;
	v14 =	vand.u32 $0xF, v16;
	v45 =	vmovc v16;
	v59 =	vld.idx.msk [tilespmem:v11+s25+$0x0], $0xffff;
	(pc) =	sbr.rel @p0 .LBB2_12-.Ltmp5, $4  }
0x297: {  	v11 =	vand.u32 $0xF, v50;
	v16 =	vmul.u32 $0xA, v14;
	v6 =	vld.idx.msk [tilespmem:v19+s25+$0x0], $0xffff;
	v42 =	vadd.f32 v8, v7  }
0x298: {  	v18 =	vmul.u32 $0xA, v11;
	v7 =	vadd.s32 v11, v12;
	v8 =	vadd.s32 v14, v20;
	v62 =	vld.idx.msk [tilespmem:v21+s25+$0x0], $0xffff  }
0x299: {  	v60 =	vadd.f32 v3, v17;
	v7 =	vshll.u32 v7, $0x1;
	v11 =	vadd.s32 v16, v15;
	v61 =	vld.idx.msk [tilespmem:v43+s26+$0x0], $0xffff;
	v43 =	vmovc v10  }
0x29a: {  	s8 =	sadd.s32 $0x20, s8;
	s13 =	sadd.s32 $0x20, s13;
	v57 =	vadd.s32 v18, v13;
	v63 =	vor.u32 $0x1, v7;
	v3 =	vshll.u32 v11, $0x1;
	v56 =	vld.idx.msk [tilespmem:v9+s26+$0x0], $0xffff  }
0x29b: {  	_ = 	snop  }
0x29c: {  	v8 =	vshll.u32 v8, $0x1  }
0x29d: {  	v2 =	vadd.f32 v2, v5;
	v17 =	vshll.u32 v4, $0x10;
	v19 =	vand.u32 $0xFFFF0000, v4  }
0x29e: {  	v12 =	vshll.u32 v59, $0x10;
	v9 =	vor.u32 $0x1, v8;
	v5 =	vmul.f32 v17, v51  }
0x29f: {  	v11 =	vld.idx.msk [tilespmem:v55+s25+$0x0], $0xffff;
	v10 =	vshll.u32 v6, $0x10;
	v18 =	vand.u32 $0xFFFF0000, v6;
	v12 =	vmul.f32 v12, v51  }
0x2a0: {  	v7 =	vld.idx.msk [tilespmem:v7+s25+$0x0], $0xffff;
	v17 =	vand.u32 $0xFFFF0000, v59;
	v10 =	vmul.f32 v10, v52;
	v6 =	vmul.f32 v18, v58  }
0x2a1: {  	v16 =	vld.idx.msk [tilespmem:v63+s25+$0x0], $0xffff;
	v13 =	vand.u32 $0xFFFF0000, v62;
	v14 =	vshll.u32 v62, $0x10;
	v4 =	vmul.f32 v19, v61  }
0x2a2: {  	v15 =	vld [tilespmem:$0x19AC0];
	v13 =	vmul.f32 v13, v58;
	v55 =	vmul.f32 v14, v52;
	v14 =	vor.u32 $0x1, v3  }
0x2a3: {  	v62 =	vmul.f32 v17, v61;
	v6 =	vadd.f32 v6, v10;
	v4 =	vadd.f32 v4, v5  }
0x2a4: {  	v17 =	vld [tilespmem:$0x1A2C0];
	v59 =	vadd.f32 v13, v55;
	v63 =	vshll.u32 v11, $0x10;
	v11 =	vand.u32 $0xFFFF0000, v11  }
0x2a5: {  	v3 =	vld.idx.msk [tilespmem:v3+s25+$0x0], $0xffff;
	v18 =	vshll.u32 v7, $0x10;
	v7 =	vand.u32 $0xFFFF0000, v7;
	v10 =	vadd.f32 v62, v12  }
0x2a6: {  	v12 =	vld.idx.msk [tilespmem:v49+s26+$0x0], $0xffff;
	v49 =	vand.u32 $0xFFFF0000, v16;
	v52 =	vshll.u32 v16, $0x10;
	v11 =	vmul.f32 v11, v53  }
0x2a7: {  	v58 =	vsub.f32 v6, v54;
	v18 =	vmul.f32 v18, v47;
	v19 =	vmul.f32 v63, v48  }
0x2a8: {  	v8 =	vld.idx.msk [tilespmem:v8+s25+$0x0], $0xffff;
	v7 =	vmul.f32 v7, v56;
	v48 =	vshll.u32 v57, $0x1;
	v4 =	vsub.f32 v60, v4  }
0x2a9: {  	v21 =	vld.idx.msk [tilespmem:v43+s26+$0x0], $0xffff;
	v2 =	vsub.f32 v59, v2;
	v51 =	vor.u32 $0x1, v48;
	v5 =	vmul.f32 v58, v58  }
0x2aa: {  	v6 =	vadd.f32 v11, v19;
	v19 =	vshll.u32 v3, $0x10;
	v20 =	vld.idx.msk [tilespmem:v15+s2+$0x0], $0xffff;
	v11 =	vmul.f32 v49, v56  }
0x2ab: {  	v3 =	vand.u32 $0xFFFF0000, v3;
	v2 =	vmul.f32 v2, v2;
	v4 =	vmul.f32 v4, v4  }
0x2ac: {  	v53 =	vmul.f32 v19, v45;
	v5 =	vadd.f32 v5, v42;
	v6 =	vsub.f32 v6, v10;
	v19 =	vld.idx.msk [tilespmem:v17+s2+$0x0], $0xffff  }
0x2ad: {  	v3 =	vmul.f32 v3, v12;
	v59 =	vshll.u32 v8, $0x10;
	v8 =	vand.u32 $0xFFFF0000, v8;
	v55 =	vld.idx.msk [tilespmem:v48+s25+$0x0], $0xffff  }
0x2ae: {  	v57 =	vld.idx.msk [tilespmem:v46+s26+$0x0], $0xffff;
	v7 =	vadd.f32 v7, v18;
	v10 =	vmul.f32 v52, v47;
	v8 =	vmul.f32 v8, v21  }
0x2af: {  	v2 =	vadd.f32 v2, v5;
	v54 =	vmul.f32 v6, v6;
	v5 =	vld.idx.msk [tilespmem:v51+s25+$0x0], $0xffff;
	v58 =	vand.u32 $0xF, v20  }
0x2b0: {  	v3 =	vadd.f32 v3, v53;
	v10 =	vadd.f32 v11, v10;
	v60 =	vmul.u32 $0xA, v58  }
0x2b1: {  	v11 =	vmul.f32 v59, v44;
	v2 =	vadd.f32 v4, v2;
	v61 =	vand.u32 $0xF, v19  }
0x2b2: {  	v14 =	vld.idx.msk [tilespmem:v14+s25+$0x0], $0xffff;
	v22 =	vshll.u32 v55, $0x10;
	v6 =	vand.u32 $0xFFFF0000, v55;
	v16 =	vadd.s32 v60, v61  }
0x2b3: {  	v18 =	vmul.u32 $0xA, v61;
	v22 =	vmul.f32 v22, v50;
	v6 =	vmul.f32 v6, v57  }
0x2b4: {  	v9 =	vld.idx.msk [tilespmem:v9+s25+$0x0], $0xffff;
	v63 =	vand.u32 $0xFFFF0000, v5;
	v5 =	vshll.u32 v5, $0x10;
	v16 =	vshll.u32 v16, $0x1  }
0x2b5: {  	v13 =	vmul.f32 v63, v57;
	v4 =	vadd.s32 v58, v18;
	v62 =	vor.u32 $0x1, v16  }
0x2b6: {  	v5 =	vmul.f32 v5, v50;
	v6 =	vadd.f32 v6, v22;
	v4 =	vshll.u32 v4, $0x1  }
0x2b7: {  	v47 =	vand.u32 $0xFFFF0000, v14;
	v48 =	vshll.u32 v14, $0x10;
	v8 =	vadd.f32 v8, v11  }
0x2b8: {  	v49 =	vmul.f32 v47, v12;
	v50 =	vld.idx.msk [tilespmem:v15+s26+$0x0], $0xffff;
	v5 =	vadd.f32 v13, v5;
	v6 =	vsub.f32 v6, v7  }
0x2b9: {  	v2 =	vadd.f32 v54, v2;
	v22 =	vshll.u32 v9, $0x10;
	v43 =	vor.u32 $0x1, v4;
	v42 =	vld.idx.msk [tilespmem:v16+s25+$0x0], $0xffff  }
0x2ba: {  	v9 =	vand.u32 $0xFFFF0000, v9;
	v5 =	vsub.f32 v5, v10;
	v6 =	vmul.f32 v6, v6;
	v46 =	vld.idx.msk [tilespmem:v62+s25+$0x0], $0xffff  }
0x2bb: {  	v3 =	vsub.f32 v3, v8;
	v44 =	vmul.f32 v22, v44;
	v9 =	vmul.f32 v9, v21;
	v4 =	vld.idx.msk [tilespmem:v4+s25+$0x0], $0xffff  }
0x2bc: {  	v51 =	vmul.f32 v48, v45;
	v5 =	vmul.f32 v5, v5;
	v2 =	vadd.f32 v6, v2  }
0x2bd: {  	v52 =	vld.idx.msk [tilespmem:v17+s26+$0x0], $0xffff;
	v3 =	vmul.f32 v3, v3;
	v9 =	vadd.f32 v9, v44  }
0x2be: {  	v6 =	vadd.f32 v49, v51;
	v13 =	vld.idx.msk [tilespmem:v43+s25+$0x0], $0xffff;
	v2 =	vadd.f32 v5, v2;
	v53 =	vshll.u32 v42, $0x10  }
0x2bf: {  	v7 =	vand.u32 $0xFFFF0000, v42;
	v54 =	vshll.u32 v46, $0x10;
	v5 =	vmul.f32 v53, v20  }
0x2c0: {  	v7 =	vmul.f32 v7, v50;
	v11 =	vand.u32 $0xFFFF0000, v46;
	v55 =	vshll.u32 v4, $0x10  }
0x2c1: {  	v4 =	vand.u32 $0xFFFF0000, v4;
	v57 =	vmul.f32 v54, v20;
	v58 =	vmul.f32 v11, v50  }
0x2c2: {  	v6 =	vsub.f32 v6, v9;
	v14 =	vmul.f32 v55, v19;
	v4 =	vmul.f32 v4, v52  }
0x2c3: {  	v56 =	vshll.u32 v13, $0x10;
	v13 =	vand.u32 $0xFFFF0000, v13;
	v5 =	vadd.f32 v7, v5  }
0x2c4: {  	v59 =	vmul.f32 v56, v19;
	v10 =	vmul.f32 v13, v52;
	v4 =	vadd.f32 v4, v14  }
0x2c5: {  	v2 =	vadd.f32 v3, v2;
	v61 =	vadd.f32 v58, v57  }
0x2c6: {  	v60 =	vmul.f32 v6, v6;
	v62 =	vadd.f32 v10, v59;
	v3 =	vsub.f32 v5, v4;
	_ =	sdelay $0x1  }
0x2c7: {  	v2 =	vadd.f32 v60, v2;
	v63 =	vsub.f32 v61, v62;
	v3 =	vmul.f32 v3, v3;
	_ =	sdelay $0x1  }
0x2c8: {  	v2 =	vadd.f32 v3, v2;
	v3 =	vmul.f32 v63, v63;
	_ =	sdelay $0x1  }
0x2c9: {  	v2 =	vadd.f32 v3, v2;
	_ =	sdelay $0x1  }
0x2ca: {  	s8 =	rddreg [dreg:$0x7];
	s11 =	simm.s32 $0x1B300;
	[tilespmem:$0x1B300] =	vst v2  }
0x2cb: {  	[hbm4b:s8+s2] =	stream.linear.scatter [tilespmem:s11], [sflag:$0x4], $0x80, $0x38;
	[tilespmem:$0x1DE00] =	vst v63  }
0x2cc: {  	_ =	swait.ge [sflag:s23], $0x80  }
0x2cd: {  	s20 =	rddreg [dreg:$0x9]  }
0x2ce: {  	s24 =	rddreg [dreg:$0x8];
	s11 =	sadd.s32 $0x1, s20  }
0x2cf: {  	p0 =	sne.s32 s11, s24  }
.Ltmp6:
0x2d0: {  	_ = 	snop;
	(pc) =	sbr.rel @p0 .LBB2_1-.Ltmp6, $3  }
0x2d1: {  	_ =	sdelay $0x1  }
0x2d2: {  	[sflag:s23] =	ssyncset.done $0x0  }
0x2d3: {  	[sflag:s23] =	ssyncadd.s32 $0xFFFFFF80  }
0x2d4: {  	_ =	sfence.sel $0x180000  }
0x2d5: {  	[bflag:$0x0] =	sbarrier.arrive $0xFFFF  }
0x2d6: {  	_ =	strace $0x9000004A  }
0x2d7: {  	s0 =	stileid.u32;
	[bflag:$0x2] =	sbarrier.arrive $0xFFFF  }
0x2d8: {  	p0 =	sne.s32 s0, $0x0;
	s0 =	rddreg [dreg:$0x2]  }
0x2d9: {  	s0 =	sadd.s32 @!p0 $0x100000, s0  }
0x2da: {  	[sflag:s0] =	ssyncadd.tile.s32 @!p0 $0x1;
	_ =	shalt  }
.Lfunc_end2:
_tile_overlayer_lowered:
.L_overlay_start_2:
0x2db: {  	(tag) =	ssettag $0x2  }
0x2dc: {  	s0 =	rddreg [dreg:$0x0];
	s2 =	stileid.u32  }
0x2dd: {  	s1 =	rddreg [dreg:$0x1];
	p0 =	sne.s32 s2, $0x0  }
0x2de: {  	s3 =	rddreg [dreg:$0x2];
	[bflag:$0x3] =	sbarrier.arrive $0xFFFF;
	s2 =	simm.s32 @!p0 $0x1C04  }
0x2df: {  	[timem:s3], [sflag:s2] =	dma.local @!p0 [hbm:s0], s1  }
0x2e0: {  	s0 =	simm.s32 @!p0 $0x4  }
0x2e1: {  	_ =	swait.ge @!p0 [sflag:s0], s1  }
0x2e2: {  	s1 =	ssub.s32 @!p0 $0x0, s1;
	[sflag:s0] =	ssyncset.done @!p0 $0x0  }
0x2e3: {  	[sflag:s0] =	ssyncadd.s32 @!p0 s1  }
0x2e4: {  	[bflag:$0x3] =	sbarrier.arrive $0xFFFF  }
0x2e5: {  	_ =	shalt  }

</sc_bundles>
